<compile_context>
chip_gen: v7x
topology: tpu7x:2x2x1
jax: 0.10.2.dev20260603
libtpu: 0.0.44.dev20260713+nightly
codegen_flags: <defaults>
</compile_context>

<pallas_src>
import functools

import jax
import jax.numpy as jnp
from jax import lax
from jax.experimental import pallas as pl
from jax.experimental.pallas import tpu as pltpu
from jax.experimental.pallas import tpu_sc as plsc

NC, NS = 2, 16
NW = NC * NS
CHUNK = 80
LANE = 128
TAILW = 128


@functools.partial(jax.jit, static_argnames=("n_per_w", "n_chunks", "d", "v"))
def _sc_gather(idx, table_main, *, n_per_w, n_chunks, d, v):
    n = idx.shape[0]
    mesh = plsc.VectorSubcoreMesh(
        core_axis_name="c", subcore_axis_name="s", num_cores=NC,
        num_subcores=NS)

    @functools.partial(
        pl.kernel,
        out_type=jax.ShapeDtypeStruct((n, d), jnp.float32),
        mesh=mesh,
        scratch_types=[
            [pltpu.VMEM((CHUNK,), jnp.int32) for _ in range(2)],
            [pltpu.VMEM((CHUNK,), jnp.int32) for _ in range(2)],
            [pltpu.VMEM((CHUNK,), jnp.int32) for _ in range(2)],
            [pltpu.VMEM((CHUNK,), jnp.int32) for _ in range(2)],
            [pltpu.VMEM((CHUNK, d), jnp.float32) for _ in range(2)],
            [pltpu.VMEM((CHUNK, TAILW), jnp.float32) for _ in range(2)],
            [pltpu.SemaphoreType.DMA for _ in range(2)],
            [pltpu.SemaphoreType.DMA for _ in range(2)],
            [pltpu.SemaphoreType.DMA for _ in range(2)],
        ],
        compiler_params=pltpu.CompilerParams(use_tc_tiling_on_sc=True,
                                             needs_layout_passes=False),
    )
    def k(idx_hbm, tmain_hbm, out_hbm, idx_v, e0_v, e1_v, e2_v, rows_v,
          tail_v, sem_i, sem_g, sem_w):
        wid = lax.axis_index("s") * NC + lax.axis_index("c")
        base = wid * n_per_w
        ntile = d // LANE
        tail = d - ntile * LANE
        lanes = lax.iota(jnp.int32, 16)
        tail_mask = lanes < tail - 32

        def fire_idx(i, b):
            off = base + i * CHUNK
            pltpu.async_copy(idx_hbm.at[pl.ds(off, CHUNK)], idx_v[b],
                             sem_i[b])

        def wait_idx(b):
            pltpu.make_async_copy(idx_hbm.at[pl.ds(0, CHUNK)], idx_v[b],
                                  sem_i[b]).wait()

        def exp_fire_gathers(b):
            for t in range(CHUNK // 16):
                sl = pl.ds(16 * t, 16)
                e = idx_v[b][sl]
                e0_v[b][sl] = e
                e1_v[b][sl] = e + v
                e2_v[b][sl] = e + 2 * v
            pltpu.async_copy(tmain_hbm.at[e0_v[b]],
                             rows_v[b].at[:, pl.ds(0, LANE)], sem_g[b])
            pltpu.async_copy(tmain_hbm.at[e1_v[b]],
                             rows_v[b].at[:, pl.ds(LANE, LANE)], sem_g[b])
            pltpu.async_copy(tmain_hbm.at[e2_v[b]], tail_v[b], sem_g[b])

        def wait_gathers(b):
            pltpu.make_async_copy(tmain_hbm.at[e0_v[b]],
                                  rows_v[b].at[:, pl.ds(0, LANE)],
                                  sem_g[b]).wait()
            pltpu.make_async_copy(tmain_hbm.at[e1_v[b]],
                                  rows_v[b].at[:, pl.ds(LANE, LANE)],
                                  sem_g[b]).wait()
            pltpu.make_async_copy(tmain_hbm.at[e2_v[b]], tail_v[b],
                                  sem_g[b]).wait()

        def bridge(b):
            unroll = 8

            def tail_body(rq, c):
                for u in range(unroll):
                    r = rq * unroll + u
                    rows_v[b][r, pl.ds(ntile * LANE, 16)] = \
                        tail_v[b][r, pl.ds(0, 16)]
                    rows_v[b][r, pl.ds(ntile * LANE + 16, 16)] = \
                        tail_v[b][r, pl.ds(16, 16)]
                    plsc.store_scatter(
                        rows_v[b],
                        [jnp.broadcast_to(r, (16,)),
                         ntile * LANE + 32 + lanes],
                        tail_v[b][r, pl.ds(32, 16)],
                        mask=tail_mask)
                return c

            lax.fori_loop(0, CHUNK // unroll, tail_body, 0)

        def fire_write(i, b):
            off = base + i * CHUNK
            pltpu.async_copy(rows_v[b], out_hbm.at[pl.ds(off, CHUNK)],
                             sem_w[b])

        def wait_write(b):
            pltpu.make_async_copy(rows_v[b], out_hbm.at[pl.ds(0, CHUNK)],
                                  sem_w[b]).wait()

        def pair(p, first):
            for b in (0, 1):
                i = 2 * p + b
                nxt = lax.rem(i + 1, n_chunks)
                if not (first and b == 0):
                    wait_write(1 - b)
                fire_idx(nxt, 1 - b)
                wait_gathers(b)
                bridge(b)
                fire_write(i, b)
                wait_idx(1 - b)
                exp_fire_gathers(1 - b)

        fire_idx(0, 0)
        wait_idx(0)
        exp_fire_gathers(0)
        pair(0, True)
        lax.fori_loop(1, n_chunks // 2, lambda p, c: (pair(p, False), c)[1],
                      0)
        wait_gathers(0)
        wait_write(1)

    return k(idx, table_main)


def kernel(input, table):
    b, h = input.shape
    v, d = table.shape
    n = b * h
    assert n % (NW * CHUNK) == 0
    n_per_w = n // NW
    idx = input.reshape(n).astype(jnp.int32)
    nseg = (d + LANE - 1) // LANE
    table_main = jnp.concatenate(
        [table[:, 0 * LANE:1 * LANE], table[:, 1 * LANE:2 * LANE],
         jnp.pad(table[:, 2 * LANE:], ((0, 0), (0, nseg * LANE - d)))],
        axis=0)
    out = _sc_gather(idx, table_main, n_per_w=n_per_w,
                     n_chunks=n_per_w // CHUNK, d=d, v=v)
    return out.reshape(b, h, d)

# --- scband reference (transcript-rebuilt; emitter-appended) ---
"""Pipeline reference for scband-word2-vec-8074538516820 (READ-ONLY COPY).

The authoritative reference and input builder live on the scoring server;
editing this copy changes nothing except your own understanding.
"""

import jax, jax.numpy as jnp
import numpy as np

NUM_EMBEDDINGS = 100000
EMBEDDING_DIM = 300
BATCH = 4096
HIST_LEN = 200


def setup_inputs(seed: int = 0) -> dict:
    key = jax.random.key(seed)
    k_idx, k_tab = jax.random.split(key)
    input_ids = jax.random.randint(k_idx, (BATCH, HIST_LEN), 0, NUM_EMBEDDINGS, dtype=jnp.int64 if jax.config.jax_enable_x64 else jnp.int32)
    # Pretrained-word2vec-style embedding table (random stand-in for KeyedVectors weights)
    table = jax.random.normal(k_tab, (NUM_EMBEDDINGS, EMBEDDING_DIM), dtype=jnp.float32)
    return {"input": input_ids, "table": table}


def reference(input, table):
    # nn.Embedding forward: row gather from the embedding table
    return jnp.take(table, input, axis=0)

if __name__ == "__main__":
    import jax
    _d = setup_inputs()
    print(jax.jit(kernel)(*tuple(_d.values())))

</pallas_src>

<mosaic_0001>
#map = affine_map<(d0, d1) -> (0)>
#map1 = affine_map<(d0, d1) -> (0, 0)>
module attributes {stable_mosaic.version = 14 : i64} {
  func.func @k(%arg0: i32, %arg1: i32, %arg2: memref<819200xi32, #tpu.memory_space<hbm>>, %arg3: memref<300000x128xf32, #tpu.memory_space<hbm>>, %arg4: memref<819200x300xf32, #tpu.memory_space<hbm>>, %arg5: memref<80xi32, #tpu.memory_space<vmem>>, %arg6: memref<80xi32, #tpu.memory_space<vmem>>, %arg7: memref<80xi32, #tpu.memory_space<vmem>>, %arg8: memref<80xi32, #tpu.memory_space<vmem>>, %arg9: memref<80xi32, #tpu.memory_space<vmem>>, %arg10: memref<80xi32, #tpu.memory_space<vmem>>, %arg11: memref<80xi32, #tpu.memory_space<vmem>>, %arg12: memref<80xi32, #tpu.memory_space<vmem>>, %arg13: memref<80x300xf32, #tpu.memory_space<vmem>>, %arg14: memref<80x300xf32, #tpu.memory_space<vmem>>, %arg15: memref<80x128xf32, #tpu.memory_space<vmem>>, %arg16: memref<80x128xf32, #tpu.memory_space<vmem>>, %arg17: memref<!tpu.dma_semaphore, #tpu.memory_space<semaphore_mem>>, %arg18: memref<!tpu.dma_semaphore, #tpu.memory_space<semaphore_mem>>, %arg19: memref<!tpu.dma_semaphore, #tpu.memory_space<semaphore_mem>>, %arg20: memref<!tpu.dma_semaphore, #tpu.memory_space<semaphore_mem>>, %arg21: memref<!tpu.dma_semaphore, #tpu.memory_space<semaphore_mem>>, %arg22: memref<!tpu.dma_semaphore, #tpu.memory_space<semaphore_mem>>) attributes {dimension_semantics = [#tpu.dimension_semantics<core_parallel>, #tpu.dimension_semantics<subcore_parallel>], iteration_bounds = array<i64: 2, 16>, scalar_prefetch = 0 : i64, scratch_operands = 18 : i64, tpu.core_type = #tpu.core_type<sc_vector_subcore>, window_params = [{transform_indices = #map}, {transform_indices = #map1}, {transform_indices = #map1}]} {
    %mul3A = arith.constant 2 : i32
    %mul3A_0 = arith.muli %arg1, %mul3A : i32
    %add3A = arith.addi %mul3A_0, %arg0 : i32
    %mul3A_1 = arith.constant 25600 : i32
    %mul3A_2 = arith.muli %add3A, %mul3A_1 : i32
    %iota3A = tpu.iota {dimensions = array<i32: 0>} : vector<16xi32>
    %lt3A = arith.constant 12 : i32
    %lt3A_3 = vector.broadcast %lt3A : i32 to vector<16xi32>
    %lt3A_4 = arith.cmpi slt, %iota3A, %lt3A_3 : vector<16xi32>
    %add3A_5 = arith.constant 0 : i32
    %add3A_6 = arith.addi %mul3A_2, %add3A_5 : i32
    %dma_start3A = tpu.memref_slice %arg2[%add3A_6] : memref<819200xi32, #tpu.memory_space<hbm>> -> memref<80xi32, #tpu.memory_space<hbm>>
    %dma_start3A_7 = tpu.memref_slice %arg2[%add3A_6] : memref<819200xi32, #tpu.memory_space<hbm>> -> memref<80xi32, #tpu.memory_space<hbm>>
    tpu.enqueue_dma source(%dma_start3A_7 : memref<80xi32, #tpu.memory_space<hbm>>) target(%arg5 : memref<80xi32, #tpu.memory_space<vmem>>) target_semaphore(%arg17 : memref<!tpu.dma_semaphore, #tpu.memory_space<semaphore_mem>>)
    %dma_wait3A = arith.constant 0 : i32
    %dma_wait3A_8 = tpu.memref_slice %arg2[%dma_wait3A] : memref<819200xi32, #tpu.memory_space<hbm>> -> memref<80xi32, #tpu.memory_space<hbm>>
    %dma_wait3A_9 = arith.constant 0 : i32
    %dma_wait3A_10 = tpu.memref_slice %arg2[%dma_wait3A_9] : memref<819200xi32, #tpu.memory_space<hbm>> -> memref<80xi32, #tpu.memory_space<hbm>>
    tpu.wait_dma2 semaphore(%arg17 : memref<!tpu.dma_semaphore, #tpu.memory_space<semaphore_mem>>) src(%dma_wait3A_10 : memref<80xi32, #tpu.memory_space<hbm>>) dst(%arg5 : memref<80xi32, #tpu.memory_space<vmem>>)
    %get3A = arith.constant 0 : index
    %get3A_11 = tpu.vector_load %arg5[%get3A] {strides = array<i32>} : memref<80xi32, #tpu.memory_space<vmem>>, vector<16xi32>,
    %swap3A = arith.constant 0 : index
    %swap3A_12 = tpu.vector_load %arg7[%swap3A] {strides = array<i32>} : memref<80xi32, #tpu.memory_space<vmem>>, vector<16xi32>,
    tpu.vector_store %arg7[%swap3A], %get3A_11 {strides = array<i32>} : memref<80xi32, #tpu.memory_space<vmem>>, vector<16xi32>,
    %add3A_13 = arith.constant 100000 : i32
    %add3A_14 = vector.broadcast %add3A_13 : i32 to vector<16xi32>
    %add3A_15 = arith.addi %get3A_11, %add3A_14 : vector<16xi32>
    %swap3A_16 = arith.constant 0 : index
    %swap3A_17 = tpu.vector_load %arg9[%swap3A_16] {strides = array<i32>} : memref<80xi32, #tpu.memory_space<vmem>>, vector<16xi32>,
    tpu.vector_store %arg9[%swap3A_16], %add3A_15 {strides = array<i32>} : memref<80xi32, #tpu.memory_space<vmem>>, vector<16xi32>,
    %add3A_18 = arith.constant 200000 : i32
    %add3A_19 = vector.broadcast %add3A_18 : i32 to vector<16xi32>
    %add3A_20 = arith.addi %get3A_11, %add3A_19 : vector<16xi32>
    %swap3A_21 = arith.constant 0 : index
    %swap3A_22 = tpu.vector_load %arg11[%swap3A_21] {strides = array<i32>} : memref<80xi32, #tpu.memory_space<vmem>>, vector<16xi32>,
    tpu.vector_store %arg11[%swap3A_21], %add3A_20 {strides = array<i32>} : memref<80xi32, #tpu.memory_space<vmem>>, vector<16xi32>,
    %get3A_23 = arith.constant 16 : index
    %get3A_24 = tpu.vector_load %arg5[%get3A_23] {strides = array<i32>} : memref<80xi32, #tpu.memory_space<vmem>>, vector<16xi32>,
    %swap3A_25 = arith.constant 16 : index
    %swap3A_26 = tpu.vector_load %arg7[%swap3A_25] {strides = array<i32>} : memref<80xi32, #tpu.memory_space<vmem>>, vector<16xi32>,
    tpu.vector_store %arg7[%swap3A_25], %get3A_24 {strides = array<i32>} : memref<80xi32, #tpu.memory_space<vmem>>, vector<16xi32>,
    %add3A_27 = arith.constant 100000 : i32
    %add3A_28 = vector.broadcast %add3A_27 : i32 to vector<16xi32>
    %add3A_29 = arith.addi %get3A_24, %add3A_28 : vector<16xi32>
    %swap3A_30 = arith.constant 16 : index
    %swap3A_31 = tpu.vector_load %arg9[%swap3A_30] {strides = array<i32>} : memref<80xi32, #tpu.memory_space<vmem>>, vector<16xi32>,
    tpu.vector_store %arg9[%swap3A_30], %add3A_29 {strides = array<i32>} : memref<80xi32, #tpu.memory_space<vmem>>, vector<16xi32>,
    %add3A_32 = arith.constant 200000 : i32
    %add3A_33 = vector.broadcast %add3A_32 : i32 to vector<16xi32>
    %add3A_34 = arith.addi %get3A_24, %add3A_33 : vector<16xi32>
    %swap3A_35 = arith.constant 16 : index
    %swap3A_36 = tpu.vector_load %arg11[%swap3A_35] {strides = array<i32>} : memref<80xi32, #tpu.memory_space<vmem>>, vector<16xi32>,
    tpu.vector_store %arg11[%swap3A_35], %add3A_34 {strides = array<i32>} : memref<80xi32, #tpu.memory_space<vmem>>, vector<16xi32>,
    %get3A_37 = arith.constant 32 : index
    %get3A_38 = tpu.vector_load %arg5[%get3A_37] {strides = array<i32>} : memref<80xi32, #tpu.memory_space<vmem>>, vector<16xi32>,
    %swap3A_39 = arith.constant 32 : index
    %swap3A_40 = tpu.vector_load %arg7[%swap3A_39] {strides = array<i32>} : memref<80xi32, #tpu.memory_space<vmem>>, vector<16xi32>,
    tpu.vector_store %arg7[%swap3A_39], %get3A_38 {strides = array<i32>} : memref<80xi32, #tpu.memory_space<vmem>>, vector<16xi32>,
    %add3A_41 = arith.constant 100000 : i32
    %add3A_42 = vector.broadcast %add3A_41 : i32 to vector<16xi32>
    %add3A_43 = arith.addi %get3A_38, %add3A_42 : vector<16xi32>
    %swap3A_44 = arith.constant 32 : index
    %swap3A_45 = tpu.vector_load %arg9[%swap3A_44] {strides = array<i32>} : memref<80xi32, #tpu.memory_space<vmem>>, vector<16xi32>,
    tpu.vector_store %arg9[%swap3A_44], %add3A_43 {strides = array<i32>} : memref<80xi32, #tpu.memory_space<vmem>>, vector<16xi32>,
    %add3A_46 = arith.constant 200000 : i32
    %add3A_47 = vector.broadcast %add3A_46 : i32 to vector<16xi32>
    %add3A_48 = arith.addi %get3A_38, %add3A_47 : vector<16xi32>
    %swap3A_49 = arith.constant 32 : index
    %swap3A_50 = tpu.vector_load %arg11[%swap3A_49] {strides = array<i32>} : memref<80xi32, #tpu.memory_space<vmem>>, vector<16xi32>,
    tpu.vector_store %arg11[%swap3A_49], %add3A_48 {strides = array<i32>} : memref<80xi32, #tpu.memory_space<vmem>>, vector<16xi32>,
    %get3A_51 = arith.constant 48 : index
    %get3A_52 = tpu.vector_load %arg5[%get3A_51] {strides = array<i32>} : memref<80xi32, #tpu.memory_space<vmem>>, vector<16xi32>,
    %swap3A_53 = arith.constant 48 : index
    %swap3A_54 = tpu.vector_load %arg7[%swap3A_53] {strides = array<i32>} : memref<80xi32, #tpu.memory_space<vmem>>, vector<16xi32>,
    tpu.vector_store %arg7[%swap3A_53], %get3A_52 {strides = array<i32>} : memref<80xi32, #tpu.memory_space<vmem>>, vector<16xi32>,
    %add3A_55 = arith.constant 100000 : i32
    %add3A_56 = vector.broadcast %add3A_55 : i32 to vector<16xi32>
    %add3A_57 = arith.addi %get3A_52, %add3A_56 : vector<16xi32>
    %swap3A_58 = arith.constant 48 : index
    %swap3A_59 = tpu.vector_load %arg9[%swap3A_58] {strides = array<i32>} : memref<80xi32, #tpu.memory_space<vmem>>, vector<16xi32>,
    tpu.vector_store %arg9[%swap3A_58], %add3A_57 {strides = array<i32>} : memref<80xi32, #tpu.memory_space<vmem>>, vector<16xi32>,
    %add3A_60 = arith.constant 200000 : i32
    %add3A_61 = vector.broadcast %add3A_60 : i32 to vector<16xi32>
    %add3A_62 = arith.addi %get3A_52, %add3A_61 : vector<16xi32>
    %swap3A_63 = arith.constant 48 : index
    %swap3A_64 = tpu.vector_load %arg11[%swap3A_63] {strides = array<i32>} : memref<80xi32, #tpu.memory_space<vmem>>, vector<16xi32>,
    tpu.vector_store %arg11[%swap3A_63], %add3A_62 {strides = array<i32>} : memref<80xi32, #tpu.memory_space<vmem>>, vector<16xi32>,
    %get3A_65 = arith.constant 64 : index
    %get3A_66 = tpu.vector_load %arg5[%get3A_65] {strides = array<i32>} : memref<80xi32, #tpu.memory_space<vmem>>, vector<16xi32>,
    %swap3A_67 = arith.constant 64 : index
    %swap3A_68 = tpu.vector_load %arg7[%swap3A_67] {strides = array<i32>} : memref<80xi32, #tpu.memory_space<vmem>>, vector<16xi32>,
    tpu.vector_store %arg7[%swap3A_67], %get3A_66 {strides = array<i32>} : memref<80xi32, #tpu.memory_space<vmem>>, vector<16xi32>,
    %add3A_69 = arith.constant 100000 : i32
    %add3A_70 = vector.broadcast %add3A_69 : i32 to vector<16xi32>
    %add3A_71 = arith.addi %get3A_66, %add3A_70 : vector<16xi32>
    %swap3A_72 = arith.constant 64 : index
    %swap3A_73 = tpu.vector_load %arg9[%swap3A_72] {strides = array<i32>} : memref<80xi32, #tpu.memory_space<vmem>>, vector<16xi32>,
    tpu.vector_store %arg9[%swap3A_72], %add3A_71 {strides = array<i32>} : memref<80xi32, #tpu.memory_space<vmem>>, vector<16xi32>,
    %add3A_74 = arith.constant 200000 : i32
    %add3A_75 = vector.broadcast %add3A_74 : i32 to vector<16xi32>
    %add3A_76 = arith.addi %get3A_66, %add3A_75 : vector<16xi32>
    %swap3A_77 = arith.constant 64 : index
    %swap3A_78 = tpu.vector_load %arg11[%swap3A_77] {strides = array<i32>} : memref<80xi32, #tpu.memory_space<vmem>>, vector<16xi32>,
    tpu.vector_store %arg11[%swap3A_77], %add3A_76 {strides = array<i32>} : memref<80xi32, #tpu.memory_space<vmem>>, vector<16xi32>,
    %dma_start3A_79 = arith.constant 0 : i32
    %dma_start3A_80 = arith.constant 0 : i32
    %dma_start3A_81 = tpu.memref_slice %arg13[%dma_start3A_79, %dma_start3A_80] : memref<80x300xf32, #tpu.memory_space<vmem>> -> memref<80x128xf32, #tpu.memory_space<vmem>>
    %dma_start3A_82 = arith.constant 0 : i32
    %dma_start3A_83 = arith.constant 0 : i32
    %dma_start3A_84 = tpu.memref_slice %arg3[%dma_start3A_82, %dma_start3A_83] : memref<300000x128xf32, #tpu.memory_space<hbm>> -> memref<300000x128xf32, #tpu.memory_space<hbm>>
    tpu.enqueue_indirect_dma source(%dma_start3A_84 : memref<300000x128xf32, #tpu.memory_space<hbm>>) target(%dma_start3A_81 : memref<80x128xf32, #tpu.memory_space<vmem>>) offsets(%arg7 : memref<80xi32, #tpu.memory_space<vmem>>) semaphore(%arg19 : memref<!tpu.dma_semaphore, #tpu.memory_space<semaphore_mem>>)
    %dma_start3A_85 = arith.constant 0 : i32
    %dma_start3A_86 = arith.constant 128 : i32
    %dma_start3A_87 = tpu.memref_slice %arg13[%dma_start3A_85, %dma_start3A_86] : memref<80x300xf32, #tpu.memory_space<vmem>> -> memref<80x128xf32, #tpu.memory_space<vmem>>
    %dma_start3A_88 = arith.constant 0 : i32
    %dma_start3A_89 = arith.constant 0 : i32
    %dma_start3A_90 = tpu.memref_slice %arg3[%dma_start3A_88, %dma_start3A_89] : memref<300000x128xf32, #tpu.memory_space<hbm>> -> memref<300000x128xf32, #tpu.memory_space<hbm>>
    tpu.enqueue_indirect_dma source(%dma_start3A_90 : memref<300000x128xf32, #tpu.memory_space<hbm>>) target(%dma_start3A_87 : memref<80x128xf32, #tpu.memory_space<vmem>>) offsets(%arg9 : memref<80xi32, #tpu.memory_space<vmem>>) semaphore(%arg19 : memref<!tpu.dma_semaphore, #tpu.memory_space<semaphore_mem>>)
    %dma_start3A_91 = arith.constant 0 : i32
    %dma_start3A_92 = arith.constant 0 : i32
    %dma_start3A_93 = tpu.memref_slice %arg3[%dma_start3A_91, %dma_start3A_92] : memref<300000x128xf32, #tpu.memory_space<hbm>> -> memref<300000x128xf32, #tpu.memory_space<hbm>>
    tpu.enqueue_indirect_dma source(%dma_start3A_93 : memref<300000x128xf32, #tpu.memory_space<hbm>>) target(%arg15 : memref<80x128xf32, #tpu.memory_space<vmem>>) offsets(%arg11 : memref<80xi32, #tpu.memory_space<vmem>>) semaphore(%arg19 : memref<!tpu.dma_semaphore, #tpu.memory_space<semaphore_mem>>)
    %rem3A = arith.constant 1 : i32
    %rem3A_94 = arith.constant 320 : i32
    %rem3A_95 = arith.remsi %rem3A, %rem3A_94 : i32
    %mul3A_96 = arith.constant 80 : i32
    %mul3A_97 = arith.muli %rem3A_95, %mul3A_96 : i32
    %add3A_98 = arith.addi %mul3A_2, %mul3A_97 : i32
    %dma_start3A_99 = tpu.memref_slice %arg2[%add3A_98] : memref<819200xi32, #tpu.memory_space<hbm>> -> memref<80xi32, #tpu.memory_space<hbm>>
    %dma_start3A_100 = tpu.memref_slice %arg2[%add3A_98] : memref<819200xi32, #tpu.memory_space<hbm>> -> memref<80xi32, #tpu.memory_space<hbm>>
    tpu.enqueue_dma source(%dma_start3A_100 : memref<80xi32, #tpu.memory_space<hbm>>) target(%arg6 : memref<80xi32, #tpu.memory_space<vmem>>) target_semaphore(%arg18 : memref<!tpu.dma_semaphore, #tpu.memory_space<semaphore_mem>>)
    %dma_wait3A_101 = arith.constant 0 : i32
    %dma_wait3A_102 = arith.constant 0 : i32
    %dma_wait3A_103 = tpu.memref_slice %arg13[%dma_wait3A_101, %dma_wait3A_102] : memref<80x300xf32, #tpu.memory_space<vmem>> -> memref<80x128xf32, #tpu.memory_space<vmem>>
    %dma_wait3A_104 = arith.constant 0 : i32
    %dma_wait3A_105 = arith.constant 0 : i32
    %dma_wait3A_106 = tpu.memref_slice %arg3[%dma_wait3A_104, %dma_wait3A_105] : memref<300000x128xf32, #tpu.memory_space<hbm>> -> memref<300000x128xf32, #tpu.memory_space<hbm>>
    tpu.wait_indirect_dma semaphore(%arg19 : memref<!tpu.dma_semaphore, #tpu.memory_space<semaphore_mem>>) src(%dma_wait3A_106 : memref<300000x128xf32, #tpu.memory_space<hbm>>) dst(%dma_wait3A_103 : memref<80x128xf32, #tpu.memory_space<vmem>>)
    %dma_wait3A_107 = arith.constant 0 : i32
    %dma_wait3A_108 = arith.constant 128 : i32
    %dma_wait3A_109 = tpu.memref_slice %arg13[%dma_wait3A_107, %dma_wait3A_108] : memref<80x300xf32, #tpu.memory_space<vmem>> -> memref<80x128xf32, #tpu.memory_space<vmem>>
    %dma_wait3A_110 = arith.constant 0 : i32
    %dma_wait3A_111 = arith.constant 0 : i32
    %dma_wait3A_112 = tpu.memref_slice %arg3[%dma_wait3A_110, %dma_wait3A_111] : memref<300000x128xf32, #tpu.memory_space<hbm>> -> memref<300000x128xf32, #tpu.memory_space<hbm>>
    tpu.wait_indirect_dma semaphore(%arg19 : memref<!tpu.dma_semaphore, #tpu.memory_space<semaphore_mem>>) src(%dma_wait3A_112 : memref<300000x128xf32, #tpu.memory_space<hbm>>) dst(%dma_wait3A_109 : memref<80x128xf32, #tpu.memory_space<vmem>>)
    %dma_wait3A_113 = arith.constant 0 : i32
    %dma_wait3A_114 = arith.constant 0 : i32
    %dma_wait3A_115 = tpu.memref_slice %arg3[%dma_wait3A_113, %dma_wait3A_114] : memref<300000x128xf32, #tpu.memory_space<hbm>> -> memref<300000x128xf32, #tpu.memory_space<hbm>>
    tpu.wait_indirect_dma semaphore(%arg19 : memref<!tpu.dma_semaphore, #tpu.memory_space<semaphore_mem>>) src(%dma_wait3A_115 : memref<300000x128xf32, #tpu.memory_space<hbm>>) dst(%arg15 : memref<80x128xf32, #tpu.memory_space<vmem>>)
    %scan3A = arith.constant 0 : i32
    %scan3A_116 = arith.constant 0 : i32
    %scan3A_117 = arith.constant 10 : i32
    %scan3A_118 = arith.addi %scan3A_116, %scan3A_117 : i32
    %scan3A_119 = arith.constant 1 : i32
    scf.for %scan3A_373 = %scan3A_116 to %scan3A_118 step %scan3A_119  : i32 {
      %mul3A_374 = arith.constant 8 : i32
      %mul3A_375 = arith.muli %scan3A_373, %mul3A_374 : i32
      %add3A_376 = arith.constant 0 : i32
      %add3A_377 = arith.addi %mul3A_375, %add3A_376 : i32
      %get3A_378 = arith.index_cast %add3A_377 : i32 to index
      %get3A_379 = arith.constant 0 : index
      %get3A_380 = tpu.vector_load %arg15[%get3A_378, %get3A_379] {strides = array<i32>} : memref<80x128xf32, #tpu.memory_space<vmem>>, vector<16xf32>,
      %swap3A_381 = arith.index_cast %add3A_377 : i32 to index
      %swap3A_382 = arith.constant 256 : index
      %swap3A_383 = tpu.vector_load %arg13[%swap3A_381, %swap3A_382] {strides = array<i32>} : memref<80x300xf32, #tpu.memory_space<vmem>>, vector<16xf32>,
      tpu.vector_store %arg13[%swap3A_381, %swap3A_382], %get3A_380 {strides = array<i32>} : memref<80x300xf32, #tpu.memory_space<vmem>>, vector<16xf32>,
      %get3A_384 = arith.index_cast %add3A_377 : i32 to index
      %get3A_385 = arith.constant 16 : index
      %get3A_386 = tpu.vector_load %arg15[%get3A_384, %get3A_385] {strides = array<i32>} : memref<80x128xf32, #tpu.memory_space<vmem>>, vector<16xf32>,
      %swap3A_387 = arith.index_cast %add3A_377 : i32 to index
      %swap3A_388 = arith.constant 272 : index
      %swap3A_389 = tpu.vector_load %arg13[%swap3A_387, %swap3A_388] {strides = array<i32>} : memref<80x300xf32, #tpu.memory_space<vmem>>, vector<16xf32>,
      tpu.vector_store %arg13[%swap3A_387, %swap3A_388], %get3A_386 {strides = array<i32>} : memref<80x300xf32, #tpu.memory_space<vmem>>, vector<16xf32>,
      %broadcast_in_dim3A = vector.broadcast %add3A_377 : i32 to vector<16xi32>
      %add3A_390 = arith.constant 288 : i32
      %add3A_391 = vector.broadcast %add3A_390 : i32 to vector<16xi32>
      %add3A_392 = arith.addi %add3A_391, %iota3A : vector<16xi32>
      %get3A_393 = arith.index_cast %add3A_377 : i32 to index
      %get3A_394 = arith.constant 32 : index
      %get3A_395 = tpu.vector_load %arg15[%get3A_393, %get3A_394] {strides = array<i32>} : memref<80x128xf32, #tpu.memory_space<vmem>>, vector<16xf32>,
      tpu.vector_store_idx %arg13[%broadcast_in_dim3A, %add3A_392], %get3A_395 masked %lt3A_4 : memref<80x300xf32, #tpu.memory_space<vmem>>[vector<16xi32>, vector<16xi32>], vector<16xf32>, vector<16xi1>
      %mul3A_396 = arith.constant 8 : i32
      %mul3A_397 = arith.muli %scan3A_373, %mul3A_396 : i32
      %add3A_398 = arith.constant 1 : i32
      %add3A_399 = arith.addi %mul3A_397, %add3A_398 : i32
      %get3A_400 = arith.index_cast %add3A_399 : i32 to index
      %get3A_401 = arith.constant 0 : index
      %get3A_402 = tpu.vector_load %arg15[%get3A_400, %get3A_401] {strides = array<i32>} : memref<80x128xf32, #tpu.memory_space<vmem>>, vector<16xf32>,
      %swap3A_403 = arith.index_cast %add3A_399 : i32 to index
      %swap3A_404 = arith.constant 256 : index
      %swap3A_405 = tpu.vector_load %arg13[%swap3A_403, %swap3A_404] {strides = array<i32>} : memref<80x300xf32, #tpu.memory_space<vmem>>, vector<16xf32>,
      tpu.vector_store %arg13[%swap3A_403, %swap3A_404], %get3A_402 {strides = array<i32>} : memref<80x300xf32, #tpu.memory_space<vmem>>, vector<16xf32>,
      %get3A_406 = arith.index_cast %add3A_399 : i32 to index
      %get3A_407 = arith.constant 16 : index
      %get3A_408 = tpu.vector_load %arg15[%get3A_406, %get3A_407] {strides = array<i32>} : memref<80x128xf32, #tpu.memory_space<vmem>>, vector<16xf32>,
      %swap3A_409 = arith.index_cast %add3A_399 : i32 to index
      %swap3A_410 = arith.constant 272 : index
      %swap3A_411 = tpu.vector_load %arg13[%swap3A_409, %swap3A_410] {strides = array<i32>} : memref<80x300xf32, #tpu.memory_space<vmem>>, vector<16xf32>,
      tpu.vector_store %arg13[%swap3A_409, %swap3A_410], %get3A_408 {strides = array<i32>} : memref<80x300xf32, #tpu.memory_space<vmem>>, vector<16xf32>,
      %broadcast_in_dim3A_412 = vector.broadcast %add3A_399 : i32 to vector<16xi32>
      %add3A_413 = arith.constant 288 : i32
      %add3A_414 = vector.broadcast %add3A_413 : i32 to vector<16xi32>
      %add3A_415 = arith.addi %add3A_414, %iota3A : vector<16xi32>
      %get3A_416 = arith.index_cast %add3A_399 : i32 to index
      %get3A_417 = arith.constant 32 : index
      %get3A_418 = tpu.vector_load %arg15[%get3A_416, %get3A_417] {strides = array<i32>} : memref<80x128xf32, #tpu.memory_space<vmem>>, vector<16xf32>,
      tpu.vector_store_idx %arg13[%broadcast_in_dim3A_412, %add3A_415], %get3A_418 masked %lt3A_4 : memref<80x300xf32, #tpu.memory_space<vmem>>[vector<16xi32>, vector<16xi32>], vector<16xf32>, vector<16xi1>
      %mul3A_419 = arith.constant 8 : i32
      %mul3A_420 = arith.muli %scan3A_373, %mul3A_419 : i32
      %add3A_421 = arith.constant 2 : i32
      %add3A_422 = arith.addi %mul3A_420, %add3A_421 : i32
      %get3A_423 = arith.index_cast %add3A_422 : i32 to index
      %get3A_424 = arith.constant 0 : index
      %get3A_425 = tpu.vector_load %arg15[%get3A_423, %get3A_424] {strides = array<i32>} : memref<80x128xf32, #tpu.memory_space<vmem>>, vector<16xf32>,
      %swap3A_426 = arith.index_cast %add3A_422 : i32 to index
      %swap3A_427 = arith.constant 256 : index
      %swap3A_428 = tpu.vector_load %arg13[%swap3A_426, %swap3A_427] {strides = array<i32>} : memref<80x300xf32, #tpu.memory_space<vmem>>, vector<16xf32>,
      tpu.vector_store %arg13[%swap3A_426, %swap3A_427], %get3A_425 {strides = array<i32>} : memref<80x300xf32, #tpu.memory_space<vmem>>, vector<16xf32>,
      %get3A_429 = arith.index_cast %add3A_422 : i32 to index
      %get3A_430 = arith.constant 16 : index
      %get3A_431 = tpu.vector_load %arg15[%get3A_429, %get3A_430] {strides = array<i32>} : memref<80x128xf32, #tpu.memory_space<vmem>>, vector<16xf32>,
      %swap3A_432 = arith.index_cast %add3A_422 : i32 to index
      %swap3A_433 = arith.constant 272 : index
      %swap3A_434 = tpu.vector_load %arg13[%swap3A_432, %swap3A_433] {strides = array<i32>} : memref<80x300xf32, #tpu.memory_space<vmem>>, vector<16xf32>,
      tpu.vector_store %arg13[%swap3A_432, %swap3A_433], %get3A_431 {strides = array<i32>} : memref<80x300xf32, #tpu.memory_space<vmem>>, vector<16xf32>,
      %broadcast_in_dim3A_435 = vector.broadcast %add3A_422 : i32 to vector<16xi32>
      %add3A_436 = arith.constant 288 : i32
      %add3A_437 = vector.broadcast %add3A_436 : i32 to vector<16xi32>
      %add3A_438 = arith.addi %add3A_437, %iota3A : vector<16xi32>
      %get3A_439 = arith.index_cast %add3A_422 : i32 to index
      %get3A_440 = arith.constant 32 : index
      %get3A_441 = tpu.vector_load %arg15[%get3A_439, %get3A_440] {strides = array<i32>} : memref<80x128xf32, #tpu.memory_space<vmem>>, vector<16xf32>,
      tpu.vector_store_idx %arg13[%broadcast_in_dim3A_435, %add3A_438], %get3A_441 masked %lt3A_4 : memref<80x300xf32, #tpu.memory_space<vmem>>[vector<16xi32>, vector<16xi32>], vector<16xf32>, vector<16xi1>
      %mul3A_442 = arith.constant 8 : i32
      %mul3A_443 = arith.muli %scan3A_373, %mul3A_442 : i32
      %add3A_444 = arith.constant 3 : i32
      %add3A_445 = arith.addi %mul3A_443, %add3A_444 : i32
      %get3A_446 = arith.index_cast %add3A_445 : i32 to index
      %get3A_447 = arith.constant 0 : index
      %get3A_448 = tpu.vector_load %arg15[%get3A_446, %get3A_447] {strides = array<i32>} : memref<80x128xf32, #tpu.memory_space<vmem>>, vector<16xf32>,
      %swap3A_449 = arith.index_cast %add3A_445 : i32 to index
      %swap3A_450 = arith.constant 256 : index
      %swap3A_451 = tpu.vector_load %arg13[%swap3A_449, %swap3A_450] {strides = array<i32>} : memref<80x300xf32, #tpu.memory_space<vmem>>, vector<16xf32>,
      tpu.vector_store %arg13[%swap3A_449, %swap3A_450], %get3A_448 {strides = array<i32>} : memref<80x300xf32, #tpu.memory_space<vmem>>, vector<16xf32>,
      %get3A_452 = arith.index_cast %add3A_445 : i32 to index
      %get3A_453 = arith.constant 16 : index
      %get3A_454 = tpu.vector_load %arg15[%get3A_452, %get3A_453] {strides = array<i32>} : memref<80x128xf32, #tpu.memory_space<vmem>>, vector<16xf32>,
      %swap3A_455 = arith.index_cast %add3A_445 : i32 to index
      %swap3A_456 = arith.constant 272 : index
      %swap3A_457 = tpu.vector_load %arg13[%swap3A_455, %swap3A_456] {strides = array<i32>} : memref<80x300xf32, #tpu.memory_space<vmem>>, vector<16xf32>,
      tpu.vector_store %arg13[%swap3A_455, %swap3A_456], %get3A_454 {strides = array<i32>} : memref<80x300xf32, #tpu.memory_space<vmem>>, vector<16xf32>,
      %broadcast_in_dim3A_458 = vector.broadcast %add3A_445 : i32 to vector<16xi32>
      %add3A_459 = arith.constant 288 : i32
      %add3A_460 = vector.broadcast %add3A_459 : i32 to vector<16xi32>
      %add3A_461 = arith.addi %add3A_460, %iota3A : vector<16xi32>
      %get3A_462 = arith.index_cast %add3A_445 : i32 to index
      %get3A_463 = arith.constant 32 : index
      %get3A_464 = tpu.vector_load %arg15[%get3A_462, %get3A_463] {strides = array<i32>} : memref<80x128xf32, #tpu.memory_space<vmem>>, vector<16xf32>,
      tpu.vector_store_idx %arg13[%broadcast_in_dim3A_458, %add3A_461], %get3A_464 masked %lt3A_4 : memref<80x300xf32, #tpu.memory_space<vmem>>[vector<16xi32>, vector<16xi32>], vector<16xf32>, vector<16xi1>
      %mul3A_465 = arith.constant 8 : i32
      %mul3A_466 = arith.muli %scan3A_373, %mul3A_465 : i32
      %add3A_467 = arith.constant 4 : i32
      %add3A_468 = arith.addi %mul3A_466, %add3A_467 : i32
      %get3A_469 = arith.index_cast %add3A_468 : i32 to index
      %get3A_470 = arith.constant 0 : index
      %get3A_471 = tpu.vector_load %arg15[%get3A_469, %get3A_470] {strides = array<i32>} : memref<80x128xf32, #tpu.memory_space<vmem>>, vector<16xf32>,
      %swap3A_472 = arith.index_cast %add3A_468 : i32 to index
      %swap3A_473 = arith.constant 256 : index
      %swap3A_474 = tpu.vector_load %arg13[%swap3A_472, %swap3A_473] {strides = array<i32>} : memref<80x300xf32, #tpu.memory_space<vmem>>, vector<16xf32>,
      tpu.vector_store %arg13[%swap3A_472, %swap3A_473], %get3A_471 {strides = array<i32>} : memref<80x300xf32, #tpu.memory_space<vmem>>, vector<16xf32>,
      %get3A_475 = arith.index_cast %add3A_468 : i32 to index
      %get3A_476 = arith.constant 16 : index
      %get3A_477 = tpu.vector_load %arg15[%get3A_475, %get3A_476] {strides = array<i32>} : memref<80x128xf32, #tpu.memory_space<vmem>>, vector<16xf32>,
      %swap3A_478 = arith.index_cast %add3A_468 : i32 to index
      %swap3A_479 = arith.constant 272 : index
      %swap3A_480 = tpu.vector_load %arg13[%swap3A_478, %swap3A_479] {strides = array<i32>} : memref<80x300xf32, #tpu.memory_space<vmem>>, vector<16xf32>,
      tpu.vector_store %arg13[%swap3A_478, %swap3A_479], %get3A_477 {strides = array<i32>} : memref<80x300xf32, #tpu.memory_space<vmem>>, vector<16xf32>,
      %broadcast_in_dim3A_481 = vector.broadcast %add3A_468 : i32 to vector<16xi32>
      %add3A_482 = arith.constant 288 : i32
      %add3A_483 = vector.broadcast %add3A_482 : i32 to vector<16xi32>
      %add3A_484 = arith.addi %add3A_483, %iota3A : vector<16xi32>
      %get3A_485 = arith.index_cast %add3A_468 : i32 to index
      %get3A_486 = arith.constant 32 : index
      %get3A_487 = tpu.vector_load %arg15[%get3A_485, %get3A_486] {strides = array<i32>} : memref<80x128xf32, #tpu.memory_space<vmem>>, vector<16xf32>,
      tpu.vector_store_idx %arg13[%broadcast_in_dim3A_481, %add3A_484], %get3A_487 masked %lt3A_4 : memref<80x300xf32, #tpu.memory_space<vmem>>[vector<16xi32>, vector<16xi32>], vector<16xf32>, vector<16xi1>
      %mul3A_488 = arith.constant 8 : i32
      %mul3A_489 = arith.muli %scan3A_373, %mul3A_488 : i32
      %add3A_490 = arith.constant 5 : i32
      %add3A_491 = arith.addi %mul3A_489, %add3A_490 : i32
      %get3A_492 = arith.index_cast %add3A_491 : i32 to index
      %get3A_493 = arith.constant 0 : index
      %get3A_494 = tpu.vector_load %arg15[%get3A_492, %get3A_493] {strides = array<i32>} : memref<80x128xf32, #tpu.memory_space<vmem>>, vector<16xf32>,
      %swap3A_495 = arith.index_cast %add3A_491 : i32 to index
      %swap3A_496 = arith.constant 256 : index
      %swap3A_497 = tpu.vector_load %arg13[%swap3A_495, %swap3A_496] {strides = array<i32>} : memref<80x300xf32, #tpu.memory_space<vmem>>, vector<16xf32>,
      tpu.vector_store %arg13[%swap3A_495, %swap3A_496], %get3A_494 {strides = array<i32>} : memref<80x300xf32, #tpu.memory_space<vmem>>, vector<16xf32>,
      %get3A_498 = arith.index_cast %add3A_491 : i32 to index
      %get3A_499 = arith.constant 16 : index
      %get3A_500 = tpu.vector_load %arg15[%get3A_498, %get3A_499] {strides = array<i32>} : memref<80x128xf32, #tpu.memory_space<vmem>>, vector<16xf32>,
      %swap3A_501 = arith.index_cast %add3A_491 : i32 to index
      %swap3A_502 = arith.constant 272 : index
      %swap3A_503 = tpu.vector_load %arg13[%swap3A_501, %swap3A_502] {strides = array<i32>} : memref<80x300xf32, #tpu.memory_space<vmem>>, vector<16xf32>,
      tpu.vector_store %arg13[%swap3A_501, %swap3A_502], %get3A_500 {strides = array<i32>} : memref<80x300xf32, #tpu.memory_space<vmem>>, vector<16xf32>,
      %broadcast_in_dim3A_504 = vector.broadcast %add3A_491 : i32 to vector<16xi32>
      %add3A_505 = arith.constant 288 : i32
      %add3A_506 = vector.broadcast %add3A_505 : i32 to vector<16xi32>
      %add3A_507 = arith.addi %add3A_506, %iota3A : vector<16xi32>
      %get3A_508 = arith.index_cast %add3A_491 : i32 to index
      %get3A_509 = arith.constant 32 : index
      %get3A_510 = tpu.vector_load %arg15[%get3A_508, %get3A_509] {strides = array<i32>} : memref<80x128xf32, #tpu.memory_space<vmem>>, vector<16xf32>,
      tpu.vector_store_idx %arg13[%broadcast_in_dim3A_504, %add3A_507], %get3A_510 masked %lt3A_4 : memref<80x300xf32, #tpu.memory_space<vmem>>[vector<16xi32>, vector<16xi32>], vector<16xf32>, vector<16xi1>
      %mul3A_511 = arith.constant 8 : i32
      %mul3A_512 = arith.muli %scan3A_373, %mul3A_511 : i32
      %add3A_513 = arith.constant 6 : i32
      %add3A_514 = arith.addi %mul3A_512, %add3A_513 : i32
      %get3A_515 = arith.index_cast %add3A_514 : i32 to index
      %get3A_516 = arith.constant 0 : index
      %get3A_517 = tpu.vector_load %arg15[%get3A_515, %get3A_516] {strides = array<i32>} : memref<80x128xf32, #tpu.memory_space<vmem>>, vector<16xf32>,
      %swap3A_518 = arith.index_cast %add3A_514 : i32 to index
      %swap3A_519 = arith.constant 256 : index
      %swap3A_520 = tpu.vector_load %arg13[%swap3A_518, %swap3A_519] {strides = array<i32>} : memref<80x300xf32, #tpu.memory_space<vmem>>, vector<16xf32>,
      tpu.vector_store %arg13[%swap3A_518, %swap3A_519], %get3A_517 {strides = array<i32>} : memref<80x300xf32, #tpu.memory_space<vmem>>, vector<16xf32>,
      %get3A_521 = arith.index_cast %add3A_514 : i32 to index
      %get3A_522 = arith.constant 16 : index
      %get3A_523 = tpu.vector_load %arg15[%get3A_521, %get3A_522] {strides = array<i32>} : memref<80x128xf32, #tpu.memory_space<vmem>>, vector<16xf32>,
      %swap3A_524 = arith.index_cast %add3A_514 : i32 to index
      %swap3A_525 = arith.constant 272 : index
      %swap3A_526 = tpu.vector_load %arg13[%swap3A_524, %swap3A_525] {strides = array<i32>} : memref<80x300xf32, #tpu.memory_space<vmem>>, vector<16xf32>,
      tpu.vector_store %arg13[%swap3A_524, %swap3A_525], %get3A_523 {strides = array<i32>} : memref<80x300xf32, #tpu.memory_space<vmem>>, vector<16xf32>,
      %broadcast_in_dim3A_527 = vector.broadcast %add3A_514 : i32 to vector<16xi32>
      %add3A_528 = arith.constant 288 : i32
      %add3A_529 = vector.broadcast %add3A_528 : i32 to vector<16xi32>
      %add3A_530 = arith.addi %add3A_529, %iota3A : vector<16xi32>
      %get3A_531 = arith.index_cast %add3A_514 : i32 to index
      %get3A_532 = arith.constant 32 : index
      %get3A_533 = tpu.vector_load %arg15[%get3A_531, %get3A_532] {strides = array<i32>} : memref<80x128xf32, #tpu.memory_space<vmem>>, vector<16xf32>,
      tpu.vector_store_idx %arg13[%broadcast_in_dim3A_527, %add3A_530], %get3A_533 masked %lt3A_4 : memref<80x300xf32, #tpu.memory_space<vmem>>[vector<16xi32>, vector<16xi32>], vector<16xf32>, vector<16xi1>
      %mul3A_534 = arith.constant 8 : i32
      %mul3A_535 = arith.muli %scan3A_373, %mul3A_534 : i32
      %add3A_536 = arith.constant 7 : i32
      %add3A_537 = arith.addi %mul3A_535, %add3A_536 : i32
      %get3A_538 = arith.index_cast %add3A_537 : i32 to index
      %get3A_539 = arith.constant 0 : index
      %get3A_540 = tpu.vector_load %arg15[%get3A_538, %get3A_539] {strides = array<i32>} : memref<80x128xf32, #tpu.memory_space<vmem>>, vector<16xf32>,
      %swap3A_541 = arith.index_cast %add3A_537 : i32 to index
      %swap3A_542 = arith.constant 256 : index
      %swap3A_543 = tpu.vector_load %arg13[%swap3A_541, %swap3A_542] {strides = array<i32>} : memref<80x300xf32, #tpu.memory_space<vmem>>, vector<16xf32>,
      tpu.vector_store %arg13[%swap3A_541, %swap3A_542], %get3A_540 {strides = array<i32>} : memref<80x300xf32, #tpu.memory_space<vmem>>, vector<16xf32>,
      %get3A_544 = arith.index_cast %add3A_537 : i32 to index
      %get3A_545 = arith.constant 16 : index
      %get3A_546 = tpu.vector_load %arg15[%get3A_544, %get3A_545] {strides = array<i32>} : memref<80x128xf32, #tpu.memory_space<vmem>>, vector<16xf32>,
      %swap3A_547 = arith.index_cast %add3A_537 : i32 to index
      %swap3A_548 = arith.constant 272 : index
      %swap3A_549 = tpu.vector_load %arg13[%swap3A_547, %swap3A_548] {strides = array<i32>} : memref<80x300xf32, #tpu.memory_space<vmem>>, vector<16xf32>,
      tpu.vector_store %arg13[%swap3A_547, %swap3A_548], %get3A_546 {strides = array<i32>} : memref<80x300xf32, #tpu.memory_space<vmem>>, vector<16xf32>,
      %broadcast_in_dim3A_550 = vector.broadcast %add3A_537 : i32 to vector<16xi32>
      %add3A_551 = arith.constant 288 : i32
      %add3A_552 = vector.broadcast %add3A_551 : i32 to vector<16xi32>
      %add3A_553 = arith.addi %add3A_552, %iota3A : vector<16xi32>
      %get3A_554 = arith.index_cast %add3A_537 : i32 to index
      %get3A_555 = arith.constant 32 : index
      %get3A_556 = tpu.vector_load %arg15[%get3A_554, %get3A_555] {strides = array<i32>} : memref<80x128xf32, #tpu.memory_space<vmem>>, vector<16xf32>,
      tpu.vector_store_idx %arg13[%broadcast_in_dim3A_550, %add3A_553], %get3A_556 masked %lt3A_4 : memref<80x300xf32, #tpu.memory_space<vmem>>[vector<16xi32>, vector<16xi32>], vector<16xf32>, vector<16xi1>
    }
    %scan3A_120 = arith.constant 10 : i32
    %add3A_121 = arith.constant 0 : i32
    %add3A_122 = arith.addi %mul3A_2, %add3A_121 : i32
    %dma_start3A_123 = arith.constant 0 : i32
    %dma_start3A_124 = tpu.memref_slice %arg4[%add3A_122, %dma_start3A_123] : memref<819200x300xf32, #tpu.memory_space<hbm>> -> memref<80x300xf32, #tpu.memory_space<hbm>>
    %dma_start3A_125 = arith.constant 0 : i32
    %dma_start3A_126 = tpu.memref_slice %arg4[%add3A_122, %dma_start3A_125] : memref<819200x300xf32, #tpu.memory_space<hbm>> -> memref<80x300xf32, #tpu.memory_space<hbm>>
    tpu.enqueue_dma source(%arg13 : memref<80x300xf32, #tpu.memory_space<vmem>>) target(%dma_start3A_126 : memref<80x300xf32, #tpu.memory_space<hbm>>) target_semaphore(%arg21 : memref<!tpu.dma_semaphore, #tpu.memory_space<semaphore_mem>>)
    %dma_wait3A_127 = arith.constant 0 : i32
    %dma_wait3A_128 = tpu.memref_slice %arg2[%dma_wait3A_127] : memref<819200xi32, #tpu.memory_space<hbm>> -> memref<80xi32, #tpu.memory_space<hbm>>
    %dma_wait3A_129 = arith.constant 0 : i32
    %dma_wait3A_130 = tpu.memref_slice %arg2[%dma_wait3A_129] : memref<819200xi32, #tpu.memory_space<hbm>> -> memref<80xi32, #tpu.memory_space<hbm>>
    tpu.wait_dma2 semaphore(%arg18 : memref<!tpu.dma_semaphore, #tpu.memory_space<semaphore_mem>>) src(%dma_wait3A_130 : memref<80xi32, #tpu.memory_space<hbm>>) dst(%arg6 : memref<80xi32, #tpu.memory_space<vmem>>)
    %get3A_131 = arith.constant 0 : index
    %get3A_132 = tpu.vector_load %arg6[%get3A_131] {strides = array<i32>} : memref<80xi32, #tpu.memory_space<vmem>>, vector<16xi32>,
    %swap3A_133 = arith.constant 0 : index
    %swap3A_134 = tpu.vector_load %arg8[%swap3A_133] {strides = array<i32>} : memref<80xi32, #tpu.memory_space<vmem>>, vector<16xi32>,
    tpu.vector_store %arg8[%swap3A_133], %get3A_132 {strides = array<i32>} : memref<80xi32, #tpu.memory_space<vmem>>, vector<16xi32>,
    %add3A_135 = arith.constant 100000 : i32
    %add3A_136 = vector.broadcast %add3A_135 : i32 to vector<16xi32>
    %add3A_137 = arith.addi %get3A_132, %add3A_136 : vector<16xi32>
    %swap3A_138 = arith.constant 0 : index
    %swap3A_139 = tpu.vector_load %arg10[%swap3A_138] {strides = array<i32>} : memref<80xi32, #tpu.memory_space<vmem>>, vector<16xi32>,
    tpu.vector_store %arg10[%swap3A_138], %add3A_137 {strides = array<i32>} : memref<80xi32, #tpu.memory_space<vmem>>, vector<16xi32>,
    %add3A_140 = arith.constant 200000 : i32
    %add3A_141 = vector.broadcast %add3A_140 : i32 to vector<16xi32>
    %add3A_142 = arith.addi %get3A_132, %add3A_141 : vector<16xi32>
    %swap3A_143 = arith.constant 0 : index
    %swap3A_144 = tpu.vector_load %arg12[%swap3A_143] {strides = array<i32>} : memref<80xi32, #tpu.memory_space<vmem>>, vector<16xi32>,
    tpu.vector_store %arg12[%swap3A_143], %add3A_142 {strides = array<i32>} : memref<80xi32, #tpu.memory_space<vmem>>, vector<16xi32>,
    %get3A_145 = arith.constant 16 : index
    %get3A_146 = tpu.vector_load %arg6[%get3A_145] {strides = array<i32>} : memref<80xi32, #tpu.memory_space<vmem>>, vector<16xi32>,
    %swap3A_147 = arith.constant 16 : index
    %swap3A_148 = tpu.vector_load %arg8[%swap3A_147] {strides = array<i32>} : memref<80xi32, #tpu.memory_space<vmem>>, vector<16xi32>,
    tpu.vector_store %arg8[%swap3A_147], %get3A_146 {strides = array<i32>} : memref<80xi32, #tpu.memory_space<vmem>>, vector<16xi32>,
    %add3A_149 = arith.constant 100000 : i32
    %add3A_150 = vector.broadcast %add3A_149 : i32 to vector<16xi32>
    %add3A_151 = arith.addi %get3A_146, %add3A_150 : vector<16xi32>
    %swap3A_152 = arith.constant 16 : index
    %swap3A_153 = tpu.vector_load %arg10[%swap3A_152] {strides = array<i32>} : memref<80xi32, #tpu.memory_space<vmem>>, vector<16xi32>,
    tpu.vector_store %arg10[%swap3A_152], %add3A_151 {strides = array<i32>} : memref<80xi32, #tpu.memory_space<vmem>>, vector<16xi32>,
    %add3A_154 = arith.constant 200000 : i32
    %add3A_155 = vector.broadcast %add3A_154 : i32 to vector<16xi32>
    %add3A_156 = arith.addi %get3A_146, %add3A_155 : vector<16xi32>
    %swap3A_157 = arith.constant 16 : index
    %swap3A_158 = tpu.vector_load %arg12[%swap3A_157] {strides = array<i32>} : memref<80xi32, #tpu.memory_space<vmem>>, vector<16xi32>,
    tpu.vector_store %arg12[%swap3A_157], %add3A_156 {strides = array<i32>} : memref<80xi32, #tpu.memory_space<vmem>>, vector<16xi32>,
    %get3A_159 = arith.constant 32 : index
    %get3A_160 = tpu.vector_load %arg6[%get3A_159] {strides = array<i32>} : memref<80xi32, #tpu.memory_space<vmem>>, vector<16xi32>,
    %swap3A_161 = arith.constant 32 : index
    %swap3A_162 = tpu.vector_load %arg8[%swap3A_161] {strides = array<i32>} : memref<80xi32, #tpu.memory_space<vmem>>, vector<16xi32>,
    tpu.vector_store %arg8[%swap3A_161], %get3A_160 {strides = array<i32>} : memref<80xi32, #tpu.memory_space<vmem>>, vector<16xi32>,
    %add3A_163 = arith.constant 100000 : i32
    %add3A_164 = vector.broadcast %add3A_163 : i32 to vector<16xi32>
    %add3A_165 = arith.addi %get3A_160, %add3A_164 : vector<16xi32>
    %swap3A_166 = arith.constant 32 : index
    %swap3A_167 = tpu.vector_load %arg10[%swap3A_166] {strides = array<i32>} : memref<80xi32, #tpu.memory_space<vmem>>, vector<16xi32>,
    tpu.vector_store %arg10[%swap3A_166], %add3A_165 {strides = array<i32>} : memref<80xi32, #tpu.memory_space<vmem>>, vector<16xi32>,
    %add3A_168 = arith.constant 200000 : i32
    %add3A_169 = vector.broadcast %add3A_168 : i32 to vector<16xi32>
    %add3A_170 = arith.addi %get3A_160, %add3A_169 : vector<16xi32>
    %swap3A_171 = arith.constant 32 : index
    %swap3A_172 = tpu.vector_load %arg12[%swap3A_171] {strides = array<i32>} : memref<80xi32, #tpu.memory_space<vmem>>, vector<16xi32>,
    tpu.vector_store %arg12[%swap3A_171], %add3A_170 {strides = array<i32>} : memref<80xi32, #tpu.memory_space<vmem>>, vector<16xi32>,
    %get3A_173 = arith.constant 48 : index
    %get3A_174 = tpu.vector_load %arg6[%get3A_173] {strides = array<i32>} : memref<80xi32, #tpu.memory_space<vmem>>, vector<16xi32>,
    %swap3A_175 = arith.constant 48 : index
    %swap3A_176 = tpu.vector_load %arg8[%swap3A_175] {strides = array<i32>} : memref<80xi32, #tpu.memory_space<vmem>>, vector<16xi32>,
    tpu.vector_store %arg8[%swap3A_175], %get3A_174 {strides = array<i32>} : memref<80xi32, #tpu.memory_space<vmem>>, vector<16xi32>,
    %add3A_177 = arith.constant 100000 : i32
    %add3A_178 = vector.broadcast %add3A_177 : i32 to vector<16xi32>
    %add3A_179 = arith.addi %get3A_174, %add3A_178 : vector<16xi32>
    %swap3A_180 = arith.constant 48 : index
    %swap3A_181 = tpu.vector_load %arg10[%swap3A_180] {strides = array<i32>} : memref<80xi32, #tpu.memory_space<vmem>>, vector<16xi32>,
    tpu.vector_store %arg10[%swap3A_180], %add3A_179 {strides = array<i32>} : memref<80xi32, #tpu.memory_space<vmem>>, vector<16xi32>,
    %add3A_182 = arith.constant 200000 : i32
    %add3A_183 = vector.broadcast %add3A_182 : i32 to vector<16xi32>
    %add3A_184 = arith.addi %get3A_174, %add3A_183 : vector<16xi32>
    %swap3A_185 = arith.constant 48 : index
    %swap3A_186 = tpu.vector_load %arg12[%swap3A_185] {strides = array<i32>} : memref<80xi32, #tpu.memory_space<vmem>>, vector<16xi32>,
    tpu.vector_store %arg12[%swap3A_185], %add3A_184 {strides = array<i32>} : memref<80xi32, #tpu.memory_space<vmem>>, vector<16xi32>,
    %get3A_187 = arith.constant 64 : index
    %get3A_188 = tpu.vector_load %arg6[%get3A_187] {strides = array<i32>} : memref<80xi32, #tpu.memory_space<vmem>>, vector<16xi32>,
    %swap3A_189 = arith.constant 64 : index
    %swap3A_190 = tpu.vector_load %arg8[%swap3A_189] {strides = array<i32>} : memref<80xi32, #tpu.memory_space<vmem>>, vector<16xi32>,
    tpu.vector_store %arg8[%swap3A_189], %get3A_188 {strides = array<i32>} : memref<80xi32, #tpu.memory_space<vmem>>, vector<16xi32>,
    %add3A_191 = arith.constant 100000 : i32
    %add3A_192 = vector.broadcast %add3A_191 : i32 to vector<16xi32>
    %add3A_193 = arith.addi %get3A_188, %add3A_192 : vector<16xi32>
    %swap3A_194 = arith.constant 64 : index
    %swap3A_195 = tpu.vector_load %arg10[%swap3A_194] {strides = array<i32>} : memref<80xi32, #tpu.memory_space<vmem>>, vector<16xi32>,
    tpu.vector_store %arg10[%swap3A_194], %add3A_193 {strides = array<i32>} : memref<80xi32, #tpu.memory_space<vmem>>, vector<16xi32>,
    %add3A_196 = arith.constant 200000 : i32
    %add3A_197 = vector.broadcast %add3A_196 : i32 to vector<16xi32>
    %add3A_198 = arith.addi %get3A_188, %add3A_197 : vector<16xi32>
    %swap3A_199 = arith.constant 64 : index
    %swap3A_200 = tpu.vector_load %arg12[%swap3A_199] {strides = array<i32>} : memref<80xi32, #tpu.memory_space<vmem>>, vector<16xi32>,
    tpu.vector_store %arg12[%swap3A_199], %add3A_198 {strides = array<i32>} : memref<80xi32, #tpu.memory_space<vmem>>, vector<16xi32>,
    %dma_start3A_201 = arith.constant 0 : i32
    %dma_start3A_202 = arith.constant 0 : i32
    %dma_start3A_203 = tpu.memref_slice %arg14[%dma_start3A_201, %dma_start3A_202] : memref<80x300xf32, #tpu.memory_space<vmem>> -> memref<80x128xf32, #tpu.memory_space<vmem>>
    %dma_start3A_204 = arith.constant 0 : i32
    %dma_start3A_205 = arith.constant 0 : i32
    %dma_start3A_206 = tpu.memref_slice %arg3[%dma_start3A_204, %dma_start3A_205] : memref<300000x128xf32, #tpu.memory_space<hbm>> -> memref<300000x128xf32, #tpu.memory_space<hbm>>
    tpu.enqueue_indirect_dma source(%dma_start3A_206 : memref<300000x128xf32, #tpu.memory_space<hbm>>) target(%dma_start3A_203 : memref<80x128xf32, #tpu.memory_space<vmem>>) offsets(%arg8 : memref<80xi32, #tpu.memory_space<vmem>>) semaphore(%arg20 : memref<!tpu.dma_semaphore, #tpu.memory_space<semaphore_mem>>)
    %dma_start3A_207 = arith.constant 0 : i32
    %dma_start3A_208 = arith.constant 128 : i32
    %dma_start3A_209 = tpu.memref_slice %arg14[%dma_start3A_207, %dma_start3A_208] : memref<80x300xf32, #tpu.memory_space<vmem>> -> memref<80x128xf32, #tpu.memory_space<vmem>>
    %dma_start3A_210 = arith.constant 0 : i32
    %dma_start3A_211 = arith.constant 0 : i32
    %dma_start3A_212 = tpu.memref_slice %arg3[%dma_start3A_210, %dma_start3A_211] : memref<300000x128xf32, #tpu.memory_space<hbm>> -> memref<300000x128xf32, #tpu.memory_space<hbm>>
    tpu.enqueue_indirect_dma source(%dma_start3A_212 : memref<300000x128xf32, #tpu.memory_space<hbm>>) target(%dma_start3A_209 : memref<80x128xf32, #tpu.memory_space<vmem>>) offsets(%arg10 : memref<80xi32, #tpu.memory_space<vmem>>) semaphore(%arg20 : memref<!tpu.dma_semaphore, #tpu.memory_space<semaphore_mem>>)
    %dma_start3A_213 = arith.constant 0 : i32
    %dma_start3A_214 = arith.constant 0 : i32
    %dma_start3A_215 = tpu.memref_slice %arg3[%dma_start3A_213, %dma_start3A_214] : memref<300000x128xf32, #tpu.memory_space<hbm>> -> memref<300000x128xf32, #tpu.memory_space<hbm>>
    tpu.enqueue_indirect_dma source(%dma_start3A_215 : memref<300000x128xf32, #tpu.memory_space<hbm>>) target(%arg16 : memref<80x128xf32, #tpu.memory_space<vmem>>) offsets(%arg12 : memref<80xi32, #tpu.memory_space<vmem>>) semaphore(%arg20 : memref<!tpu.dma_semaphore, #tpu.memory_space<semaphore_mem>>)
    %rem3A_216 = arith.constant 2 : i32
    %rem3A_217 = arith.constant 320 : i32
    %rem3A_218 = arith.remsi %rem3A_216, %rem3A_217 : i32
    %dma_wait3A_219 = arith.constant 0 : i32
    %dma_wait3A_220 = arith.constant 0 : i32
    %dma_wait3A_221 = tpu.memref_slice %arg4[%dma_wait3A_219, %dma_wait3A_220] : memref<819200x300xf32, #tpu.memory_space<hbm>> -> memref<80x300xf32, #tpu.memory_space<hbm>>
    %dma_wait3A_222 = arith.constant 0 : i32
    %dma_wait3A_223 = arith.constant 0 : i32
    %dma_wait3A_224 = tpu.memref_slice %arg4[%dma_wait3A_222, %dma_wait3A_223] : memref<819200x300xf32, #tpu.memory_space<hbm>> -> memref<80x300xf32, #tpu.memory_space<hbm>>
    tpu.wait_dma2 semaphore(%arg21 : memref<!tpu.dma_semaphore, #tpu.memory_space<semaphore_mem>>) src(%arg13 : memref<80x300xf32, #tpu.memory_space<vmem>>) dst(%dma_wait3A_224 : memref<80x300xf32, #tpu.memory_space<hbm>>)
    %mul3A_225 = arith.constant 80 : i32
    %mul3A_226 = arith.muli %rem3A_218, %mul3A_225 : i32
    %add3A_227 = arith.addi %mul3A_2, %mul3A_226 : i32
    %dma_start3A_228 = tpu.memref_slice %arg2[%add3A_227] : memref<819200xi32, #tpu.memory_space<hbm>> -> memref<80xi32, #tpu.memory_space<hbm>>
    %dma_start3A_229 = tpu.memref_slice %arg2[%add3A_227] : memref<819200xi32, #tpu.memory_space<hbm>> -> memref<80xi32, #tpu.memory_space<hbm>>
    tpu.enqueue_dma source(%dma_start3A_229 : memref<80xi32, #tpu.memory_space<hbm>>) target(%arg5 : memref<80xi32, #tpu.memory_space<vmem>>) target_semaphore(%arg17 : memref<!tpu.dma_semaphore, #tpu.memory_space<semaphore_mem>>)
    %dma_wait3A_230 = arith.constant 0 : i32
    %dma_wait3A_231 = arith.constant 0 : i32
    %dma_wait3A_232 = tpu.memref_slice %arg14[%dma_wait3A_230, %dma_wait3A_231] : memref<80x300xf32, #tpu.memory_space<vmem>> -> memref<80x128xf32, #tpu.memory_space<vmem>>
    %dma_wait3A_233 = arith.constant 0 : i32
    %dma_wait3A_234 = arith.constant 0 : i32
    %dma_wait3A_235 = tpu.memref_slice %arg3[%dma_wait3A_233, %dma_wait3A_234] : memref<300000x128xf32, #tpu.memory_space<hbm>> -> memref<300000x128xf32, #tpu.memory_space<hbm>>
    tpu.wait_indirect_dma semaphore(%arg20 : memref<!tpu.dma_semaphore, #tpu.memory_space<semaphore_mem>>) src(%dma_wait3A_235 : memref<300000x128xf32, #tpu.memory_space<hbm>>) dst(%dma_wait3A_232 : memref<80x128xf32, #tpu.memory_space<vmem>>)
    %dma_wait3A_236 = arith.constant 0 : i32
    %dma_wait3A_237 = arith.constant 128 : i32
    %dma_wait3A_238 = tpu.memref_slice %arg14[%dma_wait3A_236, %dma_wait3A_237] : memref<80x300xf32, #tpu.memory_space<vmem>> -> memref<80x128xf32, #tpu.memory_space<vmem>>
    %dma_wait3A_239 = arith.constant 0 : i32
    %dma_wait3A_240 = arith.constant 0 : i32
    %dma_wait3A_241 = tpu.memref_slice %arg3[%dma_wait3A_239, %dma_wait3A_240] : memref<300000x128xf32, #tpu.memory_space<hbm>> -> memref<300000x128xf32, #tpu.memory_space<hbm>>
    tpu.wait_indirect_dma semaphore(%arg20 : memref<!tpu.dma_semaphore, #tpu.memory_space<semaphore_mem>>) src(%dma_wait3A_241 : memref<300000x128xf32, #tpu.memory_space<hbm>>) dst(%dma_wait3A_238 : memref<80x128xf32, #tpu.memory_space<vmem>>)
    %dma_wait3A_242 = arith.constant 0 : i32
    %dma_wait3A_243 = arith.constant 0 : i32
    %dma_wait3A_244 = tpu.memref_slice %arg3[%dma_wait3A_242, %dma_wait3A_243] : memref<300000x128xf32, #tpu.memory_space<hbm>> -> memref<300000x128xf32, #tpu.memory_space<hbm>>
    tpu.wait_indirect_dma semaphore(%arg20 : memref<!tpu.dma_semaphore, #tpu.memory_space<semaphore_mem>>) src(%dma_wait3A_244 : memref<300000x128xf32, #tpu.memory_space<hbm>>) dst(%arg16 : memref<80x128xf32, #tpu.memory_space<vmem>>)
    %scan3A_245 = arith.constant 0 : i32
    %scan3A_246 = arith.constant 0 : i32
    %scan3A_247 = arith.constant 10 : i32
    %scan3A_248 = arith.addi %scan3A_246, %scan3A_247 : i32
    %scan3A_249 = arith.constant 1 : i32
    scf.for %scan3A_373 = %scan3A_246 to %scan3A_248 step %scan3A_249  : i32 {
      %mul3A_374 = arith.constant 8 : i32
      %mul3A_375 = arith.muli %scan3A_373, %mul3A_374 : i32
      %add3A_376 = arith.constant 0 : i32
      %add3A_377 = arith.addi %mul3A_375, %add3A_376 : i32
      %get3A_378 = arith.index_cast %add3A_377 : i32 to index
      %get3A_379 = arith.constant 0 : index
      %get3A_380 = tpu.vector_load %arg16[%get3A_378, %get3A_379] {strides = array<i32>} : memref<80x128xf32, #tpu.memory_space<vmem>>, vector<16xf32>,
      %swap3A_381 = arith.index_cast %add3A_377 : i32 to index
      %swap3A_382 = arith.constant 256 : index
      %swap3A_383 = tpu.vector_load %arg14[%swap3A_381, %swap3A_382] {strides = array<i32>} : memref<80x300xf32, #tpu.memory_space<vmem>>, vector<16xf32>,
      tpu.vector_store %arg14[%swap3A_381, %swap3A_382], %get3A_380 {strides = array<i32>} : memref<80x300xf32, #tpu.memory_space<vmem>>, vector<16xf32>,
      %get3A_384 = arith.index_cast %add3A_377 : i32 to index
      %get3A_385 = arith.constant 16 : index
      %get3A_386 = tpu.vector_load %arg16[%get3A_384, %get3A_385] {strides = array<i32>} : memref<80x128xf32, #tpu.memory_space<vmem>>, vector<16xf32>,
      %swap3A_387 = arith.index_cast %add3A_377 : i32 to index
      %swap3A_388 = arith.constant 272 : index
      %swap3A_389 = tpu.vector_load %arg14[%swap3A_387, %swap3A_388] {strides = array<i32>} : memref<80x300xf32, #tpu.memory_space<vmem>>, vector<16xf32>,
      tpu.vector_store %arg14[%swap3A_387, %swap3A_388], %get3A_386 {strides = array<i32>} : memref<80x300xf32, #tpu.memory_space<vmem>>, vector<16xf32>,
      %broadcast_in_dim3A = vector.broadcast %add3A_377 : i32 to vector<16xi32>
      %add3A_390 = arith.constant 288 : i32
      %add3A_391 = vector.broadcast %add3A_390 : i32 to vector<16xi32>
      %add3A_392 = arith.addi %add3A_391, %iota3A : vector<16xi32>
      %get3A_393 = arith.index_cast %add3A_377 : i32 to index
      %get3A_394 = arith.constant 32 : index
      %get3A_395 = tpu.vector_load %arg16[%get3A_393, %get3A_394] {strides = array<i32>} : memref<80x128xf32, #tpu.memory_space<vmem>>, vector<16xf32>,
      tpu.vector_store_idx %arg14[%broadcast_in_dim3A, %add3A_392], %get3A_395 masked %lt3A_4 : memref<80x300xf32, #tpu.memory_space<vmem>>[vector<16xi32>, vector<16xi32>], vector<16xf32>, vector<16xi1>
      %mul3A_396 = arith.constant 8 : i32
      %mul3A_397 = arith.muli %scan3A_373, %mul3A_396 : i32
      %add3A_398 = arith.constant 1 : i32
      %add3A_399 = arith.addi %mul3A_397, %add3A_398 : i32
      %get3A_400 = arith.index_cast %add3A_399 : i32 to index
      %get3A_401 = arith.constant 0 : index
      %get3A_402 = tpu.vector_load %arg16[%get3A_400, %get3A_401] {strides = array<i32>} : memref<80x128xf32, #tpu.memory_space<vmem>>, vector<16xf32>,
      %swap3A_403 = arith.index_cast %add3A_399 : i32 to index
      %swap3A_404 = arith.constant 256 : index
      %swap3A_405 = tpu.vector_load %arg14[%swap3A_403, %swap3A_404] {strides = array<i32>} : memref<80x300xf32, #tpu.memory_space<vmem>>, vector<16xf32>,
      tpu.vector_store %arg14[%swap3A_403, %swap3A_404], %get3A_402 {strides = array<i32>} : memref<80x300xf32, #tpu.memory_space<vmem>>, vector<16xf32>,
      %get3A_406 = arith.index_cast %add3A_399 : i32 to index
      %get3A_407 = arith.constant 16 : index
      %get3A_408 = tpu.vector_load %arg16[%get3A_406, %get3A_407] {strides = array<i32>} : memref<80x128xf32, #tpu.memory_space<vmem>>, vector<16xf32>,
      %swap3A_409 = arith.index_cast %add3A_399 : i32 to index
      %swap3A_410 = arith.constant 272 : index
      %swap3A_411 = tpu.vector_load %arg14[%swap3A_409, %swap3A_410] {strides = array<i32>} : memref<80x300xf32, #tpu.memory_space<vmem>>, vector<16xf32>,
      tpu.vector_store %arg14[%swap3A_409, %swap3A_410], %get3A_408 {strides = array<i32>} : memref<80x300xf32, #tpu.memory_space<vmem>>, vector<16xf32>,
      %broadcast_in_dim3A_412 = vector.broadcast %add3A_399 : i32 to vector<16xi32>
      %add3A_413 = arith.constant 288 : i32
      %add3A_414 = vector.broadcast %add3A_413 : i32 to vector<16xi32>
      %add3A_415 = arith.addi %add3A_414, %iota3A : vector<16xi32>
      %get3A_416 = arith.index_cast %add3A_399 : i32 to index
      %get3A_417 = arith.constant 32 : index
      %get3A_418 = tpu.vector_load %arg16[%get3A_416, %get3A_417] {strides = array<i32>} : memref<80x128xf32, #tpu.memory_space<vmem>>, vector<16xf32>,
      tpu.vector_store_idx %arg14[%broadcast_in_dim3A_412, %add3A_415], %get3A_418 masked %lt3A_4 : memref<80x300xf32, #tpu.memory_space<vmem>>[vector<16xi32>, vector<16xi32>], vector<16xf32>, vector<16xi1>
      %mul3A_419 = arith.constant 8 : i32
      %mul3A_420 = arith.muli %scan3A_373, %mul3A_419 : i32
      %add3A_421 = arith.constant 2 : i32
      %add3A_422 = arith.addi %mul3A_420, %add3A_421 : i32
      %get3A_423 = arith.index_cast %add3A_422 : i32 to index
      %get3A_424 = arith.constant 0 : index
      %get3A_425 = tpu.vector_load %arg16[%get3A_423, %get3A_424] {strides = array<i32>} : memref<80x128xf32, #tpu.memory_space<vmem>>, vector<16xf32>,
      %swap3A_426 = arith.index_cast %add3A_422 : i32 to index
      %swap3A_427 = arith.constant 256 : index
      %swap3A_428 = tpu.vector_load %arg14[%swap3A_426, %swap3A_427] {strides = array<i32>} : memref<80x300xf32, #tpu.memory_space<vmem>>, vector<16xf32>,
      tpu.vector_store %arg14[%swap3A_426, %swap3A_427], %get3A_425 {strides = array<i32>} : memref<80x300xf32, #tpu.memory_space<vmem>>, vector<16xf32>,
      %get3A_429 = arith.index_cast %add3A_422 : i32 to index
      %get3A_430 = arith.constant 16 : index
      %get3A_431 = tpu.vector_load %arg16[%get3A_429, %get3A_430] {strides = array<i32>} : memref<80x128xf32, #tpu.memory_space<vmem>>, vector<16xf32>,
      %swap3A_432 = arith.index_cast %add3A_422 : i32 to index
      %swap3A_433 = arith.constant 272 : index
      %swap3A_434 = tpu.vector_load %arg14[%swap3A_432, %swap3A_433] {strides = array<i32>} : memref<80x300xf32, #tpu.memory_space<vmem>>, vector<16xf32>,
      tpu.vector_store %arg14[%swap3A_432, %swap3A_433], %get3A_431 {strides = array<i32>} : memref<80x300xf32, #tpu.memory_space<vmem>>, vector<16xf32>,
      %broadcast_in_dim3A_435 = vector.broadcast %add3A_422 : i32 to vector<16xi32>
      %add3A_436 = arith.constant 288 : i32
      %add3A_437 = vector.broadcast %add3A_436 : i32 to vector<16xi32>
      %add3A_438 = arith.addi %add3A_437, %iota3A : vector<16xi32>
      %get3A_439 = arith.index_cast %add3A_422 : i32 to index
      %get3A_440 = arith.constant 32 : index
      %get3A_441 = tpu.vector_load %arg16[%get3A_439, %get3A_440] {strides = array<i32>} : memref<80x128xf32, #tpu.memory_space<vmem>>, vector<16xf32>,
      tpu.vector_store_idx %arg14[%broadcast_in_dim3A_435, %add3A_438], %get3A_441 masked %lt3A_4 : memref<80x300xf32, #tpu.memory_space<vmem>>[vector<16xi32>, vector<16xi32>], vector<16xf32>, vector<16xi1>
      %mul3A_442 = arith.constant 8 : i32
      %mul3A_443 = arith.muli %scan3A_373, %mul3A_442 : i32
      %add3A_444 = arith.constant 3 : i32
      %add3A_445 = arith.addi %mul3A_443, %add3A_444 : i32
      %get3A_446 = arith.index_cast %add3A_445 : i32 to index
      %get3A_447 = arith.constant 0 : index
      %get3A_448 = tpu.vector_load %arg16[%get3A_446, %get3A_447] {strides = array<i32>} : memref<80x128xf32, #tpu.memory_space<vmem>>, vector<16xf32>,
      %swap3A_449 = arith.index_cast %add3A_445 : i32 to index
      %swap3A_450 = arith.constant 256 : index
      %swap3A_451 = tpu.vector_load %arg14[%swap3A_449, %swap3A_450] {strides = array<i32>} : memref<80x300xf32, #tpu.memory_space<vmem>>, vector<16xf32>,
      tpu.vector_store %arg14[%swap3A_449, %swap3A_450], %get3A_448 {strides = array<i32>} : memref<80x300xf32, #tpu.memory_space<vmem>>, vector<16xf32>,
      %get3A_452 = arith.index_cast %add3A_445 : i32 to index
      %get3A_453 = arith.constant 16 : index
      %get3A_454 = tpu.vector_load %arg16[%get3A_452, %get3A_453] {strides = array<i32>} : memref<80x128xf32, #tpu.memory_space<vmem>>, vector<16xf32>,
      %swap3A_455 = arith.index_cast %add3A_445 : i32 to index
      %swap3A_456 = arith.constant 272 : index
      %swap3A_457 = tpu.vector_load %arg14[%swap3A_455, %swap3A_456] {strides = array<i32>} : memref<80x300xf32, #tpu.memory_space<vmem>>, vector<16xf32>,
      tpu.vector_store %arg14[%swap3A_455, %swap3A_456], %get3A_454 {strides = array<i32>} : memref<80x300xf32, #tpu.memory_space<vmem>>, vector<16xf32>,
      %broadcast_in_dim3A_458 = vector.broadcast %add3A_445 : i32 to vector<16xi32>
      %add3A_459 = arith.constant 288 : i32
      %add3A_460 = vector.broadcast %add3A_459 : i32 to vector<16xi32>
      %add3A_461 = arith.addi %add3A_460, %iota3A : vector<16xi32>
      %get3A_462 = arith.index_cast %add3A_445 : i32 to index
      %get3A_463 = arith.constant 32 : index
      %get3A_464 = tpu.vector_load %arg16[%get3A_462, %get3A_463] {strides = array<i32>} : memref<80x128xf32, #tpu.memory_space<vmem>>, vector<16xf32>,
      tpu.vector_store_idx %arg14[%broadcast_in_dim3A_458, %add3A_461], %get3A_464 masked %lt3A_4 : memref<80x300xf32, #tpu.memory_space<vmem>>[vector<16xi32>, vector<16xi32>], vector<16xf32>, vector<16xi1>
      %mul3A_465 = arith.constant 8 : i32
      %mul3A_466 = arith.muli %scan3A_373, %mul3A_465 : i32
      %add3A_467 = arith.constant 4 : i32
      %add3A_468 = arith.addi %mul3A_466, %add3A_467 : i32
      %get3A_469 = arith.index_cast %add3A_468 : i32 to index
      %get3A_470 = arith.constant 0 : index
      %get3A_471 = tpu.vector_load %arg16[%get3A_469, %get3A_470] {strides = array<i32>} : memref<80x128xf32, #tpu.memory_space<vmem>>, vector<16xf32>,
      %swap3A_472 = arith.index_cast %add3A_468 : i32 to index
      %swap3A_473 = arith.constant 256 : index
      %swap3A_474 = tpu.vector_load %arg14[%swap3A_472, %swap3A_473] {strides = array<i32>} : memref<80x300xf32, #tpu.memory_space<vmem>>, vector<16xf32>,
      tpu.vector_store %arg14[%swap3A_472, %swap3A_473], %get3A_471 {strides = array<i32>} : memref<80x300xf32, #tpu.memory_space<vmem>>, vector<16xf32>,
      %get3A_475 = arith.index_cast %add3A_468 : i32 to index
      %get3A_476 = arith.constant 16 : index
      %get3A_477 = tpu.vector_load %arg16[%get3A_475, %get3A_476] {strides = array<i32>} : memref<80x128xf32, #tpu.memory_space<vmem>>, vector<16xf32>,
      %swap3A_478 = arith.index_cast %add3A_468 : i32 to index
      %swap3A_479 = arith.constant 272 : index
      %swap3A_480 = tpu.vector_load %arg14[%swap3A_478, %swap3A_479] {strides = array<i32>} : memref<80x300xf32, #tpu.memory_space<vmem>>, vector<16xf32>,
      tpu.vector_store %arg14[%swap3A_478, %swap3A_479], %get3A_477 {strides = array<i32>} : memref<80x300xf32, #tpu.memory_space<vmem>>, vector<16xf32>,
      %broadcast_in_dim3A_481 = vector.broadcast %add3A_468 : i32 to vector<16xi32>
      %add3A_482 = arith.constant 288 : i32
      %add3A_483 = vector.broadcast %add3A_482 : i32 to vector<16xi32>
      %add3A_484 = arith.addi %add3A_483, %iota3A : vector<16xi32>
      %get3A_485 = arith.index_cast %add3A_468 : i32 to index
      %get3A_486 = arith.constant 32 : index
      %get3A_487 = tpu.vector_load %arg16[%get3A_485, %get3A_486] {strides = array<i32>} : memref<80x128xf32, #tpu.memory_space<vmem>>, vector<16xf32>,
      tpu.vector_store_idx %arg14[%broadcast_in_dim3A_481, %add3A_484], %get3A_487 masked %lt3A_4 : memref<80x300xf32, #tpu.memory_space<vmem>>[vector<16xi32>, vector<16xi32>], vector<16xf32>, vector<16xi1>
      %mul3A_488 = arith.constant 8 : i32
      %mul3A_489 = arith.muli %scan3A_373, %mul3A_488 : i32
      %add3A_490 = arith.constant 5 : i32
      %add3A_491 = arith.addi %mul3A_489, %add3A_490 : i32
      %get3A_492 = arith.index_cast %add3A_491 : i32 to index
      %get3A_493 = arith.constant 0 : index
      %get3A_494 = tpu.vector_load %arg16[%get3A_492, %get3A_493] {strides = array<i32>} : memref<80x128xf32, #tpu.memory_space<vmem>>, vector<16xf32>,
      %swap3A_495 = arith.index_cast %add3A_491 : i32 to index
      %swap3A_496 = arith.constant 256 : index
      %swap3A_497 = tpu.vector_load %arg14[%swap3A_495, %swap3A_496] {strides = array<i32>} : memref<80x300xf32, #tpu.memory_space<vmem>>, vector<16xf32>,
      tpu.vector_store %arg14[%swap3A_495, %swap3A_496], %get3A_494 {strides = array<i32>} : memref<80x300xf32, #tpu.memory_space<vmem>>, vector<16xf32>,
      %get3A_498 = arith.index_cast %add3A_491 : i32 to index
      %get3A_499 = arith.constant 16 : index
      %get3A_500 = tpu.vector_load %arg16[%get3A_498, %get3A_499] {strides = array<i32>} : memref<80x128xf32, #tpu.memory_space<vmem>>, vector<16xf32>,
      %swap3A_501 = arith.index_cast %add3A_491 : i32 to index
      %swap3A_502 = arith.constant 272 : index
      %swap3A_503 = tpu.vector_load %arg14[%swap3A_501, %swap3A_502] {strides = array<i32>} : memref<80x300xf32, #tpu.memory_space<vmem>>, vector<16xf32>,
      tpu.vector_store %arg14[%swap3A_501, %swap3A_502], %get3A_500 {strides = array<i32>} : memref<80x300xf32, #tpu.memory_space<vmem>>, vector<16xf32>,
      %broadcast_in_dim3A_504 = vector.broadcast %add3A_491 : i32 to vector<16xi32>
      %add3A_505 = arith.constant 288 : i32
      %add3A_506 = vector.broadcast %add3A_505 : i32 to vector<16xi32>
      %add3A_507 = arith.addi %add3A_506, %iota3A : vector<16xi32>
      %get3A_508 = arith.index_cast %add3A_491 : i32 to index
      %get3A_509 = arith.constant 32 : index
      %get3A_510 = tpu.vector_load %arg16[%get3A_508, %get3A_509] {strides = array<i32>} : memref<80x128xf32, #tpu.memory_space<vmem>>, vector<16xf32>,
      tpu.vector_store_idx %arg14[%broadcast_in_dim3A_504, %add3A_507], %get3A_510 masked %lt3A_4 : memref<80x300xf32, #tpu.memory_space<vmem>>[vector<16xi32>, vector<16xi32>], vector<16xf32>, vector<16xi1>
      %mul3A_511 = arith.constant 8 : i32
      %mul3A_512 = arith.muli %scan3A_373, %mul3A_511 : i32
      %add3A_513 = arith.constant 6 : i32
      %add3A_514 = arith.addi %mul3A_512, %add3A_513 : i32
      %get3A_515 = arith.index_cast %add3A_514 : i32 to index
      %get3A_516 = arith.constant 0 : index
      %get3A_517 = tpu.vector_load %arg16[%get3A_515, %get3A_516] {strides = array<i32>} : memref<80x128xf32, #tpu.memory_space<vmem>>, vector<16xf32>,
      %swap3A_518 = arith.index_cast %add3A_514 : i32 to index
      %swap3A_519 = arith.constant 256 : index
      %swap3A_520 = tpu.vector_load %arg14[%swap3A_518, %swap3A_519] {strides = array<i32>} : memref<80x300xf32, #tpu.memory_space<vmem>>, vector<16xf32>,
      tpu.vector_store %arg14[%swap3A_518, %swap3A_519], %get3A_517 {strides = array<i32>} : memref<80x300xf32, #tpu.memory_space<vmem>>, vector<16xf32>,
      %get3A_521 = arith.index_cast %add3A_514 : i32 to index
      %get3A_522 = arith.constant 16 : index
      %get3A_523 = tpu.vector_load %arg16[%get3A_521, %get3A_522] {strides = array<i32>} : memref<80x128xf32, #tpu.memory_space<vmem>>, vector<16xf32>,
      %swap3A_524 = arith.index_cast %add3A_514 : i32 to index
      %swap3A_525 = arith.constant 272 : index
      %swap3A_526 = tpu.vector_load %arg14[%swap3A_524, %swap3A_525] {strides = array<i32>} : memref<80x300xf32, #tpu.memory_space<vmem>>, vector<16xf32>,
      tpu.vector_store %arg14[%swap3A_524, %swap3A_525], %get3A_523 {strides = array<i32>} : memref<80x300xf32, #tpu.memory_space<vmem>>, vector<16xf32>,
      %broadcast_in_dim3A_527 = vector.broadcast %add3A_514 : i32 to vector<16xi32>
      %add3A_528 = arith.constant 288 : i32
      %add3A_529 = vector.broadcast %add3A_528 : i32 to vector<16xi32>
      %add3A_530 = arith.addi %add3A_529, %iota3A : vector<16xi32>
      %get3A_531 = arith.index_cast %add3A_514 : i32 to index
      %get3A_532 = arith.constant 32 : index
      %get3A_533 = tpu.vector_load %arg16[%get3A_531, %get3A_532] {strides = array<i32>} : memref<80x128xf32, #tpu.memory_space<vmem>>, vector<16xf32>,
      tpu.vector_store_idx %arg14[%broadcast_in_dim3A_527, %add3A_530], %get3A_533 masked %lt3A_4 : memref<80x300xf32, #tpu.memory_space<vmem>>[vector<16xi32>, vector<16xi32>], vector<16xf32>, vector<16xi1>
      %mul3A_534 = arith.constant 8 : i32
      %mul3A_535 = arith.muli %scan3A_373, %mul3A_534 : i32
      %add3A_536 = arith.constant 7 : i32
      %add3A_537 = arith.addi %mul3A_535, %add3A_536 : i32
      %get3A_538 = arith.index_cast %add3A_537 : i32 to index
      %get3A_539 = arith.constant 0 : index
      %get3A_540 = tpu.vector_load %arg16[%get3A_538, %get3A_539] {strides = array<i32>} : memref<80x128xf32, #tpu.memory_space<vmem>>, vector<16xf32>,
      %swap3A_541 = arith.index_cast %add3A_537 : i32 to index
      %swap3A_542 = arith.constant 256 : index
      %swap3A_543 = tpu.vector_load %arg14[%swap3A_541, %swap3A_542] {strides = array<i32>} : memref<80x300xf32, #tpu.memory_space<vmem>>, vector<16xf32>,
      tpu.vector_store %arg14[%swap3A_541, %swap3A_542], %get3A_540 {strides = array<i32>} : memref<80x300xf32, #tpu.memory_space<vmem>>, vector<16xf32>,
      %get3A_544 = arith.index_cast %add3A_537 : i32 to index
      %get3A_545 = arith.constant 16 : index
      %get3A_546 = tpu.vector_load %arg16[%get3A_544, %get3A_545] {strides = array<i32>} : memref<80x128xf32, #tpu.memory_space<vmem>>, vector<16xf32>,
      %swap3A_547 = arith.index_cast %add3A_537 : i32 to index
      %swap3A_548 = arith.constant 272 : index
      %swap3A_549 = tpu.vector_load %arg14[%swap3A_547, %swap3A_548] {strides = array<i32>} : memref<80x300xf32, #tpu.memory_space<vmem>>, vector<16xf32>,
      tpu.vector_store %arg14[%swap3A_547, %swap3A_548], %get3A_546 {strides = array<i32>} : memref<80x300xf32, #tpu.memory_space<vmem>>, vector<16xf32>,
      %broadcast_in_dim3A_550 = vector.broadcast %add3A_537 : i32 to vector<16xi32>
      %add3A_551 = arith.constant 288 : i32
      %add3A_552 = vector.broadcast %add3A_551 : i32 to vector<16xi32>
      %add3A_553 = arith.addi %add3A_552, %iota3A : vector<16xi32>
      %get3A_554 = arith.index_cast %add3A_537 : i32 to index
      %get3A_555 = arith.constant 32 : index
      %get3A_556 = tpu.vector_load %arg16[%get3A_554, %get3A_555] {strides = array<i32>} : memref<80x128xf32, #tpu.memory_space<vmem>>, vector<16xf32>,
      tpu.vector_store_idx %arg14[%broadcast_in_dim3A_550, %add3A_553], %get3A_556 masked %lt3A_4 : memref<80x300xf32, #tpu.memory_space<vmem>>[vector<16xi32>, vector<16xi32>], vector<16xf32>, vector<16xi1>
    }
    %scan3A_250 = arith.constant 10 : i32
    %add3A_251 = arith.constant 80 : i32
    %add3A_252 = arith.addi %mul3A_2, %add3A_251 : i32
    %dma_start3A_253 = arith.constant 0 : i32
    %dma_start3A_254 = tpu.memref_slice %arg4[%add3A_252, %dma_start3A_253] : memref<819200x300xf32, #tpu.memory_space<hbm>> -> memref<80x300xf32, #tpu.memory_space<hbm>>
    %dma_start3A_255 = arith.constant 0 : i32
    %dma_start3A_256 = tpu.memref_slice %arg4[%add3A_252, %dma_start3A_255] : memref<819200x300xf32, #tpu.memory_space<hbm>> -> memref<80x300xf32, #tpu.memory_space<hbm>>
    tpu.enqueue_dma source(%arg14 : memref<80x300xf32, #tpu.memory_space<vmem>>) target(%dma_start3A_256 : memref<80x300xf32, #tpu.memory_space<hbm>>) target_semaphore(%arg22 : memref<!tpu.dma_semaphore, #tpu.memory_space<semaphore_mem>>)
    %dma_wait3A_257 = arith.constant 0 : i32
    %dma_wait3A_258 = tpu.memref_slice %arg2[%dma_wait3A_257] : memref<819200xi32, #tpu.memory_space<hbm>> -> memref<80xi32, #tpu.memory_space<hbm>>
    %dma_wait3A_259 = arith.constant 0 : i32
    %dma_wait3A_260 = tpu.memref_slice %arg2[%dma_wait3A_259] : memref<819200xi32, #tpu.memory_space<hbm>> -> memref<80xi32, #tpu.memory_space<hbm>>
    tpu.wait_dma2 semaphore(%arg17 : memref<!tpu.dma_semaphore, #tpu.memory_space<semaphore_mem>>) src(%dma_wait3A_260 : memref<80xi32, #tpu.memory_space<hbm>>) dst(%arg5 : memref<80xi32, #tpu.memory_space<vmem>>)
    %get3A_261 = arith.constant 0 : index
    %get3A_262 = tpu.vector_load %arg5[%get3A_261] {strides = array<i32>} : memref<80xi32, #tpu.memory_space<vmem>>, vector<16xi32>,
    %swap3A_263 = arith.constant 0 : index
    %swap3A_264 = tpu.vector_load %arg7[%swap3A_263] {strides = array<i32>} : memref<80xi32, #tpu.memory_space<vmem>>, vector<16xi32>,
    tpu.vector_store %arg7[%swap3A_263], %get3A_262 {strides = array<i32>} : memref<80xi32, #tpu.memory_space<vmem>>, vector<16xi32>,
    %add3A_265 = arith.constant 100000 : i32
    %add3A_266 = vector.broadcast %add3A_265 : i32 to vector<16xi32>
    %add3A_267 = arith.addi %get3A_262, %add3A_266 : vector<16xi32>
    %swap3A_268 = arith.constant 0 : index
    %swap3A_269 = tpu.vector_load %arg9[%swap3A_268] {strides = array<i32>} : memref<80xi32, #tpu.memory_space<vmem>>, vector<16xi32>,
    tpu.vector_store %arg9[%swap3A_268], %add3A_267 {strides = array<i32>} : memref<80xi32, #tpu.memory_space<vmem>>, vector<16xi32>,
    %add3A_270 = arith.constant 200000 : i32
    %add3A_271 = vector.broadcast %add3A_270 : i32 to vector<16xi32>
    %add3A_272 = arith.addi %get3A_262, %add3A_271 : vector<16xi32>
    %swap3A_273 = arith.constant 0 : index
    %swap3A_274 = tpu.vector_load %arg11[%swap3A_273] {strides = array<i32>} : memref<80xi32, #tpu.memory_space<vmem>>, vector<16xi32>,
    tpu.vector_store %arg11[%swap3A_273], %add3A_272 {strides = array<i32>} : memref<80xi32, #tpu.memory_space<vmem>>, vector<16xi32>,
    %get3A_275 = arith.constant 16 : index
    %get3A_276 = tpu.vector_load %arg5[%get3A_275] {strides = array<i32>} : memref<80xi32, #tpu.memory_space<vmem>>, vector<16xi32>,
    %swap3A_277 = arith.constant 16 : index
    %swap3A_278 = tpu.vector_load %arg7[%swap3A_277] {strides = array<i32>} : memref<80xi32, #tpu.memory_space<vmem>>, vector<16xi32>,
    tpu.vector_store %arg7[%swap3A_277], %get3A_276 {strides = array<i32>} : memref<80xi32, #tpu.memory_space<vmem>>, vector<16xi32>,
    %add3A_279 = arith.constant 100000 : i32
    %add3A_280 = vector.broadcast %add3A_279 : i32 to vector<16xi32>
    %add3A_281 = arith.addi %get3A_276, %add3A_280 : vector<16xi32>
    %swap3A_282 = arith.constant 16 : index
    %swap3A_283 = tpu.vector_load %arg9[%swap3A_282] {strides = array<i32>} : memref<80xi32, #tpu.memory_space<vmem>>, vector<16xi32>,
    tpu.vector_store %arg9[%swap3A_282], %add3A_281 {strides = array<i32>} : memref<80xi32, #tpu.memory_space<vmem>>, vector<16xi32>,
    %add3A_284 = arith.constant 200000 : i32
    %add3A_285 = vector.broadcast %add3A_284 : i32 to vector<16xi32>
    %add3A_286 = arith.addi %get3A_276, %add3A_285 : vector<16xi32>
    %swap3A_287 = arith.constant 16 : index
    %swap3A_288 = tpu.vector_load %arg11[%swap3A_287] {strides = array<i32>} : memref<80xi32, #tpu.memory_space<vmem>>, vector<16xi32>,
    tpu.vector_store %arg11[%swap3A_287], %add3A_286 {strides = array<i32>} : memref<80xi32, #tpu.memory_space<vmem>>, vector<16xi32>,
    %get3A_289 = arith.constant 32 : index
    %get3A_290 = tpu.vector_load %arg5[%get3A_289] {strides = array<i32>} : memref<80xi32, #tpu.memory_space<vmem>>, vector<16xi32>,
    %swap3A_291 = arith.constant 32 : index
    %swap3A_292 = tpu.vector_load %arg7[%swap3A_291] {strides = array<i32>} : memref<80xi32, #tpu.memory_space<vmem>>, vector<16xi32>,
    tpu.vector_store %arg7[%swap3A_291], %get3A_290 {strides = array<i32>} : memref<80xi32, #tpu.memory_space<vmem>>, vector<16xi32>,
    %add3A_293 = arith.constant 100000 : i32
    %add3A_294 = vector.broadcast %add3A_293 : i32 to vector<16xi32>
    %add3A_295 = arith.addi %get3A_290, %add3A_294 : vector<16xi32>
    %swap3A_296 = arith.constant 32 : index
    %swap3A_297 = tpu.vector_load %arg9[%swap3A_296] {strides = array<i32>} : memref<80xi32, #tpu.memory_space<vmem>>, vector<16xi32>,
    tpu.vector_store %arg9[%swap3A_296], %add3A_295 {strides = array<i32>} : memref<80xi32, #tpu.memory_space<vmem>>, vector<16xi32>,
    %add3A_298 = arith.constant 200000 : i32
    %add3A_299 = vector.broadcast %add3A_298 : i32 to vector<16xi32>
    %add3A_300 = arith.addi %get3A_290, %add3A_299 : vector<16xi32>
    %swap3A_301 = arith.constant 32 : index
    %swap3A_302 = tpu.vector_load %arg11[%swap3A_301] {strides = array<i32>} : memref<80xi32, #tpu.memory_space<vmem>>, vector<16xi32>,
    tpu.vector_store %arg11[%swap3A_301], %add3A_300 {strides = array<i32>} : memref<80xi32, #tpu.memory_space<vmem>>, vector<16xi32>,
    %get3A_303 = arith.constant 48 : index
    %get3A_304 = tpu.vector_load %arg5[%get3A_303] {strides = array<i32>} : memref<80xi32, #tpu.memory_space<vmem>>, vector<16xi32>,
    %swap3A_305 = arith.constant 48 : index
    %swap3A_306 = tpu.vector_load %arg7[%swap3A_305] {strides = array<i32>} : memref<80xi32, #tpu.memory_space<vmem>>, vector<16xi32>,
    tpu.vector_store %arg7[%swap3A_305], %get3A_304 {strides = array<i32>} : memref<80xi32, #tpu.memory_space<vmem>>, vector<16xi32>,
    %add3A_307 = arith.constant 100000 : i32
    %add3A_308 = vector.broadcast %add3A_307 : i32 to vector<16xi32>
    %add3A_309 = arith.addi %get3A_304, %add3A_308 : vector<16xi32>
    %swap3A_310 = arith.constant 48 : index
    %swap3A_311 = tpu.vector_load %arg9[%swap3A_310] {strides = array<i32>} : memref<80xi32, #tpu.memory_space<vmem>>, vector<16xi32>,
    tpu.vector_store %arg9[%swap3A_310], %add3A_309 {strides = array<i32>} : memref<80xi32, #tpu.memory_space<vmem>>, vector<16xi32>,
    %add3A_312 = arith.constant 200000 : i32
    %add3A_313 = vector.broadcast %add3A_312 : i32 to vector<16xi32>
    %add3A_314 = arith.addi %get3A_304, %add3A_313 : vector<16xi32>
    %swap3A_315 = arith.constant 48 : index
    %swap3A_316 = tpu.vector_load %arg11[%swap3A_315] {strides = array<i32>} : memref<80xi32, #tpu.memory_space<vmem>>, vector<16xi32>,
    tpu.vector_store %arg11[%swap3A_315], %add3A_314 {strides = array<i32>} : memref<80xi32, #tpu.memory_space<vmem>>, vector<16xi32>,
    %get3A_317 = arith.constant 64 : index
    %get3A_318 = tpu.vector_load %arg5[%get3A_317] {strides = array<i32>} : memref<80xi32, #tpu.memory_space<vmem>>, vector<16xi32>,
    %swap3A_319 = arith.constant 64 : index
    %swap3A_320 = tpu.vector_load %arg7[%swap3A_319] {strides = array<i32>} : memref<80xi32, #tpu.memory_space<vmem>>, vector<16xi32>,
    tpu.vector_store %arg7[%swap3A_319], %get3A_318 {strides = array<i32>} : memref<80xi32, #tpu.memory_space<vmem>>, vector<16xi32>,
    %add3A_321 = arith.constant 100000 : i32
    %add3A_322 = vector.broadcast %add3A_321 : i32 to vector<16xi32>
    %add3A_323 = arith.addi %get3A_318, %add3A_322 : vector<16xi32>
    %swap3A_324 = arith.constant 64 : index
    %swap3A_325 = tpu.vector_load %arg9[%swap3A_324] {strides = array<i32>} : memref<80xi32, #tpu.memory_space<vmem>>, vector<16xi32>,
    tpu.vector_store %arg9[%swap3A_324], %add3A_323 {strides = array<i32>} : memref<80xi32, #tpu.memory_space<vmem>>, vector<16xi32>,
    %add3A_326 = arith.constant 200000 : i32
    %add3A_327 = vector.broadcast %add3A_326 : i32 to vector<16xi32>
    %add3A_328 = arith.addi %get3A_318, %add3A_327 : vector<16xi32>
    %swap3A_329 = arith.constant 64 : index
    %swap3A_330 = tpu.vector_load %arg11[%swap3A_329] {strides = array<i32>} : memref<80xi32, #tpu.memory_space<vmem>>, vector<16xi32>,
    tpu.vector_store %arg11[%swap3A_329], %add3A_328 {strides = array<i32>} : memref<80xi32, #tpu.memory_space<vmem>>, vector<16xi32>,
    %dma_start3A_331 = arith.constant 0 : i32
    %dma_start3A_332 = arith.constant 0 : i32
    %dma_start3A_333 = tpu.memref_slice %arg13[%dma_start3A_331, %dma_start3A_332] : memref<80x300xf32, #tpu.memory_space<vmem>> -> memref<80x128xf32, #tpu.memory_space<vmem>>
    %dma_start3A_334 = arith.constant 0 : i32
    %dma_start3A_335 = arith.constant 0 : i32
    %dma_start3A_336 = tpu.memref_slice %arg3[%dma_start3A_334, %dma_start3A_335] : memref<300000x128xf32, #tpu.memory_space<hbm>> -> memref<300000x128xf32, #tpu.memory_space<hbm>>
    tpu.enqueue_indirect_dma source(%dma_start3A_336 : memref<300000x128xf32, #tpu.memory_space<hbm>>) target(%dma_start3A_333 : memref<80x128xf32, #tpu.memory_space<vmem>>) offsets(%arg7 : memref<80xi32, #tpu.memory_space<vmem>>) semaphore(%arg19 : memref<!tpu.dma_semaphore, #tpu.memory_space<semaphore_mem>>)
    %dma_start3A_337 = arith.constant 0 : i32
    %dma_start3A_338 = arith.constant 128 : i32
    %dma_start3A_339 = tpu.memref_slice %arg13[%dma_start3A_337, %dma_start3A_338] : memref<80x300xf32, #tpu.memory_space<vmem>> -> memref<80x128xf32, #tpu.memory_space<vmem>>
    %dma_start3A_340 = arith.constant 0 : i32
    %dma_start3A_341 = arith.constant 0 : i32
    %dma_start3A_342 = tpu.memref_slice %arg3[%dma_start3A_340, %dma_start3A_341] : memref<300000x128xf32, #tpu.memory_space<hbm>> -> memref<300000x128xf32, #tpu.memory_space<hbm>>
    tpu.enqueue_indirect_dma source(%dma_start3A_342 : memref<300000x128xf32, #tpu.memory_space<hbm>>) target(%dma_start3A_339 : memref<80x128xf32, #tpu.memory_space<vmem>>) offsets(%arg9 : memref<80xi32, #tpu.memory_space<vmem>>) semaphore(%arg19 : memref<!tpu.dma_semaphore, #tpu.memory_space<semaphore_mem>>)
    %dma_start3A_343 = arith.constant 0 : i32
    %dma_start3A_344 = arith.constant 0 : i32
    %dma_start3A_345 = tpu.memref_slice %arg3[%dma_start3A_343, %dma_start3A_344] : memref<300000x128xf32, #tpu.memory_space<hbm>> -> memref<300000x128xf32, #tpu.memory_space<hbm>>
    tpu.enqueue_indirect_dma source(%dma_start3A_345 : memref<300000x128xf32, #tpu.memory_space<hbm>>) target(%arg15 : memref<80x128xf32, #tpu.memory_space<vmem>>) offsets(%arg11 : memref<80xi32, #tpu.memory_space<vmem>>) semaphore(%arg19 : memref<!tpu.dma_semaphore, #tpu.memory_space<semaphore_mem>>)
    %scan3A_346 = arith.constant 0 : i32
    %scan3A_347 = arith.constant 1 : i32
    %scan3A_348 = arith.constant 159 : i32
    %scan3A_349 = arith.addi %scan3A_347, %scan3A_348 : i32
    %scan3A_350 = arith.constant 1 : i32
    scf.for %scan3A_373 = %scan3A_347 to %scan3A_349 step %scan3A_350  : i32 {
      %mul3A_374 = arith.constant 2 : i32
      %mul3A_375 = arith.muli %mul3A_374, %scan3A_373 : i32
      %add3A_376 = arith.constant 0 : i32
      %add3A_377 = arith.addi %mul3A_375, %add3A_376 : i32
      %add3A_378 = arith.constant 1 : i32
      %add3A_379 = arith.addi %add3A_377, %add3A_378 : i32
      %rem3A_380 = arith.constant 320 : i32
      %rem3A_381 = arith.remsi %add3A_379, %rem3A_380 : i32
      %dma_wait3A_382 = arith.constant 0 : i32
      %dma_wait3A_383 = arith.constant 0 : i32
      %dma_wait3A_384 = tpu.memref_slice %arg4[%dma_wait3A_382, %dma_wait3A_383] : memref<819200x300xf32, #tpu.memory_space<hbm>> -> memref<80x300xf32, #tpu.memory_space<hbm>>
      %dma_wait3A_385 = arith.constant 0 : i32
      %dma_wait3A_386 = arith.constant 0 : i32
      %dma_wait3A_387 = tpu.memref_slice %arg4[%dma_wait3A_385, %dma_wait3A_386] : memref<819200x300xf32, #tpu.memory_space<hbm>> -> memref<80x300xf32, #tpu.memory_space<hbm>>
      tpu.wait_dma2 semaphore(%arg22 : memref<!tpu.dma_semaphore, #tpu.memory_space<semaphore_mem>>) src(%arg14 : memref<80x300xf32, #tpu.memory_space<vmem>>) dst(%dma_wait3A_387 : memref<80x300xf32, #tpu.memory_space<hbm>>)
      %mul3A_388 = arith.constant 80 : i32
      %mul3A_389 = arith.muli %rem3A_381, %mul3A_388 : i32
      %add3A_390 = arith.addi %mul3A_2, %mul3A_389 : i32
      %dma_start3A_391 = tpu.memref_slice %arg2[%add3A_390] : memref<819200xi32, #tpu.memory_space<hbm>> -> memref<80xi32, #tpu.memory_space<hbm>>
      %dma_start3A_392 = tpu.memref_slice %arg2[%add3A_390] : memref<819200xi32, #tpu.memory_space<hbm>> -> memref<80xi32, #tpu.memory_space<hbm>>
      tpu.enqueue_dma source(%dma_start3A_392 : memref<80xi32, #tpu.memory_space<hbm>>) target(%arg6 : memref<80xi32, #tpu.memory_space<vmem>>) target_semaphore(%arg18 : memref<!tpu.dma_semaphore, #tpu.memory_space<semaphore_mem>>)
      %dma_wait3A_393 = arith.constant 0 : i32
      %dma_wait3A_394 = arith.constant 0 : i32
      %dma_wait3A_395 = tpu.memref_slice %arg13[%dma_wait3A_393, %dma_wait3A_394] : memref<80x300xf32, #tpu.memory_space<vmem>> -> memref<80x128xf32, #tpu.memory_space<vmem>>
      %dma_wait3A_396 = arith.constant 0 : i32
      %dma_wait3A_397 = arith.constant 0 : i32
      %dma_wait3A_398 = tpu.memref_slice %arg3[%dma_wait3A_396, %dma_wait3A_397] : memref<300000x128xf32, #tpu.memory_space<hbm>> -> memref<300000x128xf32, #tpu.memory_space<hbm>>
      tpu.wait_indirect_dma semaphore(%arg19 : memref<!tpu.dma_semaphore, #tpu.memory_space<semaphore_mem>>) src(%dma_wait3A_398 : memref<300000x128xf32, #tpu.memory_space<hbm>>) dst(%dma_wait3A_395 : memref<80x128xf32, #tpu.memory_space<vmem>>)
      %dma_wait3A_399 = arith.constant 0 : i32
      %dma_wait3A_400 = arith.constant 128 : i32
      %dma_wait3A_401 = tpu.memref_slice %arg13[%dma_wait3A_399, %dma_wait3A_400] : memref<80x300xf32, #tpu.memory_space<vmem>> -> memref<80x128xf32, #tpu.memory_space<vmem>>
      %dma_wait3A_402 = arith.constant 0 : i32
      %dma_wait3A_403 = arith.constant 0 : i32
      %dma_wait3A_404 = tpu.memref_slice %arg3[%dma_wait3A_402, %dma_wait3A_403] : memref<300000x128xf32, #tpu.memory_space<hbm>> -> memref<300000x128xf32, #tpu.memory_space<hbm>>
      tpu.wait_indirect_dma semaphore(%arg19 : memref<!tpu.dma_semaphore, #tpu.memory_space<semaphore_mem>>) src(%dma_wait3A_404 : memref<300000x128xf32, #tpu.memory_space<hbm>>) dst(%dma_wait3A_401 : memref<80x128xf32, #tpu.memory_space<vmem>>)
      %dma_wait3A_405 = arith.constant 0 : i32
      %dma_wait3A_406 = arith.constant 0 : i32
      %dma_wait3A_407 = tpu.memref_slice %arg3[%dma_wait3A_405, %dma_wait3A_406] : memref<300000x128xf32, #tpu.memory_space<hbm>> -> memref<300000x128xf32, #tpu.memory_space<hbm>>
      tpu.wait_indirect_dma semaphore(%arg19 : memref<!tpu.dma_semaphore, #tpu.memory_space<semaphore_mem>>) src(%dma_wait3A_407 : memref<300000x128xf32, #tpu.memory_space<hbm>>) dst(%arg15 : memref<80x128xf32, #tpu.memory_space<vmem>>)
      %scan3A_408 = arith.constant 0 : i32
      %scan3A_409 = arith.constant 0 : i32
      %scan3A_410 = arith.constant 10 : i32
      %scan3A_411 = arith.addi %scan3A_409, %scan3A_410 : i32
      %scan3A_412 = arith.constant 1 : i32
      scf.for %scan3A_646 = %scan3A_409 to %scan3A_411 step %scan3A_412  : i32 {
        %mul3A_647 = arith.constant 8 : i32
        %mul3A_648 = arith.muli %scan3A_646, %mul3A_647 : i32
        %add3A_649 = arith.constant 0 : i32
        %add3A_650 = arith.addi %mul3A_648, %add3A_649 : i32
        %get3A_651 = arith.index_cast %add3A_650 : i32 to index
        %get3A_652 = arith.constant 0 : index
        %get3A_653 = tpu.vector_load %arg15[%get3A_651, %get3A_652] {strides = array<i32>} : memref<80x128xf32, #tpu.memory_space<vmem>>, vector<16xf32>,
        %swap3A_654 = arith.index_cast %add3A_650 : i32 to index
        %swap3A_655 = arith.constant 256 : index
        %swap3A_656 = tpu.vector_load %arg13[%swap3A_654, %swap3A_655] {strides = array<i32>} : memref<80x300xf32, #tpu.memory_space<vmem>>, vector<16xf32>,
        tpu.vector_store %arg13[%swap3A_654, %swap3A_655], %get3A_653 {strides = array<i32>} : memref<80x300xf32, #tpu.memory_space<vmem>>, vector<16xf32>,
        %get3A_657 = arith.index_cast %add3A_650 : i32 to index
        %get3A_658 = arith.constant 16 : index
        %get3A_659 = tpu.vector_load %arg15[%get3A_657, %get3A_658] {strides = array<i32>} : memref<80x128xf32, #tpu.memory_space<vmem>>, vector<16xf32>,
        %swap3A_660 = arith.index_cast %add3A_650 : i32 to index
        %swap3A_661 = arith.constant 272 : index
        %swap3A_662 = tpu.vector_load %arg13[%swap3A_660, %swap3A_661] {strides = array<i32>} : memref<80x300xf32, #tpu.memory_space<vmem>>, vector<16xf32>,
        tpu.vector_store %arg13[%swap3A_660, %swap3A_661], %get3A_659 {strides = array<i32>} : memref<80x300xf32, #tpu.memory_space<vmem>>, vector<16xf32>,
        %broadcast_in_dim3A = vector.broadcast %add3A_650 : i32 to vector<16xi32>
        %add3A_663 = arith.constant 288 : i32
        %add3A_664 = vector.broadcast %add3A_663 : i32 to vector<16xi32>
        %add3A_665 = arith.addi %add3A_664, %iota3A : vector<16xi32>
        %get3A_666 = arith.index_cast %add3A_650 : i32 to index
        %get3A_667 = arith.constant 32 : index
        %get3A_668 = tpu.vector_load %arg15[%get3A_666, %get3A_667] {strides = array<i32>} : memref<80x128xf32, #tpu.memory_space<vmem>>, vector<16xf32>,
        tpu.vector_store_idx %arg13[%broadcast_in_dim3A, %add3A_665], %get3A_668 masked %lt3A_4 : memref<80x300xf32, #tpu.memory_space<vmem>>[vector<16xi32>, vector<16xi32>], vector<16xf32>, vector<16xi1>
        %mul3A_669 = arith.constant 8 : i32
        %mul3A_670 = arith.muli %scan3A_646, %mul3A_669 : i32
        %add3A_671 = arith.constant 1 : i32
        %add3A_672 = arith.addi %mul3A_670, %add3A_671 : i32
        %get3A_673 = arith.index_cast %add3A_672 : i32 to index
        %get3A_674 = arith.constant 0 : index
        %get3A_675 = tpu.vector_load %arg15[%get3A_673, %get3A_674] {strides = array<i32>} : memref<80x128xf32, #tpu.memory_space<vmem>>, vector<16xf32>,
        %swap3A_676 = arith.index_cast %add3A_672 : i32 to index
        %swap3A_677 = arith.constant 256 : index
        %swap3A_678 = tpu.vector_load %arg13[%swap3A_676, %swap3A_677] {strides = array<i32>} : memref<80x300xf32, #tpu.memory_space<vmem>>, vector<16xf32>,
        tpu.vector_store %arg13[%swap3A_676, %swap3A_677], %get3A_675 {strides = array<i32>} : memref<80x300xf32, #tpu.memory_space<vmem>>, vector<16xf32>,
        %get3A_679 = arith.index_cast %add3A_672 : i32 to index
        %get3A_680 = arith.constant 16 : index
        %get3A_681 = tpu.vector_load %arg15[%get3A_679, %get3A_680] {strides = array<i32>} : memref<80x128xf32, #tpu.memory_space<vmem>>, vector<16xf32>,
        %swap3A_682 = arith.index_cast %add3A_672 : i32 to index
        %swap3A_683 = arith.constant 272 : index
        %swap3A_684 = tpu.vector_load %arg13[%swap3A_682, %swap3A_683] {strides = array<i32>} : memref<80x300xf32, #tpu.memory_space<vmem>>, vector<16xf32>,
        tpu.vector_store %arg13[%swap3A_682, %swap3A_683], %get3A_681 {strides = array<i32>} : memref<80x300xf32, #tpu.memory_space<vmem>>, vector<16xf32>,
        %broadcast_in_dim3A_685 = vector.broadcast %add3A_672 : i32 to vector<16xi32>
        %add3A_686 = arith.constant 288 : i32
        %add3A_687 = vector.broadcast %add3A_686 : i32 to vector<16xi32>
        %add3A_688 = arith.addi %add3A_687, %iota3A : vector<16xi32>
        %get3A_689 = arith.index_cast %add3A_672 : i32 to index
        %get3A_690 = arith.constant 32 : index
        %get3A_691 = tpu.vector_load %arg15[%get3A_689, %get3A_690] {strides = array<i32>} : memref<80x128xf32, #tpu.memory_space<vmem>>, vector<16xf32>,
        tpu.vector_store_idx %arg13[%broadcast_in_dim3A_685, %add3A_688], %get3A_691 masked %lt3A_4 : memref<80x300xf32, #tpu.memory_space<vmem>>[vector<16xi32>, vector<16xi32>], vector<16xf32>, vector<16xi1>
        %mul3A_692 = arith.constant 8 : i32
        %mul3A_693 = arith.muli %scan3A_646, %mul3A_692 : i32
        %add3A_694 = arith.constant 2 : i32
        %add3A_695 = arith.addi %mul3A_693, %add3A_694 : i32
        %get3A_696 = arith.index_cast %add3A_695 : i32 to index
        %get3A_697 = arith.constant 0 : index
        %get3A_698 = tpu.vector_load %arg15[%get3A_696, %get3A_697] {strides = array<i32>} : memref<80x128xf32, #tpu.memory_space<vmem>>, vector<16xf32>,
        %swap3A_699 = arith.index_cast %add3A_695 : i32 to index
        %swap3A_700 = arith.constant 256 : index
        %swap3A_701 = tpu.vector_load %arg13[%swap3A_699, %swap3A_700] {strides = array<i32>} : memref<80x300xf32, #tpu.memory_space<vmem>>, vector<16xf32>,
        tpu.vector_store %arg13[%swap3A_699, %swap3A_700], %get3A_698 {strides = array<i32>} : memref<80x300xf32, #tpu.memory_space<vmem>>, vector<16xf32>,
        %get3A_702 = arith.index_cast %add3A_695 : i32 to index
        %get3A_703 = arith.constant 16 : index
        %get3A_704 = tpu.vector_load %arg15[%get3A_702, %get3A_703] {strides = array<i32>} : memref<80x128xf32, #tpu.memory_space<vmem>>, vector<16xf32>,
        %swap3A_705 = arith.index_cast %add3A_695 : i32 to index
        %swap3A_706 = arith.constant 272 : index
        %swap3A_707 = tpu.vector_load %arg13[%swap3A_705, %swap3A_706] {strides = array<i32>} : memref<80x300xf32, #tpu.memory_space<vmem>>, vector<16xf32>,
        tpu.vector_store %arg13[%swap3A_705, %swap3A_706], %get3A_704 {strides = array<i32>} : memref<80x300xf32, #tpu.memory_space<vmem>>, vector<16xf32>,
        %broadcast_in_dim3A_708 = vector.broadcast %add3A_695 : i32 to vector<16xi32>
        %add3A_709 = arith.constant 288 : i32
        %add3A_710 = vector.broadcast %add3A_709 : i32 to vector<16xi32>
        %add3A_711 = arith.addi %add3A_710, %iota3A : vector<16xi32>
        %get3A_712 = arith.index_cast %add3A_695 : i32 to index
        %get3A_713 = arith.constant 32 : index
        %get3A_714 = tpu.vector_load %arg15[%get3A_712, %get3A_713] {strides = array<i32>} : memref<80x128xf32, #tpu.memory_space<vmem>>, vector<16xf32>,
        tpu.vector_store_idx %arg13[%broadcast_in_dim3A_708, %add3A_711], %get3A_714 masked %lt3A_4 : memref<80x300xf32, #tpu.memory_space<vmem>>[vector<16xi32>, vector<16xi32>], vector<16xf32>, vector<16xi1>
        %mul3A_715 = arith.constant 8 : i32
        %mul3A_716 = arith.muli %scan3A_646, %mul3A_715 : i32
        %add3A_717 = arith.constant 3 : i32
        %add3A_718 = arith.addi %mul3A_716, %add3A_717 : i32
        %get3A_719 = arith.index_cast %add3A_718 : i32 to index
        %get3A_720 = arith.constant 0 : index
        %get3A_721 = tpu.vector_load %arg15[%get3A_719, %get3A_720] {strides = array<i32>} : memref<80x128xf32, #tpu.memory_space<vmem>>, vector<16xf32>,
        %swap3A_722 = arith.index_cast %add3A_718 : i32 to index
        %swap3A_723 = arith.constant 256 : index
        %swap3A_724 = tpu.vector_load %arg13[%swap3A_722, %swap3A_723] {strides = array<i32>} : memref<80x300xf32, #tpu.memory_space<vmem>>, vector<16xf32>,
        tpu.vector_store %arg13[%swap3A_722, %swap3A_723], %get3A_721 {strides = array<i32>} : memref<80x300xf32, #tpu.memory_space<vmem>>, vector<16xf32>,
        %get3A_725 = arith.index_cast %add3A_718 : i32 to index
        %get3A_726 = arith.constant 16 : index
        %get3A_727 = tpu.vector_load %arg15[%get3A_725, %get3A_726] {strides = array<i32>} : memref<80x128xf32, #tpu.memory_space<vmem>>, vector<16xf32>,
        %swap3A_728 = arith.index_cast %add3A_718 : i32 to index
        %swap3A_729 = arith.constant 272 : index
        %swap3A_730 = tpu.vector_load %arg13[%swap3A_728, %swap3A_729] {strides = array<i32>} : memref<80x300xf32, #tpu.memory_space<vmem>>, vector<16xf32>,
        tpu.vector_store %arg13[%swap3A_728, %swap3A_729], %get3A_727 {strides = array<i32>} : memref<80x300xf32, #tpu.memory_space<vmem>>, vector<16xf32>,
        %broadcast_in_dim3A_731 = vector.broadcast %add3A_718 : i32 to vector<16xi32>
        %add3A_732 = arith.constant 288 : i32
        %add3A_733 = vector.broadcast %add3A_732 : i32 to vector<16xi32>
        %add3A_734 = arith.addi %add3A_733, %iota3A : vector<16xi32>
        %get3A_735 = arith.index_cast %add3A_718 : i32 to index
        %get3A_736 = arith.constant 32 : index
        %get3A_737 = tpu.vector_load %arg15[%get3A_735, %get3A_736] {strides = array<i32>} : memref<80x128xf32, #tpu.memory_space<vmem>>, vector<16xf32>,
        tpu.vector_store_idx %arg13[%broadcast_in_dim3A_731, %add3A_734], %get3A_737 masked %lt3A_4 : memref<80x300xf32, #tpu.memory_space<vmem>>[vector<16xi32>, vector<16xi32>], vector<16xf32>, vector<16xi1>
        %mul3A_738 = arith.constant 8 : i32
        %mul3A_739 = arith.muli %scan3A_646, %mul3A_738 : i32
        %add3A_740 = arith.constant 4 : i32
        %add3A_741 = arith.addi %mul3A_739, %add3A_740 : i32
        %get3A_742 = arith.index_cast %add3A_741 : i32 to index
        %get3A_743 = arith.constant 0 : index
        %get3A_744 = tpu.vector_load %arg15[%get3A_742, %get3A_743] {strides = array<i32>} : memref<80x128xf32, #tpu.memory_space<vmem>>, vector<16xf32>,
        %swap3A_745 = arith.index_cast %add3A_741 : i32 to index
        %swap3A_746 = arith.constant 256 : index
        %swap3A_747 = tpu.vector_load %arg13[%swap3A_745, %swap3A_746] {strides = array<i32>} : memref<80x300xf32, #tpu.memory_space<vmem>>, vector<16xf32>,
        tpu.vector_store %arg13[%swap3A_745, %swap3A_746], %get3A_744 {strides = array<i32>} : memref<80x300xf32, #tpu.memory_space<vmem>>, vector<16xf32>,
        %get3A_748 = arith.index_cast %add3A_741 : i32 to index
        %get3A_749 = arith.constant 16 : index
        %get3A_750 = tpu.vector_load %arg15[%get3A_748, %get3A_749] {strides = array<i32>} : memref<80x128xf32, #tpu.memory_space<vmem>>, vector<16xf32>,
        %swap3A_751 = arith.index_cast %add3A_741 : i32 to index
        %swap3A_752 = arith.constant 272 : index
        %swap3A_753 = tpu.vector_load %arg13[%swap3A_751, %swap3A_752] {strides = array<i32>} : memref<80x300xf32, #tpu.memory_space<vmem>>, vector<16xf32>,
        tpu.vector_store %arg13[%swap3A_751, %swap3A_752], %get3A_750 {strides = array<i32>} : memref<80x300xf32, #tpu.memory_space<vmem>>, vector<16xf32>,
        %broadcast_in_dim3A_754 = vector.broadcast %add3A_741 : i32 to vector<16xi32>
        %add3A_755 = arith.constant 288 : i32
        %add3A_756 = vector.broadcast %add3A_755 : i32 to vector<16xi32>
        %add3A_757 = arith.addi %add3A_756, %iota3A : vector<16xi32>
        %get3A_758 = arith.index_cast %add3A_741 : i32 to index
        %get3A_759 = arith.constant 32 : index
        %get3A_760 = tpu.vector_load %arg15[%get3A_758, %get3A_759] {strides = array<i32>} : memref<80x128xf32, #tpu.memory_space<vmem>>, vector<16xf32>,
        tpu.vector_store_idx %arg13[%broadcast_in_dim3A_754, %add3A_757], %get3A_760 masked %lt3A_4 : memref<80x300xf32, #tpu.memory_space<vmem>>[vector<16xi32>, vector<16xi32>], vector<16xf32>, vector<16xi1>
        %mul3A_761 = arith.constant 8 : i32
        %mul3A_762 = arith.muli %scan3A_646, %mul3A_761 : i32
        %add3A_763 = arith.constant 5 : i32
        %add3A_764 = arith.addi %mul3A_762, %add3A_763 : i32
        %get3A_765 = arith.index_cast %add3A_764 : i32 to index
        %get3A_766 = arith.constant 0 : index
        %get3A_767 = tpu.vector_load %arg15[%get3A_765, %get3A_766] {strides = array<i32>} : memref<80x128xf32, #tpu.memory_space<vmem>>, vector<16xf32>,
        %swap3A_768 = arith.index_cast %add3A_764 : i32 to index
        %swap3A_769 = arith.constant 256 : index
        %swap3A_770 = tpu.vector_load %arg13[%swap3A_768, %swap3A_769] {strides = array<i32>} : memref<80x300xf32, #tpu.memory_space<vmem>>, vector<16xf32>,
        tpu.vector_store %arg13[%swap3A_768, %swap3A_769], %get3A_767 {strides = array<i32>} : memref<80x300xf32, #tpu.memory_space<vmem>>, vector<16xf32>,
        %get3A_771 = arith.index_cast %add3A_764 : i32 to index
        %get3A_772 = arith.constant 16 : index
        %get3A_773 = tpu.vector_load %arg15[%get3A_771, %get3A_772] {strides = array<i32>} : memref<80x128xf32, #tpu.memory_space<vmem>>, vector<16xf32>,
        %swap3A_774 = arith.index_cast %add3A_764 : i32 to index
        %swap3A_775 = arith.constant 272 : index
        %swap3A_776 = tpu.vector_load %arg13[%swap3A_774, %swap3A_775] {strides = array<i32>} : memref<80x300xf32, #tpu.memory_space<vmem>>, vector<16xf32>,
        tpu.vector_store %arg13[%swap3A_774, %swap3A_775], %get3A_773 {strides = array<i32>} : memref<80x300xf32, #tpu.memory_space<vmem>>, vector<16xf32>,
        %broadcast_in_dim3A_777 = vector.broadcast %add3A_764 : i32 to vector<16xi32>
        %add3A_778 = arith.constant 288 : i32
        %add3A_779 = vector.broadcast %add3A_778 : i32 to vector<16xi32>
        %add3A_780 = arith.addi %add3A_779, %iota3A : vector<16xi32>
        %get3A_781 = arith.index_cast %add3A_764 : i32 to index
        %get3A_782 = arith.constant 32 : index
        %get3A_783 = tpu.vector_load %arg15[%get3A_781, %get3A_782] {strides = array<i32>} : memref<80x128xf32, #tpu.memory_space<vmem>>, vector<16xf32>,
        tpu.vector_store_idx %arg13[%broadcast_in_dim3A_777, %add3A_780], %get3A_783 masked %lt3A_4 : memref<80x300xf32, #tpu.memory_space<vmem>>[vector<16xi32>, vector<16xi32>], vector<16xf32>, vector<16xi1>
        %mul3A_784 = arith.constant 8 : i32
        %mul3A_785 = arith.muli %scan3A_646, %mul3A_784 : i32
        %add3A_786 = arith.constant 6 : i32
        %add3A_787 = arith.addi %mul3A_785, %add3A_786 : i32
        %get3A_788 = arith.index_cast %add3A_787 : i32 to index
        %get3A_789 = arith.constant 0 : index
        %get3A_790 = tpu.vector_load %arg15[%get3A_788, %get3A_789] {strides = array<i32>} : memref<80x128xf32, #tpu.memory_space<vmem>>, vector<16xf32>,
        %swap3A_791 = arith.index_cast %add3A_787 : i32 to index
        %swap3A_792 = arith.constant 256 : index
        %swap3A_793 = tpu.vector_load %arg13[%swap3A_791, %swap3A_792] {strides = array<i32>} : memref<80x300xf32, #tpu.memory_space<vmem>>, vector<16xf32>,
        tpu.vector_store %arg13[%swap3A_791, %swap3A_792], %get3A_790 {strides = array<i32>} : memref<80x300xf32, #tpu.memory_space<vmem>>, vector<16xf32>,
        %get3A_794 = arith.index_cast %add3A_787 : i32 to index
        %get3A_795 = arith.constant 16 : index
        %get3A_796 = tpu.vector_load %arg15[%get3A_794, %get3A_795] {strides = array<i32>} : memref<80x128xf32, #tpu.memory_space<vmem>>, vector<16xf32>,
        %swap3A_797 = arith.index_cast %add3A_787 : i32 to index
        %swap3A_798 = arith.constant 272 : index
        %swap3A_799 = tpu.vector_load %arg13[%swap3A_797, %swap3A_798] {strides = array<i32>} : memref<80x300xf32, #tpu.memory_space<vmem>>, vector<16xf32>,
        tpu.vector_store %arg13[%swap3A_797, %swap3A_798], %get3A_796 {strides = array<i32>} : memref<80x300xf32, #tpu.memory_space<vmem>>, vector<16xf32>,
        %broadcast_in_dim3A_800 = vector.broadcast %add3A_787 : i32 to vector<16xi32>
        %add3A_801 = arith.constant 288 : i32
        %add3A_802 = vector.broadcast %add3A_801 : i32 to vector<16xi32>
        %add3A_803 = arith.addi %add3A_802, %iota3A : vector<16xi32>
        %get3A_804 = arith.index_cast %add3A_787 : i32 to index
        %get3A_805 = arith.constant 32 : index
        %get3A_806 = tpu.vector_load %arg15[%get3A_804, %get3A_805] {strides = array<i32>} : memref<80x128xf32, #tpu.memory_space<vmem>>, vector<16xf32>,
        tpu.vector_store_idx %arg13[%broadcast_in_dim3A_800, %add3A_803], %get3A_806 masked %lt3A_4 : memref<80x300xf32, #tpu.memory_space<vmem>>[vector<16xi32>, vector<16xi32>], vector<16xf32>, vector<16xi1>
        %mul3A_807 = arith.constant 8 : i32
        %mul3A_808 = arith.muli %scan3A_646, %mul3A_807 : i32
        %add3A_809 = arith.constant 7 : i32
        %add3A_810 = arith.addi %mul3A_808, %add3A_809 : i32
        %get3A_811 = arith.index_cast %add3A_810 : i32 to index
        %get3A_812 = arith.constant 0 : index
        %get3A_813 = tpu.vector_load %arg15[%get3A_811, %get3A_812] {strides = array<i32>} : memref<80x128xf32, #tpu.memory_space<vmem>>, vector<16xf32>,
        %swap3A_814 = arith.index_cast %add3A_810 : i32 to index
        %swap3A_815 = arith.constant 256 : index
        %swap3A_816 = tpu.vector_load %arg13[%swap3A_814, %swap3A_815] {strides = array<i32>} : memref<80x300xf32, #tpu.memory_space<vmem>>, vector<16xf32>,
        tpu.vector_store %arg13[%swap3A_814, %swap3A_815], %get3A_813 {strides = array<i32>} : memref<80x300xf32, #tpu.memory_space<vmem>>, vector<16xf32>,
        %get3A_817 = arith.index_cast %add3A_810 : i32 to index
        %get3A_818 = arith.constant 16 : index
        %get3A_819 = tpu.vector_load %arg15[%get3A_817, %get3A_818] {strides = array<i32>} : memref<80x128xf32, #tpu.memory_space<vmem>>, vector<16xf32>,
        %swap3A_820 = arith.index_cast %add3A_810 : i32 to index
        %swap3A_821 = arith.constant 272 : index
        %swap3A_822 = tpu.vector_load %arg13[%swap3A_820, %swap3A_821] {strides = array<i32>} : memref<80x300xf32, #tpu.memory_space<vmem>>, vector<16xf32>,
        tpu.vector_store %arg13[%swap3A_820, %swap3A_821], %get3A_819 {strides = array<i32>} : memref<80x300xf32, #tpu.memory_space<vmem>>, vector<16xf32>,
        %broadcast_in_dim3A_823 = vector.broadcast %add3A_810 : i32 to vector<16xi32>
        %add3A_824 = arith.constant 288 : i32
        %add3A_825 = vector.broadcast %add3A_824 : i32 to vector<16xi32>
        %add3A_826 = arith.addi %add3A_825, %iota3A : vector<16xi32>
        %get3A_827 = arith.index_cast %add3A_810 : i32 to index
        %get3A_828 = arith.constant 32 : index
        %get3A_829 = tpu.vector_load %arg15[%get3A_827, %get3A_828] {strides = array<i32>} : memref<80x128xf32, #tpu.memory_space<vmem>>, vector<16xf32>,
        tpu.vector_store_idx %arg13[%broadcast_in_dim3A_823, %add3A_826], %get3A_829 masked %lt3A_4 : memref<80x300xf32, #tpu.memory_space<vmem>>[vector<16xi32>, vector<16xi32>], vector<16xf32>, vector<16xi1>
      }
      %scan3A_413 = arith.constant 10 : i32
      %mul3A_414 = arith.constant 80 : i32
      %mul3A_415 = arith.muli %add3A_377, %mul3A_414 : i32
      %add3A_416 = arith.addi %mul3A_2, %mul3A_415 : i32
      %dma_start3A_417 = arith.constant 0 : i32
      %dma_start3A_418 = tpu.memref_slice %arg4[%add3A_416, %dma_start3A_417] : memref<819200x300xf32, #tpu.memory_space<hbm>> -> memref<80x300xf32, #tpu.memory_space<hbm>>
      %dma_start3A_419 = arith.constant 0 : i32
      %dma_start3A_420 = tpu.memref_slice %arg4[%add3A_416, %dma_start3A_419] : memref<819200x300xf32, #tpu.memory_space<hbm>> -> memref<80x300xf32, #tpu.memory_space<hbm>>
      tpu.enqueue_dma source(%arg13 : memref<80x300xf32, #tpu.memory_space<vmem>>) target(%dma_start3A_420 : memref<80x300xf32, #tpu.memory_space<hbm>>) target_semaphore(%arg21 : memref<!tpu.dma_semaphore, #tpu.memory_space<semaphore_mem>>)
      %dma_wait3A_421 = arith.constant 0 : i32
      %dma_wait3A_422 = tpu.memref_slice %arg2[%dma_wait3A_421] : memref<819200xi32, #tpu.memory_space<hbm>> -> memref<80xi32, #tpu.memory_space<hbm>>
      %dma_wait3A_423 = arith.constant 0 : i32
      %dma_wait3A_424 = tpu.memref_slice %arg2[%dma_wait3A_423] : memref<819200xi32, #tpu.memory_space<hbm>> -> memref<80xi32, #tpu.memory_space<hbm>>
      tpu.wait_dma2 semaphore(%arg18 : memref<!tpu.dma_semaphore, #tpu.memory_space<semaphore_mem>>) src(%dma_wait3A_424 : memref<80xi32, #tpu.memory_space<hbm>>) dst(%arg6 : memref<80xi32, #tpu.memory_space<vmem>>)
      %get3A_425 = arith.constant 0 : index
      %get3A_426 = tpu.vector_load %arg6[%get3A_425] {strides = array<i32>} : memref<80xi32, #tpu.memory_space<vmem>>, vector<16xi32>,
      %swap3A_427 = arith.constant 0 : index
      %swap3A_428 = tpu.vector_load %arg8[%swap3A_427] {strides = array<i32>} : memref<80xi32, #tpu.memory_space<vmem>>, vector<16xi32>,
      tpu.vector_store %arg8[%swap3A_427], %get3A_426 {strides = array<i32>} : memref<80xi32, #tpu.memory_space<vmem>>, vector<16xi32>,
      %add3A_429 = arith.constant 100000 : i32
      %add3A_430 = vector.broadcast %add3A_429 : i32 to vector<16xi32>
      %add3A_431 = arith.addi %get3A_426, %add3A_430 : vector<16xi32>
      %swap3A_432 = arith.constant 0 : index
      %swap3A_433 = tpu.vector_load %arg10[%swap3A_432] {strides = array<i32>} : memref<80xi32, #tpu.memory_space<vmem>>, vector<16xi32>,
      tpu.vector_store %arg10[%swap3A_432], %add3A_431 {strides = array<i32>} : memref<80xi32, #tpu.memory_space<vmem>>, vector<16xi32>,
      %add3A_434 = arith.constant 200000 : i32
      %add3A_435 = vector.broadcast %add3A_434 : i32 to vector<16xi32>
      %add3A_436 = arith.addi %get3A_426, %add3A_435 : vector<16xi32>
      %swap3A_437 = arith.constant 0 : index
      %swap3A_438 = tpu.vector_load %arg12[%swap3A_437] {strides = array<i32>} : memref<80xi32, #tpu.memory_space<vmem>>, vector<16xi32>,
      tpu.vector_store %arg12[%swap3A_437], %add3A_436 {strides = array<i32>} : memref<80xi32, #tpu.memory_space<vmem>>, vector<16xi32>,
      %get3A_439 = arith.constant 16 : index
      %get3A_440 = tpu.vector_load %arg6[%get3A_439] {strides = array<i32>} : memref<80xi32, #tpu.memory_space<vmem>>, vector<16xi32>,
      %swap3A_441 = arith.constant 16 : index
      %swap3A_442 = tpu.vector_load %arg8[%swap3A_441] {strides = array<i32>} : memref<80xi32, #tpu.memory_space<vmem>>, vector<16xi32>,
      tpu.vector_store %arg8[%swap3A_441], %get3A_440 {strides = array<i32>} : memref<80xi32, #tpu.memory_space<vmem>>, vector<16xi32>,
      %add3A_443 = arith.constant 100000 : i32
      %add3A_444 = vector.broadcast %add3A_443 : i32 to vector<16xi32>
      %add3A_445 = arith.addi %get3A_440, %add3A_444 : vector<16xi32>
      %swap3A_446 = arith.constant 16 : index
      %swap3A_447 = tpu.vector_load %arg10[%swap3A_446] {strides = array<i32>} : memref<80xi32, #tpu.memory_space<vmem>>, vector<16xi32>,
      tpu.vector_store %arg10[%swap3A_446], %add3A_445 {strides = array<i32>} : memref<80xi32, #tpu.memory_space<vmem>>, vector<16xi32>,
      %add3A_448 = arith.constant 200000 : i32
      %add3A_449 = vector.broadcast %add3A_448 : i32 to vector<16xi32>
      %add3A_450 = arith.addi %get3A_440, %add3A_449 : vector<16xi32>
      %swap3A_451 = arith.constant 16 : index
      %swap3A_452 = tpu.vector_load %arg12[%swap3A_451] {strides = array<i32>} : memref<80xi32, #tpu.memory_space<vmem>>, vector<16xi32>,
      tpu.vector_store %arg12[%swap3A_451], %add3A_450 {strides = array<i32>} : memref<80xi32, #tpu.memory_space<vmem>>, vector<16xi32>,
      %get3A_453 = arith.constant 32 : index
      %get3A_454 = tpu.vector_load %arg6[%get3A_453] {strides = array<i32>} : memref<80xi32, #tpu.memory_space<vmem>>, vector<16xi32>,
      %swap3A_455 = arith.constant 32 : index
      %swap3A_456 = tpu.vector_load %arg8[%swap3A_455] {strides = array<i32>} : memref<80xi32, #tpu.memory_space<vmem>>, vector<16xi32>,
      tpu.vector_store %arg8[%swap3A_455], %get3A_454 {strides = array<i32>} : memref<80xi32, #tpu.memory_space<vmem>>, vector<16xi32>,
      %add3A_457 = arith.constant 100000 : i32
      %add3A_458 = vector.broadcast %add3A_457 : i32 to vector<16xi32>
      %add3A_459 = arith.addi %get3A_454, %add3A_458 : vector<16xi32>
      %swap3A_460 = arith.constant 32 : index
      %swap3A_461 = tpu.vector_load %arg10[%swap3A_460] {strides = array<i32>} : memref<80xi32, #tpu.memory_space<vmem>>, vector<16xi32>,
      tpu.vector_store %arg10[%swap3A_460], %add3A_459 {strides = array<i32>} : memref<80xi32, #tpu.memory_space<vmem>>, vector<16xi32>,
      %add3A_462 = arith.constant 200000 : i32
      %add3A_463 = vector.broadcast %add3A_462 : i32 to vector<16xi32>
      %add3A_464 = arith.addi %get3A_454, %add3A_463 : vector<16xi32>
      %swap3A_465 = arith.constant 32 : index
      %swap3A_466 = tpu.vector_load %arg12[%swap3A_465] {strides = array<i32>} : memref<80xi32, #tpu.memory_space<vmem>>, vector<16xi32>,
      tpu.vector_store %arg12[%swap3A_465], %add3A_464 {strides = array<i32>} : memref<80xi32, #tpu.memory_space<vmem>>, vector<16xi32>,
      %get3A_467 = arith.constant 48 : index
      %get3A_468 = tpu.vector_load %arg6[%get3A_467] {strides = array<i32>} : memref<80xi32, #tpu.memory_space<vmem>>, vector<16xi32>,
      %swap3A_469 = arith.constant 48 : index
      %swap3A_470 = tpu.vector_load %arg8[%swap3A_469] {strides = array<i32>} : memref<80xi32, #tpu.memory_space<vmem>>, vector<16xi32>,
      tpu.vector_store %arg8[%swap3A_469], %get3A_468 {strides = array<i32>} : memref<80xi32, #tpu.memory_space<vmem>>, vector<16xi32>,
      %add3A_471 = arith.constant 100000 : i32
      %add3A_472 = vector.broadcast %add3A_471 : i32 to vector<16xi32>
      %add3A_473 = arith.addi %get3A_468, %add3A_472 : vector<16xi32>
      %swap3A_474 = arith.constant 48 : index
      %swap3A_475 = tpu.vector_load %arg10[%swap3A_474] {strides = array<i32>} : memref<80xi32, #tpu.memory_space<vmem>>, vector<16xi32>,
      tpu.vector_store %arg10[%swap3A_474], %add3A_473 {strides = array<i32>} : memref<80xi32, #tpu.memory_space<vmem>>, vector<16xi32>,
      %add3A_476 = arith.constant 200000 : i32
      %add3A_477 = vector.broadcast %add3A_476 : i32 to vector<16xi32>
      %add3A_478 = arith.addi %get3A_468, %add3A_477 : vector<16xi32>
      %swap3A_479 = arith.constant 48 : index
      %swap3A_480 = tpu.vector_load %arg12[%swap3A_479] {strides = array<i32>} : memref<80xi32, #tpu.memory_space<vmem>>, vector<16xi32>,
      tpu.vector_store %arg12[%swap3A_479], %add3A_478 {strides = array<i32>} : memref<80xi32, #tpu.memory_space<vmem>>, vector<16xi32>,
      %get3A_481 = arith.constant 64 : index
      %get3A_482 = tpu.vector_load %arg6[%get3A_481] {strides = array<i32>} : memref<80xi32, #tpu.memory_space<vmem>>, vector<16xi32>,
      %swap3A_483 = arith.constant 64 : index
      %swap3A_484 = tpu.vector_load %arg8[%swap3A_483] {strides = array<i32>} : memref<80xi32, #tpu.memory_space<vmem>>, vector<16xi32>,
      tpu.vector_store %arg8[%swap3A_483], %get3A_482 {strides = array<i32>} : memref<80xi32, #tpu.memory_space<vmem>>, vector<16xi32>,
      %add3A_485 = arith.constant 100000 : i32
      %add3A_486 = vector.broadcast %add3A_485 : i32 to vector<16xi32>
      %add3A_487 = arith.addi %get3A_482, %add3A_486 : vector<16xi32>
      %swap3A_488 = arith.constant 64 : index
      %swap3A_489 = tpu.vector_load %arg10[%swap3A_488] {strides = array<i32>} : memref<80xi32, #tpu.memory_space<vmem>>, vector<16xi32>,
      tpu.vector_store %arg10[%swap3A_488], %add3A_487 {strides = array<i32>} : memref<80xi32, #tpu.memory_space<vmem>>, vector<16xi32>,
      %add3A_490 = arith.constant 200000 : i32
      %add3A_491 = vector.broadcast %add3A_490 : i32 to vector<16xi32>
      %add3A_492 = arith.addi %get3A_482, %add3A_491 : vector<16xi32>
      %swap3A_493 = arith.constant 64 : index
      %swap3A_494 = tpu.vector_load %arg12[%swap3A_493] {strides = array<i32>} : memref<80xi32, #tpu.memory_space<vmem>>, vector<16xi32>,
      tpu.vector_store %arg12[%swap3A_493], %add3A_492 {strides = array<i32>} : memref<80xi32, #tpu.memory_space<vmem>>, vector<16xi32>,
      %dma_start3A_495 = arith.constant 0 : i32
      %dma_start3A_496 = arith.constant 0 : i32
      %dma_start3A_497 = tpu.memref_slice %arg14[%dma_start3A_495, %dma_start3A_496] : memref<80x300xf32, #tpu.memory_space<vmem>> -> memref<80x128xf32, #tpu.memory_space<vmem>>
      %dma_start3A_498 = arith.constant 0 : i32
      %dma_start3A_499 = arith.constant 0 : i32
      %dma_start3A_500 = tpu.memref_slice %arg3[%dma_start3A_498, %dma_start3A_499] : memref<300000x128xf32, #tpu.memory_space<hbm>> -> memref<300000x128xf32, #tpu.memory_space<hbm>>
      tpu.enqueue_indirect_dma source(%dma_start3A_500 : memref<300000x128xf32, #tpu.memory_space<hbm>>) target(%dma_start3A_497 : memref<80x128xf32, #tpu.memory_space<vmem>>) offsets(%arg8 : memref<80xi32, #tpu.memory_space<vmem>>) semaphore(%arg20 : memref<!tpu.dma_semaphore, #tpu.memory_space<semaphore_mem>>)
      %dma_start3A_501 = arith.constant 0 : i32
      %dma_start3A_502 = arith.constant 128 : i32
      %dma_start3A_503 = tpu.memref_slice %arg14[%dma_start3A_501, %dma_start3A_502] : memref<80x300xf32, #tpu.memory_space<vmem>> -> memref<80x128xf32, #tpu.memory_space<vmem>>
      %dma_start3A_504 = arith.constant 0 : i32
      %dma_start3A_505 = arith.constant 0 : i32
      %dma_start3A_506 = tpu.memref_slice %arg3[%dma_start3A_504, %dma_start3A_505] : memref<300000x128xf32, #tpu.memory_space<hbm>> -> memref<300000x128xf32, #tpu.memory_space<hbm>>
      tpu.enqueue_indirect_dma source(%dma_start3A_506 : memref<300000x128xf32, #tpu.memory_space<hbm>>) target(%dma_start3A_503 : memref<80x128xf32, #tpu.memory_space<vmem>>) offsets(%arg10 : memref<80xi32, #tpu.memory_space<vmem>>) semaphore(%arg20 : memref<!tpu.dma_semaphore, #tpu.memory_space<semaphore_mem>>)
      %dma_start3A_507 = arith.constant 0 : i32
      %dma_start3A_508 = arith.constant 0 : i32
      %dma_start3A_509 = tpu.memref_slice %arg3[%dma_start3A_507, %dma_start3A_508] : memref<300000x128xf32, #tpu.memory_space<hbm>> -> memref<300000x128xf32, #tpu.memory_space<hbm>>
      tpu.enqueue_indirect_dma source(%dma_start3A_509 : memref<300000x128xf32, #tpu.memory_space<hbm>>) target(%arg16 : memref<80x128xf32, #tpu.memory_space<vmem>>) offsets(%arg12 : memref<80xi32, #tpu.memory_space<vmem>>) semaphore(%arg20 : memref<!tpu.dma_semaphore, #tpu.memory_space<semaphore_mem>>)
      %mul3A_510 = arith.constant 2 : i32
      %mul3A_511 = arith.muli %mul3A_510, %scan3A_373 : i32
      %add3A_512 = arith.constant 1 : i32
      %add3A_513 = arith.addi %mul3A_511, %add3A_512 : i32
      %add3A_514 = arith.constant 1 : i32
      %add3A_515 = arith.addi %add3A_513, %add3A_514 : i32
      %rem3A_516 = arith.constant 320 : i32
      %rem3A_517 = arith.remsi %add3A_515, %rem3A_516 : i32
      %dma_wait3A_518 = arith.constant 0 : i32
      %dma_wait3A_519 = arith.constant 0 : i32
      %dma_wait3A_520 = tpu.memref_slice %arg4[%dma_wait3A_518, %dma_wait3A_519] : memref<819200x300xf32, #tpu.memory_space<hbm>> -> memref<80x300xf32, #tpu.memory_space<hbm>>
      %dma_wait3A_521 = arith.constant 0 : i32
      %dma_wait3A_522 = arith.constant 0 : i32
      %dma_wait3A_523 = tpu.memref_slice %arg4[%dma_wait3A_521, %dma_wait3A_522] : memref<819200x300xf32, #tpu.memory_space<hbm>> -> memref<80x300xf32, #tpu.memory_space<hbm>>
      tpu.wait_dma2 semaphore(%arg21 : memref<!tpu.dma_semaphore, #tpu.memory_space<semaphore_mem>>) src(%arg13 : memref<80x300xf32, #tpu.memory_space<vmem>>) dst(%dma_wait3A_523 : memref<80x300xf32, #tpu.memory_space<hbm>>)
      %mul3A_524 = arith.constant 80 : i32
      %mul3A_525 = arith.muli %rem3A_517, %mul3A_524 : i32
      %add3A_526 = arith.addi %mul3A_2, %mul3A_525 : i32
      %dma_start3A_527 = tpu.memref_slice %arg2[%add3A_526] : memref<819200xi32, #tpu.memory_space<hbm>> -> memref<80xi32, #tpu.memory_space<hbm>>
      %dma_start3A_528 = tpu.memref_slice %arg2[%add3A_526] : memref<819200xi32, #tpu.memory_space<hbm>> -> memref<80xi32, #tpu.memory_space<hbm>>
      tpu.enqueue_dma source(%dma_start3A_528 : memref<80xi32, #tpu.memory_space<hbm>>) target(%arg5 : memref<80xi32, #tpu.memory_space<vmem>>) target_semaphore(%arg17 : memref<!tpu.dma_semaphore, #tpu.memory_space<semaphore_mem>>)
      %dma_wait3A_529 = arith.constant 0 : i32
      %dma_wait3A_530 = arith.constant 0 : i32
      %dma_wait3A_531 = tpu.memref_slice %arg14[%dma_wait3A_529, %dma_wait3A_530] : memref<80x300xf32, #tpu.memory_space<vmem>> -> memref<80x128xf32, #tpu.memory_space<vmem>>
      %dma_wait3A_532 = arith.constant 0 : i32
      %dma_wait3A_533 = arith.constant 0 : i32
      %dma_wait3A_534 = tpu.memref_slice %arg3[%dma_wait3A_532, %dma_wait3A_533] : memref<300000x128xf32, #tpu.memory_space<hbm>> -> memref<300000x128xf32, #tpu.memory_space<hbm>>
      tpu.wait_indirect_dma semaphore(%arg20 : memref<!tpu.dma_semaphore, #tpu.memory_space<semaphore_mem>>) src(%dma_wait3A_534 : memref<300000x128xf32, #tpu.memory_space<hbm>>) dst(%dma_wait3A_531 : memref<80x128xf32, #tpu.memory_space<vmem>>)
      %dma_wait3A_535 = arith.constant 0 : i32
      %dma_wait3A_536 = arith.constant 128 : i32
      %dma_wait3A_537 = tpu.memref_slice %arg14[%dma_wait3A_535, %dma_wait3A_536] : memref<80x300xf32, #tpu.memory_space<vmem>> -> memref<80x128xf32, #tpu.memory_space<vmem>>
      %dma_wait3A_538 = arith.constant 0 : i32
      %dma_wait3A_539 = arith.constant 0 : i32
      %dma_wait3A_540 = tpu.memref_slice %arg3[%dma_wait3A_538, %dma_wait3A_539] : memref<300000x128xf32, #tpu.memory_space<hbm>> -> memref<300000x128xf32, #tpu.memory_space<hbm>>
      tpu.wait_indirect_dma semaphore(%arg20 : memref<!tpu.dma_semaphore, #tpu.memory_space<semaphore_mem>>) src(%dma_wait3A_540 : memref<300000x128xf32, #tpu.memory_space<hbm>>) dst(%dma_wait3A_537 : memref<80x128xf32, #tpu.memory_space<vmem>>)
      %dma_wait3A_541 = arith.constant 0 : i32
      %dma_wait3A_542 = arith.constant 0 : i32
      %dma_wait3A_543 = tpu.memref_slice %arg3[%dma_wait3A_541, %dma_wait3A_542] : memref<300000x128xf32, #tpu.memory_space<hbm>> -> memref<300000x128xf32, #tpu.memory_space<hbm>>
      tpu.wait_indirect_dma semaphore(%arg20 : memref<!tpu.dma_semaphore, #tpu.memory_space<semaphore_mem>>) src(%dma_wait3A_543 : memref<300000x128xf32, #tpu.memory_space<hbm>>) dst(%arg16 : memref<80x128xf32, #tpu.memory_space<vmem>>)
      %scan3A_544 = arith.constant 0 : i32
      %scan3A_545 = arith.constant 0 : i32
      %scan3A_546 = arith.constant 10 : i32
      %scan3A_547 = arith.addi %scan3A_545, %scan3A_546 : i32
      %scan3A_548 = arith.constant 1 : i32
      scf.for %scan3A_646 = %scan3A_545 to %scan3A_547 step %scan3A_548  : i32 {
        %mul3A_647 = arith.constant 8 : i32
        %mul3A_648 = arith.muli %scan3A_646, %mul3A_647 : i32
        %add3A_649 = arith.constant 0 : i32
        %add3A_650 = arith.addi %mul3A_648, %add3A_649 : i32
        %get3A_651 = arith.index_cast %add3A_650 : i32 to index
        %get3A_652 = arith.constant 0 : index
        %get3A_653 = tpu.vector_load %arg16[%get3A_651, %get3A_652] {strides = array<i32>} : memref<80x128xf32, #tpu.memory_space<vmem>>, vector<16xf32>,
        %swap3A_654 = arith.index_cast %add3A_650 : i32 to index
        %swap3A_655 = arith.constant 256 : index
        %swap3A_656 = tpu.vector_load %arg14[%swap3A_654, %swap3A_655] {strides = array<i32>} : memref<80x300xf32, #tpu.memory_space<vmem>>, vector<16xf32>,
        tpu.vector_store %arg14[%swap3A_654, %swap3A_655], %get3A_653 {strides = array<i32>} : memref<80x300xf32, #tpu.memory_space<vmem>>, vector<16xf32>,
        %get3A_657 = arith.index_cast %add3A_650 : i32 to index
        %get3A_658 = arith.constant 16 : index
        %get3A_659 = tpu.vector_load %arg16[%get3A_657, %get3A_658] {strides = array<i32>} : memref<80x128xf32, #tpu.memory_space<vmem>>, vector<16xf32>,
        %swap3A_660 = arith.index_cast %add3A_650 : i32 to index
        %swap3A_661 = arith.constant 272 : index
        %swap3A_662 = tpu.vector_load %arg14[%swap3A_660, %swap3A_661] {strides = array<i32>} : memref<80x300xf32, #tpu.memory_space<vmem>>, vector<16xf32>,
        tpu.vector_store %arg14[%swap3A_660, %swap3A_661], %get3A_659 {strides = array<i32>} : memref<80x300xf32, #tpu.memory_space<vmem>>, vector<16xf32>,
        %broadcast_in_dim3A = vector.broadcast %add3A_650 : i32 to vector<16xi32>
        %add3A_663 = arith.constant 288 : i32
        %add3A_664 = vector.broadcast %add3A_663 : i32 to vector<16xi32>
        %add3A_665 = arith.addi %add3A_664, %iota3A : vector<16xi32>
        %get3A_666 = arith.index_cast %add3A_650 : i32 to index
        %get3A_667 = arith.constant 32 : index
        %get3A_668 = tpu.vector_load %arg16[%get3A_666, %get3A_667] {strides = array<i32>} : memref<80x128xf32, #tpu.memory_space<vmem>>, vector<16xf32>,
        tpu.vector_store_idx %arg14[%broadcast_in_dim3A, %add3A_665], %get3A_668 masked %lt3A_4 : memref<80x300xf32, #tpu.memory_space<vmem>>[vector<16xi32>, vector<16xi32>], vector<16xf32>, vector<16xi1>
        %mul3A_669 = arith.constant 8 : i32
        %mul3A_670 = arith.muli %scan3A_646, %mul3A_669 : i32
        %add3A_671 = arith.constant 1 : i32
        %add3A_672 = arith.addi %mul3A_670, %add3A_671 : i32
        %get3A_673 = arith.index_cast %add3A_672 : i32 to index
        %get3A_674 = arith.constant 0 : index
        %get3A_675 = tpu.vector_load %arg16[%get3A_673, %get3A_674] {strides = array<i32>} : memref<80x128xf32, #tpu.memory_space<vmem>>, vector<16xf32>,
        %swap3A_676 = arith.index_cast %add3A_672 : i32 to index
        %swap3A_677 = arith.constant 256 : index
        %swap3A_678 = tpu.vector_load %arg14[%swap3A_676, %swap3A_677] {strides = array<i32>} : memref<80x300xf32, #tpu.memory_space<vmem>>, vector<16xf32>,
        tpu.vector_store %arg14[%swap3A_676, %swap3A_677], %get3A_675 {strides = array<i32>} : memref<80x300xf32, #tpu.memory_space<vmem>>, vector<16xf32>,
        %get3A_679 = arith.index_cast %add3A_672 : i32 to index
        %get3A_680 = arith.constant 16 : index
        %get3A_681 = tpu.vector_load %arg16[%get3A_679, %get3A_680] {strides = array<i32>} : memref<80x128xf32, #tpu.memory_space<vmem>>, vector<16xf32>,
        %swap3A_682 = arith.index_cast %add3A_672 : i32 to index
        %swap3A_683 = arith.constant 272 : index
        %swap3A_684 = tpu.vector_load %arg14[%swap3A_682, %swap3A_683] {strides = array<i32>} : memref<80x300xf32, #tpu.memory_space<vmem>>, vector<16xf32>,
        tpu.vector_store %arg14[%swap3A_682, %swap3A_683], %get3A_681 {strides = array<i32>} : memref<80x300xf32, #tpu.memory_space<vmem>>, vector<16xf32>,
        %broadcast_in_dim3A_685 = vector.broadcast %add3A_672 : i32 to vector<16xi32>
        %add3A_686 = arith.constant 288 : i32
        %add3A_687 = vector.broadcast %add3A_686 : i32 to vector<16xi32>
        %add3A_688 = arith.addi %add3A_687, %iota3A : vector<16xi32>
        %get3A_689 = arith.index_cast %add3A_672 : i32 to index
        %get3A_690 = arith.constant 32 : index
        %get3A_691 = tpu.vector_load %arg16[%get3A_689, %get3A_690] {strides = array<i32>} : memref<80x128xf32, #tpu.memory_space<vmem>>, vector<16xf32>,
        tpu.vector_store_idx %arg14[%broadcast_in_dim3A_685, %add3A_688], %get3A_691 masked %lt3A_4 : memref<80x300xf32, #tpu.memory_space<vmem>>[vector<16xi32>, vector<16xi32>], vector<16xf32>, vector<16xi1>
        %mul3A_692 = arith.constant 8 : i32
        %mul3A_693 = arith.muli %scan3A_646, %mul3A_692 : i32
        %add3A_694 = arith.constant 2 : i32
        %add3A_695 = arith.addi %mul3A_693, %add3A_694 : i32
        %get3A_696 = arith.index_cast %add3A_695 : i32 to index
        %get3A_697 = arith.constant 0 : index
        %get3A_698 = tpu.vector_load %arg16[%get3A_696, %get3A_697] {strides = array<i32>} : memref<80x128xf32, #tpu.memory_space<vmem>>, vector<16xf32>,
        %swap3A_699 = arith.index_cast %add3A_695 : i32 to index
        %swap3A_700 = arith.constant 256 : index
        %swap3A_701 = tpu.vector_load %arg14[%swap3A_699, %swap3A_700] {strides = array<i32>} : memref<80x300xf32, #tpu.memory_space<vmem>>, vector<16xf32>,
        tpu.vector_store %arg14[%swap3A_699, %swap3A_700], %get3A_698 {strides = array<i32>} : memref<80x300xf32, #tpu.memory_space<vmem>>, vector<16xf32>,
        %get3A_702 = arith.index_cast %add3A_695 : i32 to index
        %get3A_703 = arith.constant 16 : index
        %get3A_704 = tpu.vector_load %arg16[%get3A_702, %get3A_703] {strides = array<i32>} : memref<80x128xf32, #tpu.memory_space<vmem>>, vector<16xf32>,
        %swap3A_705 = arith.index_cast %add3A_695 : i32 to index
        %swap3A_706 = arith.constant 272 : index
        %swap3A_707 = tpu.vector_load %arg14[%swap3A_705, %swap3A_706] {strides = array<i32>} : memref<80x300xf32, #tpu.memory_space<vmem>>, vector<16xf32>,
        tpu.vector_store %arg14[%swap3A_705, %swap3A_706], %get3A_704 {strides = array<i32>} : memref<80x300xf32, #tpu.memory_space<vmem>>, vector<16xf32>,
        %broadcast_in_dim3A_708 = vector.broadcast %add3A_695 : i32 to vector<16xi32>
        %add3A_709 = arith.constant 288 : i32
        %add3A_710 = vector.broadcast %add3A_709 : i32 to vector<16xi32>
        %add3A_711 = arith.addi %add3A_710, %iota3A : vector<16xi32>
        %get3A_712 = arith.index_cast %add3A_695 : i32 to index
        %get3A_713 = arith.constant 32 : index
        %get3A_714 = tpu.vector_load %arg16[%get3A_712, %get3A_713] {strides = array<i32>} : memref<80x128xf32, #tpu.memory_space<vmem>>, vector<16xf32>,
        tpu.vector_store_idx %arg14[%broadcast_in_dim3A_708, %add3A_711], %get3A_714 masked %lt3A_4 : memref<80x300xf32, #tpu.memory_space<vmem>>[vector<16xi32>, vector<16xi32>], vector<16xf32>, vector<16xi1>
        %mul3A_715 = arith.constant 8 : i32
        %mul3A_716 = arith.muli %scan3A_646, %mul3A_715 : i32
        %add3A_717 = arith.constant 3 : i32
        %add3A_718 = arith.addi %mul3A_716, %add3A_717 : i32
        %get3A_719 = arith.index_cast %add3A_718 : i32 to index
        %get3A_720 = arith.constant 0 : index
        %get3A_721 = tpu.vector_load %arg16[%get3A_719, %get3A_720] {strides = array<i32>} : memref<80x128xf32, #tpu.memory_space<vmem>>, vector<16xf32>,
        %swap3A_722 = arith.index_cast %add3A_718 : i32 to index
        %swap3A_723 = arith.constant 256 : index
        %swap3A_724 = tpu.vector_load %arg14[%swap3A_722, %swap3A_723] {strides = array<i32>} : memref<80x300xf32, #tpu.memory_space<vmem>>, vector<16xf32>,
        tpu.vector_store %arg14[%swap3A_722, %swap3A_723], %get3A_721 {strides = array<i32>} : memref<80x300xf32, #tpu.memory_space<vmem>>, vector<16xf32>,
        %get3A_725 = arith.index_cast %add3A_718 : i32 to index
        %get3A_726 = arith.constant 16 : index
        %get3A_727 = tpu.vector_load %arg16[%get3A_725, %get3A_726] {strides = array<i32>} : memref<80x128xf32, #tpu.memory_space<vmem>>, vector<16xf32>,
        %swap3A_728 = arith.index_cast %add3A_718 : i32 to index
        %swap3A_729 = arith.constant 272 : index
        %swap3A_730 = tpu.vector_load %arg14[%swap3A_728, %swap3A_729] {strides = array<i32>} : memref<80x300xf32, #tpu.memory_space<vmem>>, vector<16xf32>,
        tpu.vector_store %arg14[%swap3A_728, %swap3A_729], %get3A_727 {strides = array<i32>} : memref<80x300xf32, #tpu.memory_space<vmem>>, vector<16xf32>,
        %broadcast_in_dim3A_731 = vector.broadcast %add3A_718 : i32 to vector<16xi32>
        %add3A_732 = arith.constant 288 : i32
        %add3A_733 = vector.broadcast %add3A_732 : i32 to vector<16xi32>
        %add3A_734 = arith.addi %add3A_733, %iota3A : vector<16xi32>
        %get3A_735 = arith.index_cast %add3A_718 : i32 to index
        %get3A_736 = arith.constant 32 : index
        %get3A_737 = tpu.vector_load %arg16[%get3A_735, %get3A_736] {strides = array<i32>} : memref<80x128xf32, #tpu.memory_space<vmem>>, vector<16xf32>,
        tpu.vector_store_idx %arg14[%broadcast_in_dim3A_731, %add3A_734], %get3A_737 masked %lt3A_4 : memref<80x300xf32, #tpu.memory_space<vmem>>[vector<16xi32>, vector<16xi32>], vector<16xf32>, vector<16xi1>
        %mul3A_738 = arith.constant 8 : i32
        %mul3A_739 = arith.muli %scan3A_646, %mul3A_738 : i32
        %add3A_740 = arith.constant 4 : i32
        %add3A_741 = arith.addi %mul3A_739, %add3A_740 : i32
        %get3A_742 = arith.index_cast %add3A_741 : i32 to index
        %get3A_743 = arith.constant 0 : index
        %get3A_744 = tpu.vector_load %arg16[%get3A_742, %get3A_743] {strides = array<i32>} : memref<80x128xf32, #tpu.memory_space<vmem>>, vector<16xf32>,
        %swap3A_745 = arith.index_cast %add3A_741 : i32 to index
        %swap3A_746 = arith.constant 256 : index
        %swap3A_747 = tpu.vector_load %arg14[%swap3A_745, %swap3A_746] {strides = array<i32>} : memref<80x300xf32, #tpu.memory_space<vmem>>, vector<16xf32>,
        tpu.vector_store %arg14[%swap3A_745, %swap3A_746], %get3A_744 {strides = array<i32>} : memref<80x300xf32, #tpu.memory_space<vmem>>, vector<16xf32>,
        %get3A_748 = arith.index_cast %add3A_741 : i32 to index
        %get3A_749 = arith.constant 16 : index
        %get3A_750 = tpu.vector_load %arg16[%get3A_748, %get3A_749] {strides = array<i32>} : memref<80x128xf32, #tpu.memory_space<vmem>>, vector<16xf32>,
        %swap3A_751 = arith.index_cast %add3A_741 : i32 to index
        %swap3A_752 = arith.constant 272 : index
        %swap3A_753 = tpu.vector_load %arg14[%swap3A_751, %swap3A_752] {strides = array<i32>} : memref<80x300xf32, #tpu.memory_space<vmem>>, vector<16xf32>,
        tpu.vector_store %arg14[%swap3A_751, %swap3A_752], %get3A_750 {strides = array<i32>} : memref<80x300xf32, #tpu.memory_space<vmem>>, vector<16xf32>,
        %broadcast_in_dim3A_754 = vector.broadcast %add3A_741 : i32 to vector<16xi32>
        %add3A_755 = arith.constant 288 : i32
        %add3A_756 = vector.broadcast %add3A_755 : i32 to vector<16xi32>
        %add3A_757 = arith.addi %add3A_756, %iota3A : vector<16xi32>
        %get3A_758 = arith.index_cast %add3A_741 : i32 to index
        %get3A_759 = arith.constant 32 : index
        %get3A_760 = tpu.vector_load %arg16[%get3A_758, %get3A_759] {strides = array<i32>} : memref<80x128xf32, #tpu.memory_space<vmem>>, vector<16xf32>,
        tpu.vector_store_idx %arg14[%broadcast_in_dim3A_754, %add3A_757], %get3A_760 masked %lt3A_4 : memref<80x300xf32, #tpu.memory_space<vmem>>[vector<16xi32>, vector<16xi32>], vector<16xf32>, vector<16xi1>
        %mul3A_761 = arith.constant 8 : i32
        %mul3A_762 = arith.muli %scan3A_646, %mul3A_761 : i32
        %add3A_763 = arith.constant 5 : i32
        %add3A_764 = arith.addi %mul3A_762, %add3A_763 : i32
        %get3A_765 = arith.index_cast %add3A_764 : i32 to index
        %get3A_766 = arith.constant 0 : index
        %get3A_767 = tpu.vector_load %arg16[%get3A_765, %get3A_766] {strides = array<i32>} : memref<80x128xf32, #tpu.memory_space<vmem>>, vector<16xf32>,
        %swap3A_768 = arith.index_cast %add3A_764 : i32 to index
        %swap3A_769 = arith.constant 256 : index
        %swap3A_770 = tpu.vector_load %arg14[%swap3A_768, %swap3A_769] {strides = array<i32>} : memref<80x300xf32, #tpu.memory_space<vmem>>, vector<16xf32>,
        tpu.vector_store %arg14[%swap3A_768, %swap3A_769], %get3A_767 {strides = array<i32>} : memref<80x300xf32, #tpu.memory_space<vmem>>, vector<16xf32>,
        %get3A_771 = arith.index_cast %add3A_764 : i32 to index
        %get3A_772 = arith.constant 16 : index
        %get3A_773 = tpu.vector_load %arg16[%get3A_771, %get3A_772] {strides = array<i32>} : memref<80x128xf32, #tpu.memory_space<vmem>>, vector<16xf32>,
        %swap3A_774 = arith.index_cast %add3A_764 : i32 to index
        %swap3A_775 = arith.constant 272 : index
        %swap3A_776 = tpu.vector_load %arg14[%swap3A_774, %swap3A_775] {strides = array<i32>} : memref<80x300xf32, #tpu.memory_space<vmem>>, vector<16xf32>,
        tpu.vector_store %arg14[%swap3A_774, %swap3A_775], %get3A_773 {strides = array<i32>} : memref<80x300xf32, #tpu.memory_space<vmem>>, vector<16xf32>,
        %broadcast_in_dim3A_777 = vector.broadcast %add3A_764 : i32 to vector<16xi32>
        %add3A_778 = arith.constant 288 : i32
        %add3A_779 = vector.broadcast %add3A_778 : i32 to vector<16xi32>
        %add3A_780 = arith.addi %add3A_779, %iota3A : vector<16xi32>
        %get3A_781 = arith.index_cast %add3A_764 : i32 to index
        %get3A_782 = arith.constant 32 : index
        %get3A_783 = tpu.vector_load %arg16[%get3A_781, %get3A_782] {strides = array<i32>} : memref<80x128xf32, #tpu.memory_space<vmem>>, vector<16xf32>,
        tpu.vector_store_idx %arg14[%broadcast_in_dim3A_777, %add3A_780], %get3A_783 masked %lt3A_4 : memref<80x300xf32, #tpu.memory_space<vmem>>[vector<16xi32>, vector<16xi32>], vector<16xf32>, vector<16xi1>
        %mul3A_784 = arith.constant 8 : i32
        %mul3A_785 = arith.muli %scan3A_646, %mul3A_784 : i32
        %add3A_786 = arith.constant 6 : i32
        %add3A_787 = arith.addi %mul3A_785, %add3A_786 : i32
        %get3A_788 = arith.index_cast %add3A_787 : i32 to index
        %get3A_789 = arith.constant 0 : index
        %get3A_790 = tpu.vector_load %arg16[%get3A_788, %get3A_789] {strides = array<i32>} : memref<80x128xf32, #tpu.memory_space<vmem>>, vector<16xf32>,
        %swap3A_791 = arith.index_cast %add3A_787 : i32 to index
        %swap3A_792 = arith.constant 256 : index
        %swap3A_793 = tpu.vector_load %arg14[%swap3A_791, %swap3A_792] {strides = array<i32>} : memref<80x300xf32, #tpu.memory_space<vmem>>, vector<16xf32>,
        tpu.vector_store %arg14[%swap3A_791, %swap3A_792], %get3A_790 {strides = array<i32>} : memref<80x300xf32, #tpu.memory_space<vmem>>, vector<16xf32>,
        %get3A_794 = arith.index_cast %add3A_787 : i32 to index
        %get3A_795 = arith.constant 16 : index
        %get3A_796 = tpu.vector_load %arg16[%get3A_794, %get3A_795] {strides = array<i32>} : memref<80x128xf32, #tpu.memory_space<vmem>>, vector<16xf32>,
        %swap3A_797 = arith.index_cast %add3A_787 : i32 to index
        %swap3A_798 = arith.constant 272 : index
        %swap3A_799 = tpu.vector_load %arg14[%swap3A_797, %swap3A_798] {strides = array<i32>} : memref<80x300xf32, #tpu.memory_space<vmem>>, vector<16xf32>,
        tpu.vector_store %arg14[%swap3A_797, %swap3A_798], %get3A_796 {strides = array<i32>} : memref<80x300xf32, #tpu.memory_space<vmem>>, vector<16xf32>,
        %broadcast_in_dim3A_800 = vector.broadcast %add3A_787 : i32 to vector<16xi32>
        %add3A_801 = arith.constant 288 : i32
        %add3A_802 = vector.broadcast %add3A_801 : i32 to vector<16xi32>
        %add3A_803 = arith.addi %add3A_802, %iota3A : vector<16xi32>
        %get3A_804 = arith.index_cast %add3A_787 : i32 to index
        %get3A_805 = arith.constant 32 : index
        %get3A_806 = tpu.vector_load %arg16[%get3A_804, %get3A_805] {strides = array<i32>} : memref<80x128xf32, #tpu.memory_space<vmem>>, vector<16xf32>,
        tpu.vector_store_idx %arg14[%broadcast_in_dim3A_800, %add3A_803], %get3A_806 masked %lt3A_4 : memref<80x300xf32, #tpu.memory_space<vmem>>[vector<16xi32>, vector<16xi32>], vector<16xf32>, vector<16xi1>
        %mul3A_807 = arith.constant 8 : i32
        %mul3A_808 = arith.muli %scan3A_646, %mul3A_807 : i32
        %add3A_809 = arith.constant 7 : i32
        %add3A_810 = arith.addi %mul3A_808, %add3A_809 : i32
        %get3A_811 = arith.index_cast %add3A_810 : i32 to index
        %get3A_812 = arith.constant 0 : index
        %get3A_813 = tpu.vector_load %arg16[%get3A_811, %get3A_812] {strides = array<i32>} : memref<80x128xf32, #tpu.memory_space<vmem>>, vector<16xf32>,
        %swap3A_814 = arith.index_cast %add3A_810 : i32 to index
        %swap3A_815 = arith.constant 256 : index
        %swap3A_816 = tpu.vector_load %arg14[%swap3A_814, %swap3A_815] {strides = array<i32>} : memref<80x300xf32, #tpu.memory_space<vmem>>, vector<16xf32>,
        tpu.vector_store %arg14[%swap3A_814, %swap3A_815], %get3A_813 {strides = array<i32>} : memref<80x300xf32, #tpu.memory_space<vmem>>, vector<16xf32>,
        %get3A_817 = arith.index_cast %add3A_810 : i32 to index
        %get3A_818 = arith.constant 16 : index
        %get3A_819 = tpu.vector_load %arg16[%get3A_817, %get3A_818] {strides = array<i32>} : memref<80x128xf32, #tpu.memory_space<vmem>>, vector<16xf32>,
        %swap3A_820 = arith.index_cast %add3A_810 : i32 to index
        %swap3A_821 = arith.constant 272 : index
        %swap3A_822 = tpu.vector_load %arg14[%swap3A_820, %swap3A_821] {strides = array<i32>} : memref<80x300xf32, #tpu.memory_space<vmem>>, vector<16xf32>,
        tpu.vector_store %arg14[%swap3A_820, %swap3A_821], %get3A_819 {strides = array<i32>} : memref<80x300xf32, #tpu.memory_space<vmem>>, vector<16xf32>,
        %broadcast_in_dim3A_823 = vector.broadcast %add3A_810 : i32 to vector<16xi32>
        %add3A_824 = arith.constant 288 : i32
        %add3A_825 = vector.broadcast %add3A_824 : i32 to vector<16xi32>
        %add3A_826 = arith.addi %add3A_825, %iota3A : vector<16xi32>
        %get3A_827 = arith.index_cast %add3A_810 : i32 to index
        %get3A_828 = arith.constant 32 : index
        %get3A_829 = tpu.vector_load %arg16[%get3A_827, %get3A_828] {strides = array<i32>} : memref<80x128xf32, #tpu.memory_space<vmem>>, vector<16xf32>,
        tpu.vector_store_idx %arg14[%broadcast_in_dim3A_823, %add3A_826], %get3A_829 masked %lt3A_4 : memref<80x300xf32, #tpu.memory_space<vmem>>[vector<16xi32>, vector<16xi32>], vector<16xf32>, vector<16xi1>
      }
      %scan3A_549 = arith.constant 10 : i32
      %mul3A_550 = arith.constant 80 : i32
      %mul3A_551 = arith.muli %add3A_513, %mul3A_550 : i32
      %add3A_552 = arith.addi %mul3A_2, %mul3A_551 : i32
      %dma_start3A_553 = arith.constant 0 : i32
      %dma_start3A_554 = tpu.memref_slice %arg4[%add3A_552, %dma_start3A_553] : memref<819200x300xf32, #tpu.memory_space<hbm>> -> memref<80x300xf32, #tpu.memory_space<hbm>>
      %dma_start3A_555 = arith.constant 0 : i32
      %dma_start3A_556 = tpu.memref_slice %arg4[%add3A_552, %dma_start3A_555] : memref<819200x300xf32, #tpu.memory_space<hbm>> -> memref<80x300xf32, #tpu.memory_space<hbm>>
      tpu.enqueue_dma source(%arg14 : memref<80x300xf32, #tpu.memory_space<vmem>>) target(%dma_start3A_556 : memref<80x300xf32, #tpu.memory_space<hbm>>) target_semaphore(%arg22 : memref<!tpu.dma_semaphore, #tpu.memory_space<semaphore_mem>>)
      %dma_wait3A_557 = arith.constant 0 : i32
      %dma_wait3A_558 = tpu.memref_slice %arg2[%dma_wait3A_557] : memref<819200xi32, #tpu.memory_space<hbm>> -> memref<80xi32, #tpu.memory_space<hbm>>
      %dma_wait3A_559 = arith.constant 0 : i32
      %dma_wait3A_560 = tpu.memref_slice %arg2[%dma_wait3A_559] : memref<819200xi32, #tpu.memory_space<hbm>> -> memref<80xi32, #tpu.memory_space<hbm>>
      tpu.wait_dma2 semaphore(%arg17 : memref<!tpu.dma_semaphore, #tpu.memory_space<semaphore_mem>>) src(%dma_wait3A_560 : memref<80xi32, #tpu.memory_space<hbm>>) dst(%arg5 : memref<80xi32, #tpu.memory_space<vmem>>)
      %get3A_561 = arith.constant 0 : index
      %get3A_562 = tpu.vector_load %arg5[%get3A_561] {strides = array<i32>} : memref<80xi32, #tpu.memory_space<vmem>>, vector<16xi32>,
      %swap3A_563 = arith.constant 0 : index
      %swap3A_564 = tpu.vector_load %arg7[%swap3A_563] {strides = array<i32>} : memref<80xi32, #tpu.memory_space<vmem>>, vector<16xi32>,
      tpu.vector_store %arg7[%swap3A_563], %get3A_562 {strides = array<i32>} : memref<80xi32, #tpu.memory_space<vmem>>, vector<16xi32>,
      %add3A_565 = arith.constant 100000 : i32
      %add3A_566 = vector.broadcast %add3A_565 : i32 to vector<16xi32>
      %add3A_567 = arith.addi %get3A_562, %add3A_566 : vector<16xi32>
      %swap3A_568 = arith.constant 0 : index
      %swap3A_569 = tpu.vector_load %arg9[%swap3A_568] {strides = array<i32>} : memref<80xi32, #tpu.memory_space<vmem>>, vector<16xi32>,
      tpu.vector_store %arg9[%swap3A_568], %add3A_567 {strides = array<i32>} : memref<80xi32, #tpu.memory_space<vmem>>, vector<16xi32>,
      %add3A_570 = arith.constant 200000 : i32
      %add3A_571 = vector.broadcast %add3A_570 : i32 to vector<16xi32>
      %add3A_572 = arith.addi %get3A_562, %add3A_571 : vector<16xi32>
      %swap3A_573 = arith.constant 0 : index
      %swap3A_574 = tpu.vector_load %arg11[%swap3A_573] {strides = array<i32>} : memref<80xi32, #tpu.memory_space<vmem>>, vector<16xi32>,
      tpu.vector_store %arg11[%swap3A_573], %add3A_572 {strides = array<i32>} : memref<80xi32, #tpu.memory_space<vmem>>, vector<16xi32>,
      %get3A_575 = arith.constant 16 : index
      %get3A_576 = tpu.vector_load %arg5[%get3A_575] {strides = array<i32>} : memref<80xi32, #tpu.memory_space<vmem>>, vector<16xi32>,
      %swap3A_577 = arith.constant 16 : index
      %swap3A_578 = tpu.vector_load %arg7[%swap3A_577] {strides = array<i32>} : memref<80xi32, #tpu.memory_space<vmem>>, vector<16xi32>,
      tpu.vector_store %arg7[%swap3A_577], %get3A_576 {strides = array<i32>} : memref<80xi32, #tpu.memory_space<vmem>>, vector<16xi32>,
      %add3A_579 = arith.constant 100000 : i32
      %add3A_580 = vector.broadcast %add3A_579 : i32 to vector<16xi32>
      %add3A_581 = arith.addi %get3A_576, %add3A_580 : vector<16xi32>
      %swap3A_582 = arith.constant 16 : index
      %swap3A_583 = tpu.vector_load %arg9[%swap3A_582] {strides = array<i32>} : memref<80xi32, #tpu.memory_space<vmem>>, vector<16xi32>,
      tpu.vector_store %arg9[%swap3A_582], %add3A_581 {strides = array<i32>} : memref<80xi32, #tpu.memory_space<vmem>>, vector<16xi32>,
      %add3A_584 = arith.constant 200000 : i32
      %add3A_585 = vector.broadcast %add3A_584 : i32 to vector<16xi32>
      %add3A_586 = arith.addi %get3A_576, %add3A_585 : vector<16xi32>
      %swap3A_587 = arith.constant 16 : index
      %swap3A_588 = tpu.vector_load %arg11[%swap3A_587] {strides = array<i32>} : memref<80xi32, #tpu.memory_space<vmem>>, vector<16xi32>,
      tpu.vector_store %arg11[%swap3A_587], %add3A_586 {strides = array<i32>} : memref<80xi32, #tpu.memory_space<vmem>>, vector<16xi32>,
      %get3A_589 = arith.constant 32 : index
      %get3A_590 = tpu.vector_load %arg5[%get3A_589] {strides = array<i32>} : memref<80xi32, #tpu.memory_space<vmem>>, vector<16xi32>,
      %swap3A_591 = arith.constant 32 : index
      %swap3A_592 = tpu.vector_load %arg7[%swap3A_591] {strides = array<i32>} : memref<80xi32, #tpu.memory_space<vmem>>, vector<16xi32>,
      tpu.vector_store %arg7[%swap3A_591], %get3A_590 {strides = array<i32>} : memref<80xi32, #tpu.memory_space<vmem>>, vector<16xi32>,
      %add3A_593 = arith.constant 100000 : i32
      %add3A_594 = vector.broadcast %add3A_593 : i32 to vector<16xi32>
      %add3A_595 = arith.addi %get3A_590, %add3A_594 : vector<16xi32>
      %swap3A_596 = arith.constant 32 : index
      %swap3A_597 = tpu.vector_load %arg9[%swap3A_596] {strides = array<i32>} : memref<80xi32, #tpu.memory_space<vmem>>, vector<16xi32>,
      tpu.vector_store %arg9[%swap3A_596], %add3A_595 {strides = array<i32>} : memref<80xi32, #tpu.memory_space<vmem>>, vector<16xi32>,
      %add3A_598 = arith.constant 200000 : i32
      %add3A_599 = vector.broadcast %add3A_598 : i32 to vector<16xi32>
      %add3A_600 = arith.addi %get3A_590, %add3A_599 : vector<16xi32>
      %swap3A_601 = arith.constant 32 : index
      %swap3A_602 = tpu.vector_load %arg11[%swap3A_601] {strides = array<i32>} : memref<80xi32, #tpu.memory_space<vmem>>, vector<16xi32>,
      tpu.vector_store %arg11[%swap3A_601], %add3A_600 {strides = array<i32>} : memref<80xi32, #tpu.memory_space<vmem>>, vector<16xi32>,
      %get3A_603 = arith.constant 48 : index
      %get3A_604 = tpu.vector_load %arg5[%get3A_603] {strides = array<i32>} : memref<80xi32, #tpu.memory_space<vmem>>, vector<16xi32>,
      %swap3A_605 = arith.constant 48 : index
      %swap3A_606 = tpu.vector_load %arg7[%swap3A_605] {strides = array<i32>} : memref<80xi32, #tpu.memory_space<vmem>>, vector<16xi32>,
      tpu.vector_store %arg7[%swap3A_605], %get3A_604 {strides = array<i32>} : memref<80xi32, #tpu.memory_space<vmem>>, vector<16xi32>,
      %add3A_607 = arith.constant 100000 : i32
      %add3A_608 = vector.broadcast %add3A_607 : i32 to vector<16xi32>
      %add3A_609 = arith.addi %get3A_604, %add3A_608 : vector<16xi32>
      %swap3A_610 = arith.constant 48 : index
      %swap3A_611 = tpu.vector_load %arg9[%swap3A_610] {strides = array<i32>} : memref<80xi32, #tpu.memory_space<vmem>>, vector<16xi32>,
      tpu.vector_store %arg9[%swap3A_610], %add3A_609 {strides = array<i32>} : memref<80xi32, #tpu.memory_space<vmem>>, vector<16xi32>,
      %add3A_612 = arith.constant 200000 : i32
      %add3A_613 = vector.broadcast %add3A_612 : i32 to vector<16xi32>
      %add3A_614 = arith.addi %get3A_604, %add3A_613 : vector<16xi32>
      %swap3A_615 = arith.constant 48 : index
      %swap3A_616 = tpu.vector_load %arg11[%swap3A_615] {strides = array<i32>} : memref<80xi32, #tpu.memory_space<vmem>>, vector<16xi32>,
      tpu.vector_store %arg11[%swap3A_615], %add3A_614 {strides = array<i32>} : memref<80xi32, #tpu.memory_space<vmem>>, vector<16xi32>,
      %get3A_617 = arith.constant 64 : index
      %get3A_618 = tpu.vector_load %arg5[%get3A_617] {strides = array<i32>} : memref<80xi32, #tpu.memory_space<vmem>>, vector<16xi32>,
      %swap3A_619 = arith.constant 64 : index
      %swap3A_620 = tpu.vector_load %arg7[%swap3A_619] {strides = array<i32>} : memref<80xi32, #tpu.memory_space<vmem>>, vector<16xi32>,
      tpu.vector_store %arg7[%swap3A_619], %get3A_618 {strides = array<i32>} : memref<80xi32, #tpu.memory_space<vmem>>, vector<16xi32>,
      %add3A_621 = arith.constant 100000 : i32
      %add3A_622 = vector.broadcast %add3A_621 : i32 to vector<16xi32>
      %add3A_623 = arith.addi %get3A_618, %add3A_622 : vector<16xi32>
      %swap3A_624 = arith.constant 64 : index
      %swap3A_625 = tpu.vector_load %arg9[%swap3A_624] {strides = array<i32>} : memref<80xi32, #tpu.memory_space<vmem>>, vector<16xi32>,
      tpu.vector_store %arg9[%swap3A_624], %add3A_623 {strides = array<i32>} : memref<80xi32, #tpu.memory_space<vmem>>, vector<16xi32>,
      %add3A_626 = arith.constant 200000 : i32
      %add3A_627 = vector.broadcast %add3A_626 : i32 to vector<16xi32>
      %add3A_628 = arith.addi %get3A_618, %add3A_627 : vector<16xi32>
      %swap3A_629 = arith.constant 64 : index
      %swap3A_630 = tpu.vector_load %arg11[%swap3A_629] {strides = array<i32>} : memref<80xi32, #tpu.memory_space<vmem>>, vector<16xi32>,
      tpu.vector_store %arg11[%swap3A_629], %add3A_628 {strides = array<i32>} : memref<80xi32, #tpu.memory_space<vmem>>, vector<16xi32>,
      %dma_start3A_631 = arith.constant 0 : i32
      %dma_start3A_632 = arith.constant 0 : i32
      %dma_start3A_633 = tpu.memref_slice %arg13[%dma_start3A_631, %dma_start3A_632] : memref<80x300xf32, #tpu.memory_space<vmem>> -> memref<80x128xf32, #tpu.memory_space<vmem>>
      %dma_start3A_634 = arith.constant 0 : i32
      %dma_start3A_635 = arith.constant 0 : i32
      %dma_start3A_636 = tpu.memref_slice %arg3[%dma_start3A_634, %dma_start3A_635] : memref<300000x128xf32, #tpu.memory_space<hbm>> -> memref<300000x128xf32, #tpu.memory_space<hbm>>
      tpu.enqueue_indirect_dma source(%dma_start3A_636 : memref<300000x128xf32, #tpu.memory_space<hbm>>) target(%dma_start3A_633 : memref<80x128xf32, #tpu.memory_space<vmem>>) offsets(%arg7 : memref<80xi32, #tpu.memory_space<vmem>>) semaphore(%arg19 : memref<!tpu.dma_semaphore, #tpu.memory_space<semaphore_mem>>)
      %dma_start3A_637 = arith.constant 0 : i32
      %dma_start3A_638 = arith.constant 128 : i32
      %dma_start3A_639 = tpu.memref_slice %arg13[%dma_start3A_637, %dma_start3A_638] : memref<80x300xf32, #tpu.memory_space<vmem>> -> memref<80x128xf32, #tpu.memory_space<vmem>>
      %dma_start3A_640 = arith.constant 0 : i32
      %dma_start3A_641 = arith.constant 0 : i32
      %dma_start3A_642 = tpu.memref_slice %arg3[%dma_start3A_640, %dma_start3A_641] : memref<300000x128xf32, #tpu.memory_space<hbm>> -> memref<300000x128xf32, #tpu.memory_space<hbm>>
      tpu.enqueue_indirect_dma source(%dma_start3A_642 : memref<300000x128xf32, #tpu.memory_space<hbm>>) target(%dma_start3A_639 : memref<80x128xf32, #tpu.memory_space<vmem>>) offsets(%arg9 : memref<80xi32, #tpu.memory_space<vmem>>) semaphore(%arg19 : memref<!tpu.dma_semaphore, #tpu.memory_space<semaphore_mem>>)
      %dma_start3A_643 = arith.constant 0 : i32
      %dma_start3A_644 = arith.constant 0 : i32
      %dma_start3A_645 = tpu.memref_slice %arg3[%dma_start3A_643, %dma_start3A_644] : memref<300000x128xf32, #tpu.memory_space<hbm>> -> memref<300000x128xf32, #tpu.memory_space<hbm>>
      tpu.enqueue_indirect_dma source(%dma_start3A_645 : memref<300000x128xf32, #tpu.memory_space<hbm>>) target(%arg15 : memref<80x128xf32, #tpu.memory_space<vmem>>) offsets(%arg11 : memref<80xi32, #tpu.memory_space<vmem>>) semaphore(%arg19 : memref<!tpu.dma_semaphore, #tpu.memory_space<semaphore_mem>>)
    }
    %scan3A_351 = arith.constant 159 : i32
    %dma_wait3A_352 = arith.constant 0 : i32
    %dma_wait3A_353 = arith.constant 0 : i32
    %dma_wait3A_354 = tpu.memref_slice %arg13[%dma_wait3A_352, %dma_wait3A_353] : memref<80x300xf32, #tpu.memory_space<vmem>> -> memref<80x128xf32, #tpu.memory_space<vmem>>
    %dma_wait3A_355 = arith.constant 0 : i32
    %dma_wait3A_356 = arith.constant 0 : i32
    %dma_wait3A_357 = tpu.memref_slice %arg3[%dma_wait3A_355, %dma_wait3A_356] : memref<300000x128xf32, #tpu.memory_space<hbm>> -> memref<300000x128xf32, #tpu.memory_space<hbm>>
    tpu.wait_indirect_dma semaphore(%arg19 : memref<!tpu.dma_semaphore, #tpu.memory_space<semaphore_mem>>) src(%dma_wait3A_357 : memref<300000x128xf32, #tpu.memory_space<hbm>>) dst(%dma_wait3A_354 : memref<80x128xf32, #tpu.memory_space<vmem>>)
    %dma_wait3A_358 = arith.constant 0 : i32
    %dma_wait3A_359 = arith.constant 128 : i32
    %dma_wait3A_360 = tpu.memref_slice %arg13[%dma_wait3A_358, %dma_wait3A_359] : memref<80x300xf32, #tpu.memory_space<vmem>> -> memref<80x128xf32, #tpu.memory_space<vmem>>
    %dma_wait3A_361 = arith.constant 0 : i32
    %dma_wait3A_362 = arith.constant 0 : i32
    %dma_wait3A_363 = tpu.memref_slice %arg3[%dma_wait3A_361, %dma_wait3A_362] : memref<300000x128xf32, #tpu.memory_space<hbm>> -> memref<300000x128xf32, #tpu.memory_space<hbm>>
    tpu.wait_indirect_dma semaphore(%arg19 : memref<!tpu.dma_semaphore, #tpu.memory_space<semaphore_mem>>) src(%dma_wait3A_363 : memref<300000x128xf32, #tpu.memory_space<hbm>>) dst(%dma_wait3A_360 : memref<80x128xf32, #tpu.memory_space<vmem>>)
    %dma_wait3A_364 = arith.constant 0 : i32
    %dma_wait3A_365 = arith.constant 0 : i32
    %dma_wait3A_366 = tpu.memref_slice %arg3[%dma_wait3A_364, %dma_wait3A_365] : memref<300000x128xf32, #tpu.memory_space<hbm>> -> memref<300000x128xf32, #tpu.memory_space<hbm>>
    tpu.wait_indirect_dma semaphore(%arg19 : memref<!tpu.dma_semaphore, #tpu.memory_space<semaphore_mem>>) src(%dma_wait3A_366 : memref<300000x128xf32, #tpu.memory_space<hbm>>) dst(%arg15 : memref<80x128xf32, #tpu.memory_space<vmem>>)
    %dma_wait3A_367 = arith.constant 0 : i32
    %dma_wait3A_368 = arith.constant 0 : i32
    %dma_wait3A_369 = tpu.memref_slice %arg4[%dma_wait3A_367, %dma_wait3A_368] : memref<819200x300xf32, #tpu.memory_space<hbm>> -> memref<80x300xf32, #tpu.memory_space<hbm>>
    %dma_wait3A_370 = arith.constant 0 : i32
    %dma_wait3A_371 = arith.constant 0 : i32
    %dma_wait3A_372 = tpu.memref_slice %arg4[%dma_wait3A_370, %dma_wait3A_371] : memref<819200x300xf32, #tpu.memory_space<hbm>> -> memref<80x300xf32, #tpu.memory_space<hbm>>
    tpu.wait_dma2 semaphore(%arg22 : memref<!tpu.dma_semaphore, #tpu.memory_space<semaphore_mem>>) src(%arg14 : memref<80x300xf32, #tpu.memory_space<vmem>>) dst(%dma_wait3A_372 : memref<80x300xf32, #tpu.memory_space<hbm>>)
    return
  }
}

</mosaic_0001>

<sc_bundles>
// kernel: _sc_gather.3.cloned.1.call-start
scs
__scs_entry_jumppad:
0x0: {  	(pc) =	sbr.rel $0x88, $3  }
0x1: {  	(tag) =	ssettag $0x0;
	lr =	simm.s32 $0x1  }
0x2: {  	[smem:$0x3F9F] =	sst lr;
	_ =	strace $0xD0000000  }
0x3: {  	_ = 	snop  }
0x4: {  	_ = 	snop  }
0x5: {  	_ = 	snop  }
0x6: {  	_ = 	snop  }
0x7: {  	_ = 	snop  }
__scs_overlays_trampoline_lowered:
0x8: {  	[smem:$0x3FAE] =	sst s0  }
0x9: {  	[smem:$0x3FAF] =	sst s1  }
0xa: {  	[smem:$0x3FB0] =	sst s2  }
0xb: {  	[smem:$0x3FB1] =	sst s3  }
0xc: {  	[smem:$0x3FB2] =	sst s4  }
0xd: {  	[smem:$0x3FB3] =	sst s5  }
0xe: {  	[smem:$0x3FB4] =	sst s6  }
0xf: {  	[smem:$0x3FB5] =	sst s7  }
0x10: {  	[smem:$0x3FB6] =	sst s8  }
0x11: {  	[smem:$0x3FB7] =	sst s9;
	s0 =	simm.s32 @!p0 $0x0  }
0x12: {  	s1 =	sld [smem:$0x3F9D];
	s0 =	simm.s32 @p0 $0x1  }
0x13: {  	[smem:$0x3FB8] =	sst s0;
	s0 =	simm.s32 @!p1 $0x0  }
0x14: {  	s2 =	sld [smem:$0x3F9C];
	s0 =	simm.s32 @p1 $0x1  }
0x15: {  	[smem:$0x3FB9] =	sst s0;
	s0 =	simm.s32 @!p2 $0x0  }
0x16: {  	s3 =	sld [smem:$0x3FDB];
	s0 =	simm.s32 @p2 $0x1  }
0x17: {  	s4 =	simm.s32 $0x1BF5;
	[smem:$0x3FBB] =	sst s0  }
0x18: {  	s0 =	sld [smem:$0x3F9E];
	_ =	swait.ge [sflag:s4], $0x0  }
0x19: {  	s7 =	sld [smem:$0x3F9F]  }
0x1a: {  	s8 =	sadd.s32 $0xFFFFE003, lr  }
0x1b: {  	s9 =	sadd.s32 $0xFFFFFEF7, lr;
	s5 =	simm.s32 $0xFFFFFFFF;
	p2 =	slt.u32 s8, $0xFFFFF086  }
0x1c: {  	p1 =	slt.u32 s9, $0xF7A;
	s5 =	simm.s32 @!p2 $0x0  }
0x1d: {  	s5 =	simm.s32 @p1 $0x1;
	p0 =	seq.s32 s7, s2  }
0x1e: {  	s7 =	smul.u32 @!p0 $0xF7A, s2;
	p2 =	seq.s32 @!p0 s5, $0x0  }
0x1f: {  	s9 =	smul.u32 $0xF7A, s1;
	s8 =	simm.s32 @!p0 $0x1BF5;
	p2 =	por !p2, p0  }
0x20: {  	[sflag:s8] =	ssyncset.s32 @!p0 $0xFFFFF086;
	s6 =	sadd.s32 @!p0 s3, s7;
	s7 =	simm.s32 @!p0 $0x108  }
0x21: {  	s3 =	sadd.s32 s3, s9;
	s6 =	sadd.s32 @!p0 $0x88, s6;
	s7 =	simm.s32 @p2 $0x1082  }
0x22: {  	[simem:s7], [sflag:s8] =	dma.local @!p0 [hbm:s6], $0xF7A  }
0x23: {  	s9 =	sor.u32 $0xD0000000, s2;
	s6 =	simm.s32 $0x108;
	_ =	swait.ge @!p0 [sflag:s8], $0x0  }
0x24: {  	s3 =	sadd.s32 $0x88, s3;
	s6 =	simm.s32 @!p1 $0x1082;
	[sflag:s4] =	ssyncset.s32 $0xFFFFF086  }
0x25: {  	[simem:s6], [sflag:s4] =	dma.local [hbm:s3], $0xF7A  }
0x26: {  	[smem:$0x3F9F] =	sst s1;
	(tag) =	ssettag s2;
	_ =	strace s9  }
0x27: {  	s1 =	sld [smem:$0x3FAF]  }
0x28: {  	s2 =	sld [smem:$0x3FB0]  }
0x29: {  	s4 =	sld [smem:$0x3FB2]  }
0x2a: {  	p0 =	seq.s32 s5, $0x0;
	s5 =	sld [smem:$0x3FB3]  }
0x2b: {  	s6 =	sld [smem:$0x3FB4]  }
0x2c: {  	s7 =	sld [smem:$0x3FB5]  }
0x2d: {  	s3 =	simm.s32 $0x108;
	s8 =	sld [smem:$0x3FB6]  }
0x2e: {  	s3 =	simm.s32 @!p0 $0x1082;
	s9 =	sld [smem:$0x3FB7]  }
0x2f: {  	lr =	sadd.s32 s0, s3;
	s0 =	sld [smem:$0x3FAE]  }
0x30: {  	s3 =	sld [smem:$0x3FB1]  }
0x31: {  	[smem:$0x3FBA] =	sst s10  }
0x32: {  	s10 =	sld [smem:$0x3FB8];
	_ =	sdelay $0x3  }
0x33: {  	p0 =	seq.s32 s10, $0x1;
	s10 =	sld [smem:$0x3FBA];
	_ =	sdelay $0x3  }
0x34: {  	[smem:$0x3FBA] =	sst s10  }
0x35: {  	s10 =	sld [smem:$0x3FB9];
	_ =	sdelay $0x3  }
0x36: {  	p1 =	seq.s32 s10, $0x1;
	s10 =	sld [smem:$0x3FBA];
	_ =	sdelay $0x3  }
0x37: {  	[smem:$0x3FBA] =	sst s10  }
0x38: {  	s10 =	sld [smem:$0x3FBB]  }
0x39: {  	_ = 	snop;
	(pc) =	sbr.ind lr, $3  }
0x3a: {  	_ = 	snop  }
0x3b: {  	_ = 	snop  }
0x3c: {  	p2 =	seq.s32 s10, $0x1;
	s10 =	sld [smem:$0x3FBA]  }
0x3d: {  	_ =	shalt  }
0x3e: {  	_ =	shalt  }
0x3f: {  	_ =	shalt  }
0x40: {  	_ =	shalt  }
0x41: {  	_ =	shalt  }
0x42: {  	_ =	shalt  }
0x43: {  	_ =	shalt  }
0x44: {  	_ =	shalt  }
0x45: {  	_ =	shalt  }
0x46: {  	_ =	shalt  }
0x47: {  	_ =	shalt  }
0x48: {  	_ =	shalt  }
0x49: {  	_ =	shalt  }
0x4a: {  	_ =	shalt  }
0x4b: {  	_ =	shalt  }
0x4c: {  	_ =	shalt  }
0x4d: {  	_ =	shalt  }
0x4e: {  	_ =	shalt  }
0x4f: {  	_ =	shalt  }
0x50: {  	_ =	shalt  }
0x51: {  	_ =	shalt  }
0x52: {  	_ =	shalt  }
0x53: {  	_ =	shalt  }
0x54: {  	_ =	shalt  }
0x55: {  	_ =	shalt  }
0x56: {  	_ =	shalt  }
0x57: {  	_ =	shalt  }
0x58: {  	_ =	shalt  }
0x59: {  	_ =	shalt  }
0x5a: {  	_ =	shalt  }
0x5b: {  	_ =	shalt  }
0x5c: {  	_ =	shalt  }
0x5d: {  	_ =	shalt  }
0x5e: {  	_ =	shalt  }
0x5f: {  	_ =	shalt  }
0x60: {  	_ =	shalt  }
0x61: {  	_ =	shalt  }
0x62: {  	_ =	shalt  }
0x63: {  	_ =	shalt  }
0x64: {  	_ =	shalt  }
0x65: {  	_ =	shalt  }
0x66: {  	_ =	shalt  }
0x67: {  	_ =	shalt  }
0x68: {  	_ =	shalt  }
0x69: {  	_ =	shalt  }
0x6a: {  	_ =	shalt  }
0x6b: {  	_ =	shalt  }
0x6c: {  	_ =	shalt  }
0x6d: {  	_ =	shalt  }
0x6e: {  	_ =	shalt  }
0x6f: {  	_ =	shalt  }
0x70: {  	_ =	shalt  }
0x71: {  	_ =	shalt  }
0x72: {  	_ =	shalt  }
0x73: {  	_ =	shalt  }
0x74: {  	_ =	shalt  }
0x75: {  	_ =	shalt  }
0x76: {  	_ =	shalt  }
0x77: {  	_ =	shalt  }
0x78: {  	_ =	shalt  }
0x79: {  	_ =	shalt  }
0x7a: {  	_ =	shalt  }
0x7b: {  	_ =	shalt  }
0x7c: {  	_ =	shalt  }
0x7d: {  	_ =	shalt  }
0x7e: {  	_ =	shalt  }
0x7f: {  	_ =	shalt  }
0x80: {  	_ =	shalt  }
0x81: {  	_ =	shalt  }
0x82: {  	_ =	shalt  }
0x83: {  	_ =	shalt  }
0x84: {  	_ =	shalt  }
0x85: {  	_ =	shalt  }
0x86: {  	_ =	shalt  }
0x87: {  	_ =	shalt  }
.Lfunc_end0:
.L_simem_size_0:
called_computation_lowered:
.L_overlay_start_0:
0x88: {  	s2 =	sld [smem:$0x3FD9]  }
0x89: {  	s3 =	sld [smem:$0x3FFE];
	_ =	sdelay $0x1  }
0x8a: {  	s1 =	srdreg.scid  }
0x8b: {  	s0 =	sand.u32 $0x1, s1  }
0x8c: {  	s17 =	sshll.u32 s0, $0xA;
	s2 =	sadd.s32 s3, s2  }
0x8d: {  	s2 =	sadd.s32 s2, s17  }
0x8e: {  	[smem:$0x3FC6] =	sst s2  }
0x8f: {  	_ = 	snop  }
0x90: {  	s2 =	sld [smem:$0x3FC9]  }
0x91: {  	s18 =	sld [smem:$0x3FC8];
	(tm) =	ssettm $0x1  }
0x92: {  	s4 =	sld [smem:$0x3FFB];
	_ =	sdelay $0x3  }
0x93: {  	_ =	strace s4  }
0x94: {  	s4 =	sld [smem:$0x3FFC];
	_ =	sdelay $0x3  }
0x95: {  	_ =	strace s4  }
0x96: {  	s4 =	sld [smem:$0x3FFD];
	_ =	sdelay $0x3  }
0x97: {  	_ =	strace s4  }
0x98: {  	_ =	strace $0x8FFFFFFF  }
0x99: {  	s19 =	sld [smem:$0x3FDB];
	_ =	sdelay $0x1  }
0x9a: {  	s5 =	simm.s32 $_scs_section_size  }
0x9b: {  	s6 =	simm.s32 $_size__tile_overlayer_lowered;
	s7 =	simm.s32 $_tile_overlayer_lowered  }
0x9c: {  	s22 =	simm.s32 $0x1BFF;
	s21 =	sshll.u32 s7, $0x1;
	s4 =	sadd.s32 s5, s19  }
0x9d: {  	s8 =	simm.s32 $0x0;
	s20 =	sshll.u32 s6, $0x1;
	s6 =	sadd.s32 s21, s4  }
0x9e: {  	[timem:s8], [sflag:s22] =	dma.local [hbm:s6], s20  }
0x9f: {  	_ =	swait.ge [sflag:s22], s20  }
0xa0: {  	s5 =	ssub.s32 $0x0, s20;
	[sflag:s22] =	ssyncset.done $0x0  }
0xa1: {  	[sflag:s22] =	ssyncadd.s32 s5;
	_ =	sdelay $0x1  }
0xa2: {  	s23 =	simm.s32 $0x1B8B  }
0xa3: {  	_ =	swait.ge [sflag:s23], $0x1  }
0xa4: {  	[sflag:s23] =	ssyncset.done $0x0  }
0xa5: {  	s25 =	simm.s32 $0x1B8E;
	s24 =	sld [smem:$0x3FFE];
	[sflag:s23] =	ssyncadd.s32 $0xFFFFFFFF  }
0xa6: {  	s26 =	simm.s32 $execute0_lowered;
	[smem:$0x3FD2] =	sst s25  }
0xa7: {  	s6 =	sshll.u32 s26, $0x1;
	_ =	strace $0x80000046;
	[dreg:$0x1] =	wrdreg $0xFFFFFFFF  }
0xa8: {  	s28 =	simm.s32 $_size_execute0_lowered;
	s4 =	sadd.s32 s4, s6;
	[dreg:$0x0] =	wrdreg $0x0  }
0xa9: {  	s6 =	sshll.u32 s28, $0x1;
	[dreg:$0x2] =	wrdreg s4  }
0xaa: {  	[dreg:$0x3] =	wrdreg s6  }
0xab: {  	[dreg:$0x4] =	wrdreg $0xC0  }
0xac: {  	_ =	task [dreg:s8], $0x5FFFF  }
0xad: {  	[dreg:$0x1] =	wrdreg $0xFFFFFFFF  }
0xae: {  	[dreg:$0x0] =	wrdreg $0x60  }
0xaf: {  	[dreg:$0x2] =	wrdreg s2  }
0xb0: {  	[dreg:$0x3] =	wrdreg s18  }
0xb1: {  	[dreg:$0x4] =	wrdreg s24  }
0xb2: {  	[dreg:$0x5] =	wrdreg $0x9  }
0xb3: {  	_ =	task.clear_ibuf [dreg:s8], $0x6FFFF;
	_ =	strace $0x90000046  }
0xb4: {  	s29 =	simm.s32 $0x9;
	_ =	strace $0x80000048  }
0xb5: {  	_ =	swait.ge [sflag:s29], $0x1  }
0xb6: {  	[sflag:s29] =	ssyncadd.s32 $0xFFFFFFFF  }
0xb7: {  	_ =	strace $0x90000048  }
0xb8: {  	_ =	sfence  }
0xb9: {  	s30 =	sld [smem:$0x0];
	_ =	sdelay $0x2  }
0xba: {  	s31 =	sshll.u32 s1, $0xD;
	s1 =	sshrl.u32 s1, $0x2  }
0xbb: {  	s3 =	sand.u32 $0x4000, s31;
	s1 =	sadd.s32 s1, s30  }
0xbc: {  	s0 =	sor.u32 s3, s0;
	s1 =	sshll.u32 s1, $0x11  }
0xbd: {  	s0 =	sor.u32 s1, s0  }
0xbe: {  	s0 =	sadd.s32 $0x8F2B, s0  }
0xbf: {  	[sflag:s0] =	ssyncadd.remote.s32 $0x1  }
0xc0: {  	_ =	sfence.sel $0xFFFF  }
0xc1: {  	[dreg:$0x0] =	wrdreg $0xFFFFFFFF;
	(pc) =	sbr.abs _section_cstart, $3  }
0xc2: {  	[dreg:$0x1] =	wrdreg $0xFFFFFFFF  }
0xc3: {  	_ =	task.clear_ibuf [dreg:s8], $0x2FFFF;
	_ =	strace $0x9FFFFFFF  }
0xc4: {  	(tm) =	ssettm $0x7FFFFFFF  }
0xc5: {  	_ =	shalt  }
tec
execute0_lowered:
.L_overlay_start_1:
0x0: {  	(tag) =	ssettag $0x1  }
0x1: {  	s1 =	rddreg [dreg:$0x0]  }
0x2: {  	s0 =	srdreg.scid;
	s3 =	rddreg [dreg:$0x1]  }
0x3: {  	s2 =	stileid.u32;
	s6 =	rddreg [dreg:$0x2]  }
0x4: {  	s4 =	simm.s32 $0x0;
	s14 =	simm.s32 $0x1;
	s15 =	simm.s32 $0x400  }
0x5: {  	s31 =	simm.s32 $0x4400;
	s10 =	simm.s32 $0x50;
	s11 =	simm.s32 $0x300  }
0x6: {  	s12 =	simm.s32 $0xF400;
	s16 =	simm.s32 $0x2;
	s17 =	simm.s32 $0x7C00  }
0x7: {  	s18 =	simm.s32 $0x5;
	s0 =	sand.u32 $0x1, s0;
	s2 =	sshll.u32 s2, $0x1  }
0x8: {  	s19 =	simm.s32 $0x4;
	s20 =	simm.s32 $0x6;
	s2 =	sor.u32 s0, s2  }
0x9: {  	s22 =	simm.s32 $0x0;
	s0 =	ssub.s32 $0x2, s0;
	s5 =	smul.u32 $0x6400, s2  }
0xa: {  	[smem:$0x7FF] =	sst s4;
	s6 =	sadd.s32 $0x400, s6;
	s7 =	sshrl.u32 s0, $0x1  }
0xb: {  	_ =	strace $0x80000047;
	s0 =	ssub.s32 s0, s7;
	s2 =	sshrl.u32 s5, $0x3  }
0xc: {  	s7 =	simm.s32 $0x3;
	s0 =	smax.u32 s0, $0x1;
	s8 =	sor.u32 $0xA, s2  }
0xd: {  	s9 =	smul.u32 $0x180, s2;
	s2 =	sadd.s32 s1, s2;
	[dreg:$0x9] =	wrdreg s0  }
0xe: {  	s28 =	smul.u32 $0x180, s8;
	s8 =	sadd.s32 s1, s8;
	[dreg:$0x4] =	wrdreg s2  }
0xf: {  	s13 =	sor.u32 $0x50, s5;
	s2 =	sadd.s32 $0x14, s2;
	[dreg:$0x5] =	wrdreg s8  }
0x10: {  	v3 =	vlaneseq.u32;
	s0 =	simm.s32 $0x5C00;
	s29 =	sadd.s32 s6, s9;
	[dreg:$0x7] =	wrdreg s2  }
0x11: {  	vm0 =	vmmov $0xff;
	v1 =	vshrl.u32 v3, $0x3;
	v0 =	vand.u32 $0x7, v3;
	s2 =	simm.s32 $0x5000;
	[dreg:$0x6] =	wrdreg s29;
	s30 =	sadd.s32 s6, s28  }
0x12: {  	v2 =	vor.u32 $0x8, v3;
	v3 =	vor.u32 $0x20, v3;
	v1 =	vmul.u32 $0x8, v1;
	s8 =	simm.s32 $0x6800;
	s9 =	simm.s32 $0x7400;
	[dreg:$0x8] =	wrdreg s30  }
.LBB2_1:
0x13: {  	[dreg:$0xa] =	wrdreg s22  }
0x14: {  	s21 =	rddreg [dreg:$0x4]  }
0x15: {  	[tilespmem:s4], [sflag:$0x1] =	stream.linear.gather [hbm4b:s21+s4], $0x50, $0x38;
	[tilespmem:$0x14400] =	vst v63  }
0x16: {  	_ =	swait.ge [sflag:s14], $0x50  }
0x17: {  	[sflag:s14] =	ssyncset.done $0x0  }
0x18: {  	[sflag:s14] =	ssyncadd.s32 $0xFFFFFFB0  }
0x19: {  	v4 =	vld [tilespmem:$0x0];
	_ =	sdelay $0x2  }
0x1a: {  	v5 =	vld [tilespmem:$0x10];
	_ =	sdelay $0x1  }
0x1b: {  	[tilespmem:$0x100] =	vst v4;
	v6 =	vadd.s32 $0x186A0, v4  }
0x1c: {  	v4 =	vadd.s32 $0x30D40, v4;
	[tilespmem:$0x200] =	vst v6;
	v6 =	vld [tilespmem:$0x20]  }
0x1d: {  	[tilespmem:$0x300] =	vst v4;
	v4 =	vld [tilespmem:$0x30]  }
0x1e: {  	[tilespmem:$0x110] =	vst v5;
	v7 =	vadd.s32 $0x186A0, v5;
	v8 =	vld [tilespmem:$0x100]  }
0x1f: {  	v5 =	vadd.s32 $0x30D40, v5;
	[tilespmem:$0x210] =	vst v7  }
0x20: {  	[tilespmem:$0x310] =	vst v5  }
0x21: {  	v7 =	vld [tilespmem:$0x40];
	[tilespmem:$0x120] =	vst v6  }
0x22: {  	v5 =	vadd.s32 $0x186A0, v6;
	[tilespmem:$0x130] =	vst v4  }
0x23: {  	[tilespmem:$0x220] =	vst v5;
	v5 =	vadd.s32 $0x30D40, v6;
	v6 =	vperm.xlane v8, v0  }
0x24: {  	[tilespmem:$0x320] =	vst v5;
	v5 =	vadd.s32 $0x186A0, v4  }
0x25: {  	v4 =	vadd.s32 $0x30D40, v4;
	[tilespmem:$0x230] =	vst v5;
	v5 =	vadd.s32 v1, v6;
	v6 =	vperm.xlane v8, v2  }
0x26: {  	[tilespmem:$0x330] =	vst v4;
	v4 =	vadd.s32 $0x186A0, v7  }
0x27: {  	[tilespmem:$0x240] =	vst v4;
	v4 =	vadd.s32 v1, v6  }
0x28: {  	[tilespmem:$0x140] =	vst v7;
	v6 =	vadd.s32 $0x30D40, v7  }
0x29: {  	[tilespmem:$0x340] =	vst v6  }
0x2a: {  	[tilespmem:s15], [sflag:$0x3] =	stream.indirect_vreg.gather [hbm4b:s3+s4], $0x80, v5, vm0, $0xb8;
	[tilespmem:$0x14400] =	vst v63  }
0x2b: {  	s30 =	simm.s32 $0x1000  }
0x2c: {  	[tilespmem:s30], [sflag:$0x3] =	stream.indirect_vreg.gather [hbm4b:s3+s4], $0x80, v4, vm0, $0xb8;
	[tilespmem:$0x14400] =	vst v63  }
0x2d: {  	v4 =	vld [tilespmem:$0x110];
	_ =	sdelay $0x4  }
0x2e: {  	v5 =	vperm.xlane v4, v0;
	_ =	sdelay $0x1  }
0x2f: {  	v4 =	vperm.xlane v4, v2;
	v5 =	vadd.s32 v1, v5;
	_ =	sdelay $0x1  }
0x30: {  	v4 =	vadd.s32 v1, v4;
	_ =	sdelay $0x1  }
0x31: {  	s22 =	simm.s32 $0x1C00  }
0x32: {  	[tilespmem:s22], [sflag:$0x3] =	stream.indirect_vreg.gather [hbm4b:s3+s4], $0x80, v5, vm0, $0xb8;
	[tilespmem:$0x14400] =	vst v63  }
0x33: {  	s23 =	simm.s32 $0x2800  }
0x34: {  	[tilespmem:s23], [sflag:$0x3] =	stream.indirect_vreg.gather [hbm4b:s3+s4], $0x80, v4, vm0, $0xb8;
	[tilespmem:$0x14400] =	vst v63  }
0x35: {  	v4 =	vld [tilespmem:$0x120];
	_ =	sdelay $0x4  }
0x36: {  	v5 =	vperm.xlane v4, v0;
	_ =	sdelay $0x1  }
0x37: {  	v4 =	vperm.xlane v4, v2;
	v5 =	vadd.s32 v1, v5;
	_ =	sdelay $0x1  }
0x38: {  	v4 =	vadd.s32 v1, v4;
	_ =	sdelay $0x1  }
0x39: {  	s24 =	simm.s32 $0x3400  }
0x3a: {  	[tilespmem:s24], [sflag:$0x3] =	stream.indirect_vreg.gather [hbm4b:s3+s4], $0x80, v5, vm0, $0xb8;
	[tilespmem:$0x14400] =	vst v63  }
0x3b: {  	s25 =	simm.s32 $0x4000  }
0x3c: {  	[tilespmem:s25], [sflag:$0x3] =	stream.indirect_vreg.gather [hbm4b:s3+s4], $0x80, v4, vm0, $0xb8;
	[tilespmem:$0x14400] =	vst v63  }
0x3d: {  	v4 =	vld [tilespmem:$0x130];
	_ =	sdelay $0x4  }
0x3e: {  	v5 =	vperm.xlane v4, v0;
	_ =	sdelay $0x1  }
0x3f: {  	v4 =	vperm.xlane v4, v2;
	v5 =	vadd.s32 v1, v5;
	_ =	sdelay $0x1  }
0x40: {  	v4 =	vadd.s32 v1, v4;
	_ =	sdelay $0x1  }
0x41: {  	s26 =	simm.s32 $0x4C00  }
0x42: {  	[tilespmem:s26], [sflag:$0x3] =	stream.indirect_vreg.gather [hbm4b:s3+s4], $0x80, v5, vm0, $0xb8;
	[tilespmem:$0x14400] =	vst v63  }
0x43: {  	s28 =	simm.s32 $0x5800  }
0x44: {  	[tilespmem:s28], [sflag:$0x3] =	stream.indirect_vreg.gather [hbm4b:s3+s4], $0x80, v4, vm0, $0xb8;
	[tilespmem:$0x14400] =	vst v63  }
0x45: {  	v4 =	vld [tilespmem:$0x140];
	_ =	sdelay $0x4  }
0x46: {  	v5 =	vperm.xlane v4, v0;
	_ =	sdelay $0x1  }
0x47: {  	v4 =	vperm.xlane v4, v2;
	v5 =	vadd.s32 v1, v5;
	_ =	sdelay $0x1  }
0x48: {  	v4 =	vadd.s32 v1, v4;
	_ =	sdelay $0x1  }
0x49: {  	s29 =	simm.s32 $0x6400  }
0x4a: {  	[tilespmem:s29], [sflag:$0x3] =	stream.indirect_vreg.gather [hbm4b:s3+s4], $0x80, v5, vm0, $0xb8;
	[tilespmem:$0x14400] =	vst v63  }
0x4b: {  	s30 =	simm.s32 $0x7000  }
0x4c: {  	[tilespmem:s30], [sflag:$0x3] =	stream.indirect_vreg.gather [hbm4b:s3+s4], $0x80, v4, vm0, $0xb8;
	[tilespmem:$0x14400] =	vst v63  }
0x4d: {  	v4 =	vld [tilespmem:$0x200];
	_ =	sdelay $0x4  }
0x4e: {  	v5 =	vperm.xlane v4, v0;
	_ =	sdelay $0x1  }
0x4f: {  	v4 =	vperm.xlane v4, v2;
	v5 =	vadd.s32 v1, v5;
	_ =	sdelay $0x1  }
0x50: {  	v4 =	vadd.s32 v1, v4;
	_ =	sdelay $0x1  }
0x51: {  	s22 =	simm.s32 $0x800  }
0x52: {  	[tilespmem:s22], [sflag:$0x3] =	stream.indirect_vreg.gather [hbm4b:s3+s4], $0x80, v5, vm0, $0xb8;
	[tilespmem:$0x14400] =	vst v63  }
0x53: {  	s23 =	simm.s32 $0x1400  }
0x54: {  	[tilespmem:s23], [sflag:$0x3] =	stream.indirect_vreg.gather [hbm4b:s3+s4], $0x80, v4, vm0, $0xb8;
	[tilespmem:$0x14400] =	vst v63  }
0x55: {  	v4 =	vld [tilespmem:$0x210];
	_ =	sdelay $0x4  }
0x56: {  	v5 =	vperm.xlane v4, v0;
	_ =	sdelay $0x1  }
0x57: {  	v4 =	vperm.xlane v4, v2;
	v5 =	vadd.s32 v1, v5;
	_ =	sdelay $0x1  }
0x58: {  	v4 =	vadd.s32 v1, v4;
	_ =	sdelay $0x1  }
0x59: {  	s24 =	simm.s32 $0x2000  }
0x5a: {  	[tilespmem:s24], [sflag:$0x3] =	stream.indirect_vreg.gather [hbm4b:s3+s4], $0x80, v5, vm0, $0xb8;
	[tilespmem:$0x14400] =	vst v63  }
0x5b: {  	s25 =	simm.s32 $0x2C00  }
0x5c: {  	[tilespmem:s25], [sflag:$0x3] =	stream.indirect_vreg.gather [hbm4b:s3+s4], $0x80, v4, vm0, $0xb8;
	[tilespmem:$0x14400] =	vst v63  }
0x5d: {  	v4 =	vld [tilespmem:$0x220];
	_ =	sdelay $0x4  }
0x5e: {  	v5 =	vperm.xlane v4, v0;
	_ =	sdelay $0x1  }
0x5f: {  	v4 =	vperm.xlane v4, v2;
	v5 =	vadd.s32 v1, v5;
	_ =	sdelay $0x1  }
0x60: {  	v4 =	vadd.s32 v1, v4;
	_ =	sdelay $0x1  }
0x61: {  	s26 =	simm.s32 $0x3800  }
0x62: {  	[tilespmem:s26], [sflag:$0x3] =	stream.indirect_vreg.gather [hbm4b:s3+s4], $0x80, v5, vm0, $0xb8;
	[tilespmem:$0x14400] =	vst v63  }
0x63: {  	_ = 	snop  }
0x64: {  	[tilespmem:s31], [sflag:$0x3] =	stream.indirect_vreg.gather [hbm4b:s3+s4], $0x80, v4, vm0, $0xb8;
	[tilespmem:$0x14400] =	vst v63  }
0x65: {  	v4 =	vld [tilespmem:$0x230];
	_ =	sdelay $0x4  }
0x66: {  	v5 =	vperm.xlane v4, v0;
	_ =	sdelay $0x1  }
0x67: {  	v4 =	vperm.xlane v4, v2;
	v5 =	vadd.s32 v1, v5;
	_ =	sdelay $0x1  }
0x68: {  	v4 =	vadd.s32 v1, v4;
	_ =	sdelay $0x2  }
0x69: {  	[tilespmem:s2], [sflag:$0x3] =	stream.indirect_vreg.gather [hbm4b:s3+s4], $0x80, v5, vm0, $0xb8;
	[tilespmem:$0x14400] =	vst v63  }
0x6a: {  	_ = 	snop  }
0x6b: {  	[tilespmem:s0], [sflag:$0x3] =	stream.indirect_vreg.gather [hbm4b:s3+s4], $0x80, v4, vm0, $0xb8;
	[tilespmem:$0x14400] =	vst v63  }
0x6c: {  	v4 =	vld [tilespmem:$0x240];
	_ =	sdelay $0x4  }
0x6d: {  	v5 =	vperm.xlane v4, v0;
	_ =	sdelay $0x1  }
0x6e: {  	v4 =	vperm.xlane v4, v2;
	v5 =	vadd.s32 v1, v5;
	_ =	sdelay $0x1  }
0x6f: {  	v4 =	vadd.s32 v1, v4;
	_ =	sdelay $0x2  }
0x70: {  	[tilespmem:s8], [sflag:$0x3] =	stream.indirect_vreg.gather [hbm4b:s3+s4], $0x80, v5, vm0, $0xb8;
	[tilespmem:$0x14400] =	vst v63  }
0x71: {  	_ = 	snop  }
0x72: {  	[tilespmem:s9], [sflag:$0x3] =	stream.indirect_vreg.gather [hbm4b:s3+s4], $0x80, v4, vm0, $0xb8;
	[tilespmem:$0x14400] =	vst v63  }
0x73: {  	_ = 	snop  }
0x74: {  	[tilespmem:s12], [sflag:$0x3] =	stream.indirect.gather [hbm4b:s3+s10], $0x80, s11, s10, $0xb8;
	[tilespmem:$0x14400] =	vst v63  }
0x75: {  	s28 =	rddreg [dreg:$0x5];
	s29 =	simm.s32 $0x80  }
0x76: {  	[tilespmem:s29], [sflag:$0x2] =	stream.linear.gather [hbm4b:s28+s4], $0x50, $0x38;
	[tilespmem:$0x14400] =	vst v63  }
0x77: {  	_ =	swait.ge [sflag:s7], $0x2800  }
0x78: {  	[sflag:s7] =	ssyncset.done $0x0  }
0x79: {  	[sflag:s7] =	ssyncadd.s32 $0xFFFFD800  }
0x7a: {  	_ =	swait.ge [sflag:s7], $0x2800  }
0x7b: {  	[sflag:s7] =	ssyncset.done $0x0  }
0x7c: {  	[sflag:s7] =	ssyncadd.s32 $0xFFFFD800  }
0x7d: {  	_ =	swait.ge [sflag:s7], $0x2800  }
0x7e: {  	[sflag:s7] =	ssyncset.done $0x0  }
0x7f: {  	s21 =	simm.s32 $0xF600;
	[sflag:s7] =	ssyncadd.s32 $0xFFFFD800  }
0x80: {  	v4 =	vld [tilespmem:s21+$0xFFFFFE00];
	_ =	sdelay $0x3  }
0x81: {  	s22 =	simm.s32 $0xF90;
	s23 =	simm.s32 $0x0  }
0x82: {  	[tilespmem:s22+$0xFFFFFC70] =	vst v4;
	v4 =	vmov s23  }
0x83: {  	v5 =	vld [tilespmem:s21+$0xFFFFFE10];
	v4 =	vshrl.u32 v4, $0x3  }
0x84: {  	v4 =	vmul.u32 $0xC00, v4;
	_ =	sdelay $0x1  }
0x85: {  	v4 =	vadd.s32 $0x800, v4  }
0x86: {  	v4 =	vbroadcast v4, $0x0  }
0x87: {  	[tilespmem:s22+$0xFFFFFC80] =	vst v5  }
0x88: {  	v5 =	vld [tilespmem:s21+$0xFFFFFE20];
	v4 =	vor.u32 v3, v4;
	_ =	sdelay $0x4  }
0x89: {  	[tilespmem:v4+s15+$0x0] =	vst.idx.msk $0xfff, v5  }
0x8a: {  	v4 =	vld [tilespmem:s21+$0xFFFFFE80];
	_ =	sdelay $0x3  }
0x8b: {  	s30 =	simm.s32 $0x1  }
0x8c: {  	[tilespmem:s22+$0xFFFFFCF0] =	vst v4;
	v4 =	vmov s30  }
0x8d: {  	v5 =	vld [tilespmem:s21+$0xFFFFFE90];
	v4 =	vshrl.u32 v4, $0x3  }
0x8e: {  	v4 =	vmul.u32 $0xC00, v4;
	_ =	sdelay $0x1  }
0x8f: {  	v4 =	vadd.s32 $0x880, v4  }
0x90: {  	v4 =	vbroadcast v4, $0x0  }
0x91: {  	[tilespmem:s22+$0xFFFFFD00] =	vst v5  }
0x92: {  	v5 =	vld [tilespmem:s21+$0xFFFFFEA0];
	v4 =	vor.u32 v3, v4;
	_ =	sdelay $0x4  }
0x93: {  	[tilespmem:v4+s15+$0x0] =	vst.idx.msk $0xfff, v5  }
0x94: {  	v4 =	vld [tilespmem:s21+$0xFFFFFF00];
	_ =	sdelay $0x3  }
0x95: {  	s24 =	simm.s32 $0x2  }
0x96: {  	[tilespmem:s22+$0xFFFFFD70] =	vst v4;
	v4 =	vmov s24  }
0x97: {  	v5 =	vld [tilespmem:s21+$0xFFFFFF10];
	v4 =	vshrl.u32 v4, $0x3  }
0x98: {  	v4 =	vmul.u32 $0xC00, v4;
	_ =	sdelay $0x1  }
0x99: {  	v4 =	vadd.s32 $0x900, v4  }
0x9a: {  	v4 =	vbroadcast v4, $0x0  }
0x9b: {  	[tilespmem:s22+$0xFFFFFD80] =	vst v5  }
0x9c: {  	v5 =	vld [tilespmem:s21+$0xFFFFFF20];
	v4 =	vor.u32 v3, v4;
	_ =	sdelay $0x4  }
0x9d: {  	[tilespmem:v4+s15+$0x0] =	vst.idx.msk $0xfff, v5  }
0x9e: {  	v4 =	vld [tilespmem:s21+$0xFFFFFF80];
	_ =	sdelay $0x3  }
0x9f: {  	s25 =	simm.s32 $0x3  }
0xa0: {  	[tilespmem:s22+$0xFFFFFDF0] =	vst v4;
	v4 =	vmov s25  }
0xa1: {  	v5 =	vld [tilespmem:s21+$0xFFFFFF90];
	v4 =	vshrl.u32 v4, $0x3  }
0xa2: {  	v4 =	vmul.u32 $0xC00, v4;
	_ =	sdelay $0x1  }
0xa3: {  	v4 =	vadd.s32 $0x980, v4  }
0xa4: {  	v4 =	vbroadcast v4, $0x0  }
0xa5: {  	[tilespmem:s22+$0xFFFFFE00] =	vst v5  }
0xa6: {  	v5 =	vld [tilespmem:s21+$0xFFFFFFA0];
	v4 =	vor.u32 v3, v4;
	_ =	sdelay $0x4  }
0xa7: {  	[tilespmem:v4+s15+$0x0] =	vst.idx.msk $0xfff, v5  }
0xa8: {  	v4 =	vld [tilespmem:s21+$0x0];
	_ =	sdelay $0x3  }
0xa9: {  	s26 =	simm.s32 $0x4  }
0xaa: {  	[tilespmem:s22+$0xFFFFFE70] =	vst v4;
	v4 =	vmov s26  }
0xab: {  	v5 =	vld [tilespmem:s21+$0x10];
	v4 =	vshrl.u32 v4, $0x3  }
0xac: {  	v4 =	vmul.u32 $0xC00, v4;
	_ =	sdelay $0x1  }
0xad: {  	v4 =	vadd.s32 $0xA00, v4  }
0xae: {  	v4 =	vbroadcast v4, $0x0  }
0xaf: {  	[tilespmem:s22+$0xFFFFFE80] =	vst v5  }
0xb0: {  	v5 =	vld [tilespmem:s21+$0x20];
	v4 =	vor.u32 v3, v4;
	_ =	sdelay $0x4  }
0xb1: {  	[tilespmem:v4+s15+$0x0] =	vst.idx.msk $0xfff, v5  }
0xb2: {  	v4 =	vld [tilespmem:s21+$0x80];
	_ =	sdelay $0x3  }
0xb3: {  	s28 =	simm.s32 $0x5  }
0xb4: {  	[tilespmem:s22+$0xFFFFFEF0] =	vst v4;
	v4 =	vmov s28  }
0xb5: {  	v5 =	vld [tilespmem:s21+$0x90];
	v4 =	vshrl.u32 v4, $0x3  }
0xb6: {  	v4 =	vmul.u32 $0xC00, v4;
	_ =	sdelay $0x1  }
0xb7: {  	v4 =	vadd.s32 $0xA80, v4  }
0xb8: {  	v4 =	vbroadcast v4, $0x0  }
0xb9: {  	[tilespmem:s22+$0xFFFFFF00] =	vst v5  }
0xba: {  	v5 =	vld [tilespmem:s21+$0xA0];
	v4 =	vor.u32 v3, v4;
	_ =	sdelay $0x4  }
0xbb: {  	[tilespmem:v4+s15+$0x0] =	vst.idx.msk $0xfff, v5  }
0xbc: {  	v4 =	vld [tilespmem:s21+$0x100];
	_ =	sdelay $0x3  }
0xbd: {  	s29 =	simm.s32 $0x6  }
0xbe: {  	[tilespmem:s22+$0xFFFFFF70] =	vst v4;
	v4 =	vmov s29  }
0xbf: {  	v5 =	vld [tilespmem:s21+$0x110];
	v4 =	vshrl.u32 v4, $0x3  }
0xc0: {  	v4 =	vmul.u32 $0xC00, v4;
	_ =	sdelay $0x1  }
0xc1: {  	v4 =	vadd.s32 $0xB00, v4  }
0xc2: {  	v4 =	vbroadcast v4, $0x0  }
0xc3: {  	[tilespmem:s22+$0xFFFFFF80] =	vst v5  }
0xc4: {  	v5 =	vld [tilespmem:s21+$0x120];
	v4 =	vor.u32 v3, v4;
	_ =	sdelay $0x4  }
0xc5: {  	[tilespmem:v4+s15+$0x0] =	vst.idx.msk $0xfff, v5  }
0xc6: {  	v4 =	vld [tilespmem:s21+$0x180];
	_ =	sdelay $0x3  }
0xc7: {  	s30 =	simm.s32 $0x7  }
0xc8: {  	[tilespmem:s22+$0xFFFFFFF0] =	vst v4;
	v4 =	vmov s30  }
0xc9: {  	v5 =	vld [tilespmem:s21+$0x190];
	v4 =	vshrl.u32 v4, $0x3  }
0xca: {  	v4 =	vmul.u32 $0xC00, v4;
	_ =	sdelay $0x1  }
0xcb: {  	v4 =	vadd.s32 $0xB80, v4  }
0xcc: {  	v6 =	vbroadcast v4, $0x0  }
0xcd: {  	[tilespmem:s22+$0x0] =	vst v5  }
0xce: {  	s23 =	simm.s32 $0xF;
	v4 =	vld [tilespmem:s21+$0x1A0];
	v5 =	vor.u32 v3, v6  }
.LBB2_2:
0xcf: {  	_ =	sdelay $0x3  }
0xd0: {  	p0 =	sne.s32 s23, $0x4F;
	s22 =	sadd.s32 $0xC00, s22;
	s21 =	sadd.s32 $0x400, s21;
	[tilespmem:v5+s15+$0x0] =	vst.idx.msk $0xfff, v4  }
0xd1: {  	s24 =	smov.u32 s23;
	s23 =	sadd.s32 $0x8, s23;
	v4 =	vld [tilespmem:s21+$0xFFFFFE00];
	_ =	sdelay $0x3  }
0xd2: {  	s25 =	sadd.s32 $0xFFFFFFF9, s24  }
0xd3: {  	[tilespmem:s22+$0xFFFFFC70] =	vst v4;
	v4 =	vmov s25  }
0xd4: {  	v5 =	vld [tilespmem:s21+$0xFFFFFE10];
	v4 =	vshrl.u32 v4, $0x3  }
0xd5: {  	v4 =	vmul.u32 $0xC00, v4;
	_ =	sdelay $0x1  }
0xd6: {  	v4 =	vadd.s32 $0x800, v4  }
0xd7: {  	v4 =	vbroadcast v4, $0x0  }
0xd8: {  	[tilespmem:s22+$0xFFFFFC80] =	vst v5  }
0xd9: {  	v5 =	vld [tilespmem:s21+$0xFFFFFE20];
	v4 =	vor.u32 v3, v4;
	_ =	sdelay $0x4  }
0xda: {  	[tilespmem:v4+s15+$0x0] =	vst.idx.msk $0xfff, v5  }
0xdb: {  	v4 =	vld [tilespmem:s21+$0xFFFFFE80];
	_ =	sdelay $0x3  }
0xdc: {  	s25 =	sadd.s32 $0xFFFFFFFA, s24  }
0xdd: {  	[tilespmem:s22+$0xFFFFFCF0] =	vst v4;
	v4 =	vmov s25  }
0xde: {  	v5 =	vld [tilespmem:s21+$0xFFFFFE90];
	v4 =	vshrl.u32 v4, $0x3  }
0xdf: {  	v4 =	vmul.u32 $0xC00, v4;
	_ =	sdelay $0x1  }
0xe0: {  	v4 =	vadd.s32 $0x880, v4  }
0xe1: {  	v4 =	vbroadcast v4, $0x0  }
0xe2: {  	[tilespmem:s22+$0xFFFFFD00] =	vst v5  }
0xe3: {  	v5 =	vld [tilespmem:s21+$0xFFFFFEA0];
	v4 =	vor.u32 v3, v4;
	_ =	sdelay $0x4  }
0xe4: {  	[tilespmem:v4+s15+$0x0] =	vst.idx.msk $0xfff, v5  }
0xe5: {  	v4 =	vld [tilespmem:s21+$0xFFFFFF00];
	_ =	sdelay $0x3  }
0xe6: {  	s25 =	sadd.s32 $0xFFFFFFFB, s24  }
0xe7: {  	[tilespmem:s22+$0xFFFFFD70] =	vst v4;
	v4 =	vmov s25  }
0xe8: {  	v5 =	vld [tilespmem:s21+$0xFFFFFF10];
	v4 =	vshrl.u32 v4, $0x3  }
0xe9: {  	v4 =	vmul.u32 $0xC00, v4;
	_ =	sdelay $0x1  }
0xea: {  	v4 =	vadd.s32 $0x900, v4  }
0xeb: {  	v4 =	vbroadcast v4, $0x0  }
0xec: {  	[tilespmem:s22+$0xFFFFFD80] =	vst v5  }
0xed: {  	v5 =	vld [tilespmem:s21+$0xFFFFFF20];
	v4 =	vor.u32 v3, v4;
	_ =	sdelay $0x4  }
0xee: {  	[tilespmem:v4+s15+$0x0] =	vst.idx.msk $0xfff, v5  }
0xef: {  	v4 =	vld [tilespmem:s21+$0xFFFFFF80];
	_ =	sdelay $0x3  }
0xf0: {  	s25 =	sadd.s32 $0xFFFFFFFC, s24  }
0xf1: {  	[tilespmem:s22+$0xFFFFFDF0] =	vst v4;
	v4 =	vmov s25  }
0xf2: {  	v5 =	vld [tilespmem:s21+$0xFFFFFF90];
	v4 =	vshrl.u32 v4, $0x3  }
0xf3: {  	v4 =	vmul.u32 $0xC00, v4;
	_ =	sdelay $0x1  }
0xf4: {  	v4 =	vadd.s32 $0x980, v4  }
0xf5: {  	v4 =	vbroadcast v4, $0x0  }
0xf6: {  	[tilespmem:s22+$0xFFFFFE00] =	vst v5  }
0xf7: {  	v5 =	vld [tilespmem:s21+$0xFFFFFFA0];
	v4 =	vor.u32 v3, v4;
	_ =	sdelay $0x4  }
0xf8: {  	[tilespmem:v4+s15+$0x0] =	vst.idx.msk $0xfff, v5  }
0xf9: {  	v4 =	vld [tilespmem:s21+$0x0];
	_ =	sdelay $0x3  }
0xfa: {  	s25 =	sadd.s32 $0xFFFFFFFD, s24  }
0xfb: {  	[tilespmem:s22+$0xFFFFFE70] =	vst v4;
	v4 =	vmov s25  }
0xfc: {  	v5 =	vld [tilespmem:s21+$0x10];
	v4 =	vshrl.u32 v4, $0x3  }
0xfd: {  	v4 =	vmul.u32 $0xC00, v4;
	_ =	sdelay $0x1  }
0xfe: {  	v4 =	vadd.s32 $0xA00, v4  }
0xff: {  	v4 =	vbroadcast v4, $0x0  }
0x100: {  	[tilespmem:s22+$0xFFFFFE80] =	vst v5  }
0x101: {  	v5 =	vld [tilespmem:s21+$0x20];
	v4 =	vor.u32 v3, v4;
	_ =	sdelay $0x4  }
0x102: {  	[tilespmem:v4+s15+$0x0] =	vst.idx.msk $0xfff, v5  }
0x103: {  	v4 =	vld [tilespmem:s21+$0x80];
	_ =	sdelay $0x3  }
0x104: {  	s25 =	sadd.s32 $0xFFFFFFFE, s24  }
0x105: {  	[tilespmem:s22+$0xFFFFFEF0] =	vst v4;
	v4 =	vmov s25  }
0x106: {  	v5 =	vld [tilespmem:s21+$0x90];
	v4 =	vshrl.u32 v4, $0x3  }
0x107: {  	v4 =	vmul.u32 $0xC00, v4;
	_ =	sdelay $0x1  }
0x108: {  	v4 =	vadd.s32 $0xA80, v4  }
0x109: {  	v4 =	vbroadcast v4, $0x0  }
0x10a: {  	[tilespmem:s22+$0xFFFFFF00] =	vst v5  }
0x10b: {  	v5 =	vld [tilespmem:s21+$0xA0];
	v4 =	vor.u32 v3, v4;
	_ =	sdelay $0x4  }
0x10c: {  	[tilespmem:v4+s15+$0x0] =	vst.idx.msk $0xfff, v5  }
0x10d: {  	v4 =	vld [tilespmem:s21+$0x100];
	_ =	sdelay $0x3  }
0x10e: {  	s25 =	sadd.s32 $0xFFFFFFFF, s24  }
0x10f: {  	[tilespmem:s22+$0xFFFFFF70] =	vst v4;
	v4 =	vmov s25  }
0x110: {  	v5 =	vld [tilespmem:s21+$0x110];
	v4 =	vshrl.u32 v4, $0x3  }
0x111: {  	v4 =	vmul.u32 $0xC00, v4;
	_ =	sdelay $0x1  }
0x112: {  	v4 =	vadd.s32 $0xB00, v4  }
0x113: {  	v4 =	vbroadcast v4, $0x0  }
0x114: {  	[tilespmem:s22+$0xFFFFFF80] =	vst v5  }
0x115: {  	v5 =	vld [tilespmem:s21+$0x120];
	v4 =	vor.u32 v3, v4;
	_ =	sdelay $0x4  }
0x116: {  	[tilespmem:v4+s15+$0x0] =	vst.idx.msk $0xfff, v5  }
0x117: {  	v4 =	vld [tilespmem:s21+$0x180];
	_ =	sdelay $0x4  }
0x118: {  	[tilespmem:s22+$0xFFFFFFF0] =	vst v4;
	v4 =	vmov s24  }
0x119: {  	v5 =	vld [tilespmem:s21+$0x190];
	v4 =	vshrl.u32 v4, $0x3  }
0x11a: {  	v4 =	vmul.u32 $0xC00, v4  }
.Ltmp0:
0x11b: {  	(pc) =	sbr.rel @p0 .LBB2_2-.Ltmp0, $4  }
0x11c: {  	v4 =	vadd.s32 $0xB80, v4  }
0x11d: {  	v6 =	vbroadcast v4, $0x0  }
0x11e: {  	[tilespmem:s22+$0x0] =	vst v5  }
0x11f: {  	v4 =	vld [tilespmem:s21+$0x1A0];
	v5 =	vor.u32 v3, v6  }
0x120: {  	_ =	sdelay $0x3  }
0x121: {  	s21 =	rddreg [dreg:$0x6];
	[tilespmem:v5+s15+$0x0] =	vst.idx.msk $0xfff, v4  }
0x122: {  	[hbm4b:s21+s4] =	stream.linear.scatter [tilespmem:s15], [sflag:$0x5], $0x7800, $0x38;
	[tilespmem:$0x14400] =	vst v63  }
0x123: {  	_ =	swait.ge [sflag:s16], $0x50  }
0x124: {  	[sflag:s16] =	ssyncset.done $0x0  }
0x125: {  	[sflag:s16] =	ssyncadd.s32 $0xFFFFFFB0  }
0x126: {  	v4 =	vld [tilespmem:$0x80];
	_ =	sdelay $0x2  }
0x127: {  	v5 =	vld [tilespmem:$0x90];
	_ =	sdelay $0x1  }
0x128: {  	[tilespmem:$0x180] =	vst v4;
	v6 =	vadd.s32 $0x186A0, v4  }
0x129: {  	v4 =	vadd.s32 $0x30D40, v4;
	[tilespmem:$0x280] =	vst v6;
	v6 =	vld [tilespmem:$0xA0]  }
0x12a: {  	[tilespmem:$0x380] =	vst v4;
	v4 =	vld [tilespmem:$0xB0]  }
0x12b: {  	[tilespmem:$0x190] =	vst v5;
	v7 =	vadd.s32 $0x186A0, v5;
	v8 =	vld [tilespmem:$0x180]  }
0x12c: {  	v5 =	vadd.s32 $0x30D40, v5;
	[tilespmem:$0x290] =	vst v7  }
0x12d: {  	[tilespmem:$0x390] =	vst v5  }
0x12e: {  	v7 =	vld [tilespmem:$0xC0];
	[tilespmem:$0x1A0] =	vst v6  }
0x12f: {  	v5 =	vadd.s32 $0x186A0, v6;
	[tilespmem:$0x1B0] =	vst v4  }
0x130: {  	[tilespmem:$0x2A0] =	vst v5;
	v5 =	vadd.s32 $0x30D40, v6;
	v6 =	vperm.xlane v8, v0  }
0x131: {  	[tilespmem:$0x3A0] =	vst v5;
	v5 =	vadd.s32 $0x186A0, v4  }
0x132: {  	v4 =	vadd.s32 $0x30D40, v4;
	[tilespmem:$0x2B0] =	vst v5;
	v5 =	vadd.s32 v1, v6;
	v6 =	vperm.xlane v8, v2  }
0x133: {  	[tilespmem:$0x3B0] =	vst v4;
	v4 =	vadd.s32 $0x186A0, v7  }
0x134: {  	[tilespmem:$0x2C0] =	vst v4;
	v4 =	vadd.s32 v1, v6  }
0x135: {  	[tilespmem:$0x1C0] =	vst v7;
	v6 =	vadd.s32 $0x30D40, v7  }
0x136: {  	[tilespmem:$0x3C0] =	vst v6  }
0x137: {  	[tilespmem:s17], [sflag:$0x4] =	stream.indirect_vreg.gather [hbm4b:s3+s4], $0x80, v5, vm0, $0xb8;
	[tilespmem:$0x14400] =	vst v63  }
0x138: {  	s24 =	simm.s32 $0x8800  }
0x139: {  	[tilespmem:s24], [sflag:$0x4] =	stream.indirect_vreg.gather [hbm4b:s3+s4], $0x80, v4, vm0, $0xb8;
	[tilespmem:$0x14400] =	vst v63  }
0x13a: {  	v4 =	vld [tilespmem:$0x190];
	_ =	sdelay $0x4  }
0x13b: {  	v5 =	vperm.xlane v4, v0;
	_ =	sdelay $0x1  }
0x13c: {  	v4 =	vperm.xlane v4, v2;
	v5 =	vadd.s32 v1, v5;
	_ =	sdelay $0x1  }
0x13d: {  	v4 =	vadd.s32 v1, v4;
	_ =	sdelay $0x1  }
0x13e: {  	s25 =	simm.s32 $0x9400  }
0x13f: {  	[tilespmem:s25], [sflag:$0x4] =	stream.indirect_vreg.gather [hbm4b:s3+s4], $0x80, v5, vm0, $0xb8;
	[tilespmem:$0x14400] =	vst v63  }
0x140: {  	s26 =	simm.s32 $0xA000  }
0x141: {  	[tilespmem:s26], [sflag:$0x4] =	stream.indirect_vreg.gather [hbm4b:s3+s4], $0x80, v4, vm0, $0xb8;
	[tilespmem:$0x14400] =	vst v63  }
0x142: {  	v4 =	vld [tilespmem:$0x1A0];
	_ =	sdelay $0x4  }
0x143: {  	v5 =	vperm.xlane v4, v0;
	_ =	sdelay $0x1  }
0x144: {  	v4 =	vperm.xlane v4, v2;
	v5 =	vadd.s32 v1, v5;
	_ =	sdelay $0x1  }
0x145: {  	v4 =	vadd.s32 v1, v4;
	_ =	sdelay $0x1  }
0x146: {  	s28 =	simm.s32 $0xAC00  }
0x147: {  	[tilespmem:s28], [sflag:$0x4] =	stream.indirect_vreg.gather [hbm4b:s3+s4], $0x80, v5, vm0, $0xb8;
	[tilespmem:$0x14400] =	vst v63  }
0x148: {  	s29 =	simm.s32 $0xB800  }
0x149: {  	[tilespmem:s29], [sflag:$0x4] =	stream.indirect_vreg.gather [hbm4b:s3+s4], $0x80, v4, vm0, $0xb8;
	[tilespmem:$0x14400] =	vst v63  }
0x14a: {  	v4 =	vld [tilespmem:$0x1B0];
	_ =	sdelay $0x4  }
0x14b: {  	v5 =	vperm.xlane v4, v0;
	_ =	sdelay $0x1  }
0x14c: {  	v4 =	vperm.xlane v4, v2;
	v5 =	vadd.s32 v1, v5;
	_ =	sdelay $0x1  }
0x14d: {  	v4 =	vadd.s32 v1, v4;
	_ =	sdelay $0x1  }
0x14e: {  	s30 =	simm.s32 $0xC400  }
0x14f: {  	[tilespmem:s30], [sflag:$0x4] =	stream.indirect_vreg.gather [hbm4b:s3+s4], $0x80, v5, vm0, $0xb8;
	[tilespmem:$0x14400] =	vst v63  }
0x150: {  	s22 =	simm.s32 $0xD000  }
0x151: {  	[tilespmem:s22], [sflag:$0x4] =	stream.indirect_vreg.gather [hbm4b:s3+s4], $0x80, v4, vm0, $0xb8;
	[tilespmem:$0x14400] =	vst v63  }
0x152: {  	v4 =	vld [tilespmem:$0x1C0];
	_ =	sdelay $0x4  }
0x153: {  	v5 =	vperm.xlane v4, v0;
	_ =	sdelay $0x1  }
0x154: {  	v4 =	vperm.xlane v4, v2;
	v5 =	vadd.s32 v1, v5;
	_ =	sdelay $0x1  }
0x155: {  	v4 =	vadd.s32 v1, v4;
	_ =	sdelay $0x1  }
0x156: {  	s23 =	simm.s32 $0xDC00  }
0x157: {  	[tilespmem:s23], [sflag:$0x4] =	stream.indirect_vreg.gather [hbm4b:s3+s4], $0x80, v5, vm0, $0xb8;
	[tilespmem:$0x14400] =	vst v63  }
0x158: {  	s24 =	simm.s32 $0xE800  }
0x159: {  	[tilespmem:s24], [sflag:$0x4] =	stream.indirect_vreg.gather [hbm4b:s3+s4], $0x80, v4, vm0, $0xb8;
	[tilespmem:$0x14400] =	vst v63  }
0x15a: {  	v4 =	vld [tilespmem:$0x280];
	_ =	sdelay $0x4  }
0x15b: {  	v5 =	vperm.xlane v4, v0;
	_ =	sdelay $0x1  }
0x15c: {  	v4 =	vperm.xlane v4, v2;
	v5 =	vadd.s32 v1, v5;
	_ =	sdelay $0x1  }
0x15d: {  	v4 =	vadd.s32 v1, v4;
	_ =	sdelay $0x1  }
0x15e: {  	s25 =	simm.s32 $0x8000  }
0x15f: {  	[tilespmem:s25], [sflag:$0x4] =	stream.indirect_vreg.gather [hbm4b:s3+s4], $0x80, v5, vm0, $0xb8;
	[tilespmem:$0x14400] =	vst v63  }
0x160: {  	s26 =	simm.s32 $0x8C00  }
0x161: {  	[tilespmem:s26], [sflag:$0x4] =	stream.indirect_vreg.gather [hbm4b:s3+s4], $0x80, v4, vm0, $0xb8;
	[tilespmem:$0x14400] =	vst v63  }
0x162: {  	v4 =	vld [tilespmem:$0x290];
	_ =	sdelay $0x4  }
0x163: {  	v5 =	vperm.xlane v4, v0;
	_ =	sdelay $0x1  }
0x164: {  	v4 =	vperm.xlane v4, v2;
	v5 =	vadd.s32 v1, v5;
	_ =	sdelay $0x1  }
0x165: {  	v4 =	vadd.s32 v1, v4;
	_ =	sdelay $0x1  }
0x166: {  	s28 =	simm.s32 $0x9800  }
0x167: {  	[tilespmem:s28], [sflag:$0x4] =	stream.indirect_vreg.gather [hbm4b:s3+s4], $0x80, v5, vm0, $0xb8;
	[tilespmem:$0x14400] =	vst v63  }
0x168: {  	s29 =	simm.s32 $0xA400  }
0x169: {  	[tilespmem:s29], [sflag:$0x4] =	stream.indirect_vreg.gather [hbm4b:s3+s4], $0x80, v4, vm0, $0xb8;
	[tilespmem:$0x14400] =	vst v63  }
0x16a: {  	v4 =	vld [tilespmem:$0x2A0];
	_ =	sdelay $0x4  }
0x16b: {  	v5 =	vperm.xlane v4, v0;
	_ =	sdelay $0x1  }
0x16c: {  	v4 =	vperm.xlane v4, v2;
	v5 =	vadd.s32 v1, v5;
	_ =	sdelay $0x1  }
0x16d: {  	v4 =	vadd.s32 v1, v4;
	_ =	sdelay $0x1  }
0x16e: {  	s30 =	simm.s32 $0xB000  }
0x16f: {  	[tilespmem:s30], [sflag:$0x4] =	stream.indirect_vreg.gather [hbm4b:s3+s4], $0x80, v5, vm0, $0xb8;
	[tilespmem:$0x14400] =	vst v63  }
0x170: {  	s22 =	simm.s32 $0xBC00  }
0x171: {  	[tilespmem:s22], [sflag:$0x4] =	stream.indirect_vreg.gather [hbm4b:s3+s4], $0x80, v4, vm0, $0xb8;
	[tilespmem:$0x14400] =	vst v63  }
0x172: {  	v4 =	vld [tilespmem:$0x2B0];
	_ =	sdelay $0x4  }
0x173: {  	v5 =	vperm.xlane v4, v0;
	_ =	sdelay $0x1  }
0x174: {  	v4 =	vperm.xlane v4, v2;
	v5 =	vadd.s32 v1, v5;
	_ =	sdelay $0x1  }
0x175: {  	v4 =	vadd.s32 v1, v4;
	_ =	sdelay $0x1  }
0x176: {  	s23 =	simm.s32 $0xC800  }
0x177: {  	[tilespmem:s23], [sflag:$0x4] =	stream.indirect_vreg.gather [hbm4b:s3+s4], $0x80, v5, vm0, $0xb8;
	[tilespmem:$0x14400] =	vst v63  }
0x178: {  	s24 =	simm.s32 $0xD400  }
0x179: {  	[tilespmem:s24], [sflag:$0x4] =	stream.indirect_vreg.gather [hbm4b:s3+s4], $0x80, v4, vm0, $0xb8;
	[tilespmem:$0x14400] =	vst v63  }
0x17a: {  	v4 =	vld [tilespmem:$0x2C0];
	_ =	sdelay $0x4  }
0x17b: {  	v5 =	vperm.xlane v4, v0;
	_ =	sdelay $0x1  }
0x17c: {  	v4 =	vperm.xlane v4, v2;
	v5 =	vadd.s32 v1, v5;
	_ =	sdelay $0x1  }
0x17d: {  	v4 =	vadd.s32 v1, v4;
	_ =	sdelay $0x1  }
0x17e: {  	s25 =	simm.s32 $0xE000  }
0x17f: {  	[tilespmem:s25], [sflag:$0x4] =	stream.indirect_vreg.gather [hbm4b:s3+s4], $0x80, v5, vm0, $0xb8;
	[tilespmem:$0x14400] =	vst v63  }
0x180: {  	s26 =	simm.s32 $0xEC00  }
0x181: {  	[tilespmem:s26], [sflag:$0x4] =	stream.indirect_vreg.gather [hbm4b:s3+s4], $0x80, v4, vm0, $0xb8;
	[tilespmem:$0x14400] =	vst v63  }
0x182: {  	s28 =	simm.s32 $0x380;
	s22 =	simm.s32 $0x11C00  }
0x183: {  	[tilespmem:s22], [sflag:$0x4] =	stream.indirect.gather [hbm4b:s3+s10], $0x80, s28, s10, $0xb8;
	[tilespmem:$0x14400] =	vst v63  }
0x184: {  	_ =	swait.ge [sflag:s18], $0x7800  }
0x185: {  	[sflag:s18] =	ssyncset.done $0x0  }
0x186: {  	s29 =	rddreg [dreg:$0x7];
	[sflag:s18] =	ssyncadd.s32 $0xFFFF8800  }
0x187: {  	[tilespmem:s4], [sflag:$0x1] =	stream.linear.gather [hbm4b:s29+s4], $0x50, $0x38;
	[tilespmem:$0x14400] =	vst v63  }
0x188: {  	_ =	swait.ge [sflag:s19], $0x2800  }
0x189: {  	[sflag:s19] =	ssyncset.done $0x0  }
0x18a: {  	[sflag:s19] =	ssyncadd.s32 $0xFFFFD800  }
0x18b: {  	_ =	swait.ge [sflag:s19], $0x2800  }
0x18c: {  	[sflag:s19] =	ssyncset.done $0x0  }
0x18d: {  	[sflag:s19] =	ssyncadd.s32 $0xFFFFD800  }
0x18e: {  	_ =	swait.ge [sflag:s19], $0x2800  }
0x18f: {  	[sflag:s19] =	ssyncset.done $0x0  }
0x190: {  	s21 =	simm.s32 $0x11E00;
	[sflag:s19] =	ssyncadd.s32 $0xFFFFD800  }
0x191: {  	v4 =	vld [tilespmem:s21+$0xFFFFFE00];
	_ =	sdelay $0x3  }
0x192: {  	s23 =	simm.s32 $0x0;
	s22 =	simm.s32 $0x8790  }
0x193: {  	[tilespmem:s22+$0xFFFFFC70] =	vst v4;
	v4 =	vmov s23  }
0x194: {  	v5 =	vld [tilespmem:s21+$0xFFFFFE10];
	v4 =	vshrl.u32 v4, $0x3  }
0x195: {  	v4 =	vmul.u32 $0xC00, v4;
	_ =	sdelay $0x1  }
0x196: {  	v4 =	vadd.s32 $0x800, v4  }
0x197: {  	v4 =	vbroadcast v4, $0x0  }
0x198: {  	[tilespmem:s22+$0xFFFFFC80] =	vst v5  }
0x199: {  	v5 =	vld [tilespmem:s21+$0xFFFFFE20];
	v4 =	vor.u32 v3, v4;
	_ =	sdelay $0x4  }
0x19a: {  	[tilespmem:v4+s17+$0x0] =	vst.idx.msk $0xfff, v5  }
0x19b: {  	v4 =	vld [tilespmem:s21+$0xFFFFFE80];
	_ =	sdelay $0x3  }
0x19c: {  	s30 =	simm.s32 $0x1  }
0x19d: {  	[tilespmem:s22+$0xFFFFFCF0] =	vst v4;
	v4 =	vmov s30  }
0x19e: {  	v5 =	vld [tilespmem:s21+$0xFFFFFE90];
	v4 =	vshrl.u32 v4, $0x3  }
0x19f: {  	v4 =	vmul.u32 $0xC00, v4;
	_ =	sdelay $0x1  }
0x1a0: {  	v4 =	vadd.s32 $0x880, v4  }
0x1a1: {  	v4 =	vbroadcast v4, $0x0  }
0x1a2: {  	[tilespmem:s22+$0xFFFFFD00] =	vst v5  }
0x1a3: {  	v5 =	vld [tilespmem:s21+$0xFFFFFEA0];
	v4 =	vor.u32 v3, v4;
	_ =	sdelay $0x4  }
0x1a4: {  	[tilespmem:v4+s17+$0x0] =	vst.idx.msk $0xfff, v5  }
0x1a5: {  	v4 =	vld [tilespmem:s21+$0xFFFFFF00];
	_ =	sdelay $0x3  }
0x1a6: {  	s24 =	simm.s32 $0x2  }
0x1a7: {  	[tilespmem:s22+$0xFFFFFD70] =	vst v4;
	v4 =	vmov s24  }
0x1a8: {  	v5 =	vld [tilespmem:s21+$0xFFFFFF10];
	v4 =	vshrl.u32 v4, $0x3  }
0x1a9: {  	v4 =	vmul.u32 $0xC00, v4;
	_ =	sdelay $0x1  }
0x1aa: {  	v4 =	vadd.s32 $0x900, v4  }
0x1ab: {  	v4 =	vbroadcast v4, $0x0  }
0x1ac: {  	[tilespmem:s22+$0xFFFFFD80] =	vst v5  }
0x1ad: {  	v5 =	vld [tilespmem:s21+$0xFFFFFF20];
	v4 =	vor.u32 v3, v4;
	_ =	sdelay $0x4  }
0x1ae: {  	[tilespmem:v4+s17+$0x0] =	vst.idx.msk $0xfff, v5  }
0x1af: {  	v4 =	vld [tilespmem:s21+$0xFFFFFF80];
	_ =	sdelay $0x3  }
0x1b0: {  	s25 =	simm.s32 $0x3  }
0x1b1: {  	[tilespmem:s22+$0xFFFFFDF0] =	vst v4;
	v4 =	vmov s25  }
0x1b2: {  	v5 =	vld [tilespmem:s21+$0xFFFFFF90];
	v4 =	vshrl.u32 v4, $0x3  }
0x1b3: {  	v4 =	vmul.u32 $0xC00, v4;
	_ =	sdelay $0x1  }
0x1b4: {  	v4 =	vadd.s32 $0x980, v4  }
0x1b5: {  	v4 =	vbroadcast v4, $0x0  }
0x1b6: {  	[tilespmem:s22+$0xFFFFFE00] =	vst v5  }
0x1b7: {  	v5 =	vld [tilespmem:s21+$0xFFFFFFA0];
	v4 =	vor.u32 v3, v4;
	_ =	sdelay $0x4  }
0x1b8: {  	[tilespmem:v4+s17+$0x0] =	vst.idx.msk $0xfff, v5  }
0x1b9: {  	v4 =	vld [tilespmem:s21+$0x0];
	_ =	sdelay $0x3  }
0x1ba: {  	s26 =	simm.s32 $0x4  }
0x1bb: {  	[tilespmem:s22+$0xFFFFFE70] =	vst v4;
	v4 =	vmov s26  }
0x1bc: {  	v5 =	vld [tilespmem:s21+$0x10];
	v4 =	vshrl.u32 v4, $0x3  }
0x1bd: {  	v4 =	vmul.u32 $0xC00, v4;
	_ =	sdelay $0x1  }
0x1be: {  	v4 =	vadd.s32 $0xA00, v4  }
0x1bf: {  	v4 =	vbroadcast v4, $0x0  }
0x1c0: {  	[tilespmem:s22+$0xFFFFFE80] =	vst v5  }
0x1c1: {  	v5 =	vld [tilespmem:s21+$0x20];
	v4 =	vor.u32 v3, v4;
	_ =	sdelay $0x4  }
0x1c2: {  	[tilespmem:v4+s17+$0x0] =	vst.idx.msk $0xfff, v5  }
0x1c3: {  	v4 =	vld [tilespmem:s21+$0x80];
	_ =	sdelay $0x3  }
0x1c4: {  	s28 =	simm.s32 $0x5  }
0x1c5: {  	[tilespmem:s22+$0xFFFFFEF0] =	vst v4;
	v4 =	vmov s28  }
0x1c6: {  	v5 =	vld [tilespmem:s21+$0x90];
	v4 =	vshrl.u32 v4, $0x3  }
0x1c7: {  	v4 =	vmul.u32 $0xC00, v4;
	_ =	sdelay $0x1  }
0x1c8: {  	v4 =	vadd.s32 $0xA80, v4  }
0x1c9: {  	v4 =	vbroadcast v4, $0x0  }
0x1ca: {  	[tilespmem:s22+$0xFFFFFF00] =	vst v5  }
0x1cb: {  	v5 =	vld [tilespmem:s21+$0xA0];
	v4 =	vor.u32 v3, v4;
	_ =	sdelay $0x4  }
0x1cc: {  	[tilespmem:v4+s17+$0x0] =	vst.idx.msk $0xfff, v5  }
0x1cd: {  	v4 =	vld [tilespmem:s21+$0x100];
	_ =	sdelay $0x3  }
0x1ce: {  	s29 =	simm.s32 $0x6  }
0x1cf: {  	[tilespmem:s22+$0xFFFFFF70] =	vst v4;
	v4 =	vmov s29  }
0x1d0: {  	v5 =	vld [tilespmem:s21+$0x110];
	v4 =	vshrl.u32 v4, $0x3  }
0x1d1: {  	v4 =	vmul.u32 $0xC00, v4;
	_ =	sdelay $0x1  }
0x1d2: {  	v4 =	vadd.s32 $0xB00, v4  }
0x1d3: {  	v4 =	vbroadcast v4, $0x0  }
0x1d4: {  	[tilespmem:s22+$0xFFFFFF80] =	vst v5  }
0x1d5: {  	v5 =	vld [tilespmem:s21+$0x120];
	v4 =	vor.u32 v3, v4;
	_ =	sdelay $0x4  }
0x1d6: {  	[tilespmem:v4+s17+$0x0] =	vst.idx.msk $0xfff, v5  }
0x1d7: {  	v4 =	vld [tilespmem:s21+$0x180];
	_ =	sdelay $0x3  }
0x1d8: {  	s30 =	simm.s32 $0x7  }
0x1d9: {  	[tilespmem:s22+$0xFFFFFFF0] =	vst v4;
	v4 =	vmov s30  }
0x1da: {  	v5 =	vld [tilespmem:s21+$0x190];
	v4 =	vshrl.u32 v4, $0x3  }
0x1db: {  	v4 =	vmul.u32 $0xC00, v4;
	_ =	sdelay $0x1  }
0x1dc: {  	v4 =	vadd.s32 $0xB80, v4  }
0x1dd: {  	v6 =	vbroadcast v4, $0x0  }
0x1de: {  	[tilespmem:s22+$0x0] =	vst v5  }
0x1df: {  	s23 =	simm.s32 $0xF;
	v4 =	vld [tilespmem:s21+$0x1A0];
	v5 =	vor.u32 v3, v6  }
.LBB2_4:
0x1e0: {  	_ =	sdelay $0x3  }
0x1e1: {  	p0 =	sne.s32 s23, $0x4F;
	s22 =	sadd.s32 $0xC00, s22;
	s21 =	sadd.s32 $0x400, s21;
	[tilespmem:v5+s17+$0x0] =	vst.idx.msk $0xfff, v4  }
0x1e2: {  	s24 =	smov.u32 s23;
	s23 =	sadd.s32 $0x8, s23;
	v4 =	vld [tilespmem:s21+$0xFFFFFE00];
	_ =	sdelay $0x3  }
0x1e3: {  	s25 =	sadd.s32 $0xFFFFFFF9, s24  }
0x1e4: {  	[tilespmem:s22+$0xFFFFFC70] =	vst v4;
	v4 =	vmov s25  }
0x1e5: {  	v5 =	vld [tilespmem:s21+$0xFFFFFE10];
	v4 =	vshrl.u32 v4, $0x3  }
0x1e6: {  	v4 =	vmul.u32 $0xC00, v4;
	_ =	sdelay $0x1  }
0x1e7: {  	v4 =	vadd.s32 $0x800, v4  }
0x1e8: {  	v4 =	vbroadcast v4, $0x0  }
0x1e9: {  	[tilespmem:s22+$0xFFFFFC80] =	vst v5  }
0x1ea: {  	v5 =	vld [tilespmem:s21+$0xFFFFFE20];
	v4 =	vor.u32 v3, v4;
	_ =	sdelay $0x4  }
0x1eb: {  	[tilespmem:v4+s17+$0x0] =	vst.idx.msk $0xfff, v5  }
0x1ec: {  	v4 =	vld [tilespmem:s21+$0xFFFFFE80];
	_ =	sdelay $0x3  }
0x1ed: {  	s25 =	sadd.s32 $0xFFFFFFFA, s24  }
0x1ee: {  	[tilespmem:s22+$0xFFFFFCF0] =	vst v4;
	v4 =	vmov s25  }
0x1ef: {  	v5 =	vld [tilespmem:s21+$0xFFFFFE90];
	v4 =	vshrl.u32 v4, $0x3  }
0x1f0: {  	v4 =	vmul.u32 $0xC00, v4;
	_ =	sdelay $0x1  }
0x1f1: {  	v4 =	vadd.s32 $0x880, v4  }
0x1f2: {  	v4 =	vbroadcast v4, $0x0  }
0x1f3: {  	[tilespmem:s22+$0xFFFFFD00] =	vst v5  }
0x1f4: {  	v5 =	vld [tilespmem:s21+$0xFFFFFEA0];
	v4 =	vor.u32 v3, v4;
	_ =	sdelay $0x4  }
0x1f5: {  	[tilespmem:v4+s17+$0x0] =	vst.idx.msk $0xfff, v5  }
0x1f6: {  	v4 =	vld [tilespmem:s21+$0xFFFFFF00];
	_ =	sdelay $0x3  }
0x1f7: {  	s25 =	sadd.s32 $0xFFFFFFFB, s24  }
0x1f8: {  	[tilespmem:s22+$0xFFFFFD70] =	vst v4;
	v4 =	vmov s25  }
0x1f9: {  	v5 =	vld [tilespmem:s21+$0xFFFFFF10];
	v4 =	vshrl.u32 v4, $0x3  }
0x1fa: {  	v4 =	vmul.u32 $0xC00, v4;
	_ =	sdelay $0x1  }
0x1fb: {  	v4 =	vadd.s32 $0x900, v4  }
0x1fc: {  	v4 =	vbroadcast v4, $0x0  }
0x1fd: {  	[tilespmem:s22+$0xFFFFFD80] =	vst v5  }
0x1fe: {  	v5 =	vld [tilespmem:s21+$0xFFFFFF20];
	v4 =	vor.u32 v3, v4;
	_ =	sdelay $0x4  }
0x1ff: {  	[tilespmem:v4+s17+$0x0] =	vst.idx.msk $0xfff, v5  }
0x200: {  	v4 =	vld [tilespmem:s21+$0xFFFFFF80];
	_ =	sdelay $0x3  }
0x201: {  	s25 =	sadd.s32 $0xFFFFFFFC, s24  }
0x202: {  	[tilespmem:s22+$0xFFFFFDF0] =	vst v4;
	v4 =	vmov s25  }
0x203: {  	v5 =	vld [tilespmem:s21+$0xFFFFFF90];
	v4 =	vshrl.u32 v4, $0x3  }
0x204: {  	v4 =	vmul.u32 $0xC00, v4;
	_ =	sdelay $0x1  }
0x205: {  	v4 =	vadd.s32 $0x980, v4  }
0x206: {  	v4 =	vbroadcast v4, $0x0  }
0x207: {  	[tilespmem:s22+$0xFFFFFE00] =	vst v5  }
0x208: {  	v5 =	vld [tilespmem:s21+$0xFFFFFFA0];
	v4 =	vor.u32 v3, v4;
	_ =	sdelay $0x4  }
0x209: {  	[tilespmem:v4+s17+$0x0] =	vst.idx.msk $0xfff, v5  }
0x20a: {  	v4 =	vld [tilespmem:s21+$0x0];
	_ =	sdelay $0x3  }
0x20b: {  	s25 =	sadd.s32 $0xFFFFFFFD, s24  }
0x20c: {  	[tilespmem:s22+$0xFFFFFE70] =	vst v4;
	v4 =	vmov s25  }
0x20d: {  	v5 =	vld [tilespmem:s21+$0x10];
	v4 =	vshrl.u32 v4, $0x3  }
0x20e: {  	v4 =	vmul.u32 $0xC00, v4;
	_ =	sdelay $0x1  }
0x20f: {  	v4 =	vadd.s32 $0xA00, v4  }
0x210: {  	v4 =	vbroadcast v4, $0x0  }
0x211: {  	[tilespmem:s22+$0xFFFFFE80] =	vst v5  }
0x212: {  	v5 =	vld [tilespmem:s21+$0x20];
	v4 =	vor.u32 v3, v4;
	_ =	sdelay $0x4  }
0x213: {  	[tilespmem:v4+s17+$0x0] =	vst.idx.msk $0xfff, v5  }
0x214: {  	v4 =	vld [tilespmem:s21+$0x80];
	_ =	sdelay $0x3  }
0x215: {  	s25 =	sadd.s32 $0xFFFFFFFE, s24  }
0x216: {  	[tilespmem:s22+$0xFFFFFEF0] =	vst v4;
	v4 =	vmov s25  }
0x217: {  	v5 =	vld [tilespmem:s21+$0x90];
	v4 =	vshrl.u32 v4, $0x3  }
0x218: {  	v4 =	vmul.u32 $0xC00, v4;
	_ =	sdelay $0x1  }
0x219: {  	v4 =	vadd.s32 $0xA80, v4  }
0x21a: {  	v4 =	vbroadcast v4, $0x0  }
0x21b: {  	[tilespmem:s22+$0xFFFFFF00] =	vst v5  }
0x21c: {  	v5 =	vld [tilespmem:s21+$0xA0];
	v4 =	vor.u32 v3, v4;
	_ =	sdelay $0x4  }
0x21d: {  	[tilespmem:v4+s17+$0x0] =	vst.idx.msk $0xfff, v5  }
0x21e: {  	v4 =	vld [tilespmem:s21+$0x100];
	_ =	sdelay $0x3  }
0x21f: {  	s25 =	sadd.s32 $0xFFFFFFFF, s24  }
0x220: {  	[tilespmem:s22+$0xFFFFFF70] =	vst v4;
	v4 =	vmov s25  }
0x221: {  	v5 =	vld [tilespmem:s21+$0x110];
	v4 =	vshrl.u32 v4, $0x3  }
0x222: {  	v4 =	vmul.u32 $0xC00, v4;
	_ =	sdelay $0x1  }
0x223: {  	v4 =	vadd.s32 $0xB00, v4  }
0x224: {  	v4 =	vbroadcast v4, $0x0  }
0x225: {  	[tilespmem:s22+$0xFFFFFF80] =	vst v5  }
0x226: {  	v5 =	vld [tilespmem:s21+$0x120];
	v4 =	vor.u32 v3, v4;
	_ =	sdelay $0x4  }
0x227: {  	[tilespmem:v4+s17+$0x0] =	vst.idx.msk $0xfff, v5  }
0x228: {  	v4 =	vld [tilespmem:s21+$0x180];
	_ =	sdelay $0x4  }
0x229: {  	[tilespmem:s22+$0xFFFFFFF0] =	vst v4;
	v4 =	vmov s24  }
0x22a: {  	v5 =	vld [tilespmem:s21+$0x190];
	v4 =	vshrl.u32 v4, $0x3  }
0x22b: {  	v4 =	vmul.u32 $0xC00, v4  }
.Ltmp1:
0x22c: {  	(pc) =	sbr.rel @p0 .LBB2_4-.Ltmp1, $4  }
0x22d: {  	v4 =	vadd.s32 $0xB80, v4  }
0x22e: {  	v6 =	vbroadcast v4, $0x0  }
0x22f: {  	[tilespmem:s22+$0x0] =	vst v5  }
0x230: {  	v4 =	vld [tilespmem:s21+$0x1A0];
	v5 =	vor.u32 v3, v6  }
0x231: {  	_ =	sdelay $0x3  }
0x232: {  	s21 =	rddreg [dreg:$0x8];
	[tilespmem:v5+s17+$0x0] =	vst.idx.msk $0xfff, v4  }
0x233: {  	[hbm4b:s21+s4] =	stream.linear.scatter [tilespmem:s17], [sflag:$0x6], $0x7800, $0x38;
	[tilespmem:$0x14400] =	vst v63  }
0x234: {  	s21 =	simm.s32 $0x1  }
0x235: {  	_ =	swait.ge [sflag:s21], $0x50  }
0x236: {  	[sflag:s21] =	ssyncset.done $0x0  }
0x237: {  	[sflag:s21] =	ssyncadd.s32 $0xFFFFFFB0  }
0x238: {  	v4 =	vld [tilespmem:$0x0]  }
0x239: {  	v5 =	vld [tilespmem:$0x10]  }
0x23a: {  	v59 =	vld [tilespmem:$0x20]  }
0x23b: {  	v60 =	vld [tilespmem:$0x40];
	_ =	sdelay $0x1  }
0x23c: {  	[tilespmem:$0x100] =	vst v4  }
0x23d: {  	[tilespmem:$0x110] =	vst v5  }
0x23e: {  	[tilespmem:$0x120] =	vst v59  }
0x23f: {  	v6 =	vadd.s32 $0x186A0, v4;
	v4 =	vadd.s32 $0x30D40, v4;
	[tilespmem:$0x140] =	vst v60;
	v8 =	vld [tilespmem:$0x100]  }
0x240: {  	[tilespmem:$0x300] =	vst v4;
	v4 =	vld [tilespmem:$0x30]  }
0x241: {  	v7 =	vadd.s32 $0x186A0, v5;
	v5 =	vadd.s32 $0x30D40, v5;
	[tilespmem:$0x200] =	vst v6  }
0x242: {  	[tilespmem:$0x310] =	vst v5;
	v5 =	vadd.s32 $0x186A0, v59  }
0x243: {  	[tilespmem:$0x220] =	vst v5;
	v5 =	vadd.s32 $0x30D40, v59  }
0x244: {  	[tilespmem:$0x320] =	vst v5;
	v61 =	vperm.xlane v8, v0  }
0x245: {  	v5 =	vadd.s32 $0x186A0, v4;
	[tilespmem:$0x130] =	vst v4  }
0x246: {  	v4 =	vadd.s32 $0x30D40, v4;
	v62 =	vperm.xlane v8, v2;
	[tilespmem:$0x230] =	vst v5;
	v5 =	vadd.s32 v1, v61  }
0x247: {  	[tilespmem:$0x330] =	vst v4;
	v4 =	vadd.s32 $0x186A0, v60  }
0x248: {  	[tilespmem:$0x240] =	vst v4;
	v4 =	vadd.s32 v1, v62  }
0x249: {  	v63 =	vadd.s32 $0x30D40, v60;
	[tilespmem:$0x210] =	vst v7  }
0x24a: {  	[tilespmem:$0x340] =	vst v63  }
0x24b: {  	[tilespmem:s15], [sflag:$0x3] =	stream.indirect_vreg.gather [hbm4b:s3+s4], $0x80, v5, vm0, $0xb8;
	[tilespmem:$0x14400] =	vst v63  }
0x24c: {  	s22 =	simm.s32 $0x1000  }
0x24d: {  	[tilespmem:s22], [sflag:$0x3] =	stream.indirect_vreg.gather [hbm4b:s3+s4], $0x80, v4, vm0, $0xb8;
	[tilespmem:$0x14400] =	vst v63  }
0x24e: {  	v4 =	vld [tilespmem:$0x110];
	_ =	sdelay $0x4  }
0x24f: {  	v5 =	vperm.xlane v4, v0;
	_ =	sdelay $0x1  }
0x250: {  	v4 =	vperm.xlane v4, v2;
	v5 =	vadd.s32 v1, v5;
	_ =	sdelay $0x1  }
0x251: {  	v4 =	vadd.s32 v1, v4;
	_ =	sdelay $0x1  }
0x252: {  	s24 =	simm.s32 $0x1C00  }
0x253: {  	[tilespmem:s24], [sflag:$0x3] =	stream.indirect_vreg.gather [hbm4b:s3+s4], $0x80, v5, vm0, $0xb8;
	[tilespmem:$0x14400] =	vst v63  }
0x254: {  	s25 =	simm.s32 $0x2800  }
0x255: {  	[tilespmem:s25], [sflag:$0x3] =	stream.indirect_vreg.gather [hbm4b:s3+s4], $0x80, v4, vm0, $0xb8;
	[tilespmem:$0x14400] =	vst v63  }
0x256: {  	v4 =	vld [tilespmem:$0x120];
	_ =	sdelay $0x4  }
0x257: {  	v5 =	vperm.xlane v4, v0;
	_ =	sdelay $0x1  }
0x258: {  	v4 =	vperm.xlane v4, v2;
	v5 =	vadd.s32 v1, v5;
	_ =	sdelay $0x1  }
0x259: {  	v4 =	vadd.s32 v1, v4;
	_ =	sdelay $0x1  }
0x25a: {  	s26 =	simm.s32 $0x3400  }
0x25b: {  	[tilespmem:s26], [sflag:$0x3] =	stream.indirect_vreg.gather [hbm4b:s3+s4], $0x80, v5, vm0, $0xb8;
	[tilespmem:$0x14400] =	vst v63  }
0x25c: {  	s28 =	simm.s32 $0x4000  }
0x25d: {  	[tilespmem:s28], [sflag:$0x3] =	stream.indirect_vreg.gather [hbm4b:s3+s4], $0x80, v4, vm0, $0xb8;
	[tilespmem:$0x14400] =	vst v63  }
0x25e: {  	v4 =	vld [tilespmem:$0x130];
	_ =	sdelay $0x4  }
0x25f: {  	v5 =	vperm.xlane v4, v0;
	_ =	sdelay $0x1  }
0x260: {  	v4 =	vperm.xlane v4, v2;
	v5 =	vadd.s32 v1, v5;
	_ =	sdelay $0x1  }
0x261: {  	v4 =	vadd.s32 v1, v4;
	_ =	sdelay $0x1  }
0x262: {  	s29 =	simm.s32 $0x4C00  }
0x263: {  	[tilespmem:s29], [sflag:$0x3] =	stream.indirect_vreg.gather [hbm4b:s3+s4], $0x80, v5, vm0, $0xb8;
	[tilespmem:$0x14400] =	vst v63  }
0x264: {  	s30 =	simm.s32 $0x5800  }
0x265: {  	[tilespmem:s30], [sflag:$0x3] =	stream.indirect_vreg.gather [hbm4b:s3+s4], $0x80, v4, vm0, $0xb8;
	[tilespmem:$0x14400] =	vst v63  }
0x266: {  	v4 =	vld [tilespmem:$0x140];
	_ =	sdelay $0x4  }
0x267: {  	v5 =	vperm.xlane v4, v0;
	_ =	sdelay $0x1  }
0x268: {  	v4 =	vperm.xlane v4, v2;
	v5 =	vadd.s32 v1, v5;
	_ =	sdelay $0x1  }
0x269: {  	v4 =	vadd.s32 v1, v4;
	_ =	sdelay $0x1  }
0x26a: {  	s23 =	simm.s32 $0x6400  }
0x26b: {  	[tilespmem:s23], [sflag:$0x3] =	stream.indirect_vreg.gather [hbm4b:s3+s4], $0x80, v5, vm0, $0xb8;
	[tilespmem:$0x14400] =	vst v63  }
0x26c: {  	s24 =	simm.s32 $0x7000  }
0x26d: {  	[tilespmem:s24], [sflag:$0x3] =	stream.indirect_vreg.gather [hbm4b:s3+s4], $0x80, v4, vm0, $0xb8;
	[tilespmem:$0x14400] =	vst v63  }
0x26e: {  	v4 =	vld [tilespmem:$0x200];
	_ =	sdelay $0x4  }
0x26f: {  	v5 =	vperm.xlane v4, v0;
	_ =	sdelay $0x1  }
0x270: {  	v4 =	vperm.xlane v4, v2;
	v5 =	vadd.s32 v1, v5;
	_ =	sdelay $0x1  }
0x271: {  	v4 =	vadd.s32 v1, v4;
	_ =	sdelay $0x1  }
0x272: {  	s25 =	simm.s32 $0x800  }
0x273: {  	[tilespmem:s25], [sflag:$0x3] =	stream.indirect_vreg.gather [hbm4b:s3+s4], $0x80, v5, vm0, $0xb8;
	[tilespmem:$0x14400] =	vst v63  }
0x274: {  	s26 =	simm.s32 $0x1400  }
0x275: {  	[tilespmem:s26], [sflag:$0x3] =	stream.indirect_vreg.gather [hbm4b:s3+s4], $0x80, v4, vm0, $0xb8;
	[tilespmem:$0x14400] =	vst v63  }
0x276: {  	v4 =	vld [tilespmem:$0x210];
	_ =	sdelay $0x4  }
0x277: {  	v5 =	vperm.xlane v4, v0;
	_ =	sdelay $0x1  }
0x278: {  	v4 =	vperm.xlane v4, v2;
	v5 =	vadd.s32 v1, v5;
	_ =	sdelay $0x1  }
0x279: {  	v4 =	vadd.s32 v1, v4;
	_ =	sdelay $0x1  }
0x27a: {  	s28 =	simm.s32 $0x2000  }
0x27b: {  	[tilespmem:s28], [sflag:$0x3] =	stream.indirect_vreg.gather [hbm4b:s3+s4], $0x80, v5, vm0, $0xb8;
	[tilespmem:$0x14400] =	vst v63  }
0x27c: {  	s29 =	simm.s32 $0x2C00  }
0x27d: {  	[tilespmem:s29], [sflag:$0x3] =	stream.indirect_vreg.gather [hbm4b:s3+s4], $0x80, v4, vm0, $0xb8;
	[tilespmem:$0x14400] =	vst v63  }
0x27e: {  	v4 =	vld [tilespmem:$0x220];
	_ =	sdelay $0x4  }
0x27f: {  	v5 =	vperm.xlane v4, v0;
	_ =	sdelay $0x1  }
0x280: {  	v4 =	vperm.xlane v4, v2;
	v5 =	vadd.s32 v1, v5;
	_ =	sdelay $0x1  }
0x281: {  	v4 =	vadd.s32 v1, v4;
	_ =	sdelay $0x1  }
0x282: {  	s30 =	simm.s32 $0x3800  }
0x283: {  	[tilespmem:s30], [sflag:$0x3] =	stream.indirect_vreg.gather [hbm4b:s3+s4], $0x80, v5, vm0, $0xb8;
	[tilespmem:$0x14400] =	vst v63  }
0x284: {  	_ = 	snop  }
0x285: {  	[tilespmem:s31], [sflag:$0x3] =	stream.indirect_vreg.gather [hbm4b:s3+s4], $0x80, v4, vm0, $0xb8;
	[tilespmem:$0x14400] =	vst v63  }
0x286: {  	v4 =	vld [tilespmem:$0x230];
	_ =	sdelay $0x4  }
0x287: {  	v5 =	vperm.xlane v4, v0;
	_ =	sdelay $0x1  }
0x288: {  	v4 =	vperm.xlane v4, v2;
	v5 =	vadd.s32 v1, v5;
	_ =	sdelay $0x1  }
0x289: {  	v4 =	vadd.s32 v1, v4;
	_ =	sdelay $0x2  }
0x28a: {  	[tilespmem:s2], [sflag:$0x3] =	stream.indirect_vreg.gather [hbm4b:s3+s4], $0x80, v5, vm0, $0xb8;
	[tilespmem:$0x14400] =	vst v63  }
0x28b: {  	_ = 	snop  }
0x28c: {  	[tilespmem:s0], [sflag:$0x3] =	stream.indirect_vreg.gather [hbm4b:s3+s4], $0x80, v4, vm0, $0xb8;
	[tilespmem:$0x14400] =	vst v63  }
0x28d: {  	v4 =	vld [tilespmem:$0x240];
	_ =	sdelay $0x4  }
0x28e: {  	v5 =	vperm.xlane v4, v0;
	_ =	sdelay $0x1  }
0x28f: {  	v4 =	vperm.xlane v4, v2;
	v5 =	vadd.s32 v1, v5;
	_ =	sdelay $0x1  }
0x290: {  	v4 =	vadd.s32 v1, v4;
	_ =	sdelay $0x2  }
0x291: {  	[tilespmem:s8], [sflag:$0x3] =	stream.indirect_vreg.gather [hbm4b:s3+s4], $0x80, v5, vm0, $0xb8;
	[tilespmem:$0x14400] =	vst v63  }
0x292: {  	_ = 	snop  }
0x293: {  	[tilespmem:s9], [sflag:$0x3] =	stream.indirect_vreg.gather [hbm4b:s3+s4], $0x80, v4, vm0, $0xb8;
	[tilespmem:$0x14400] =	vst v63  }
0x294: {  	_ = 	snop  }
0x295: {  	[tilespmem:s12], [sflag:$0x3] =	stream.indirect.gather [hbm4b:s3+s10], $0x80, s11, s10, $0xb8;
	[tilespmem:$0x14400] =	vst v63  }
.LBB2_6:
0x296: {  	s23 =	smul.u32 $0xA0, s21;
	_ =	sdelay $0x1  }
0x297: {  	_ =	swait.ge [sflag:s20], $0x7800;
	s22 =	sadd.s32 s13, s23  }
0x298: {  	[sflag:s20] =	ssyncset.done $0x0;
	s22 =	sshrl.u32 s22, $0x3  }
0x299: {  	s25 =	simm.s32 $0x80;
	[sflag:s20] =	ssyncadd.s32 $0xFFFF8800;
	s24 =	sadd.s32 s1, s22  }
0x29a: {  	[tilespmem:s25], [sflag:$0x2] =	stream.linear.gather [hbm4b:s24+s4], $0x50, $0x38;
	[tilespmem:$0x14400] =	vst v63  }
0x29b: {  	_ =	swait.ge [sflag:s7], $0x2800  }
0x29c: {  	[sflag:s7] =	ssyncset.done $0x0  }
0x29d: {  	[sflag:s7] =	ssyncadd.s32 $0xFFFFD800  }
0x29e: {  	_ =	swait.ge [sflag:s7], $0x2800  }
0x29f: {  	[sflag:s7] =	ssyncset.done $0x0  }
0x2a0: {  	[sflag:s7] =	ssyncadd.s32 $0xFFFFD800  }
0x2a1: {  	_ =	swait.ge [sflag:s7], $0x2800  }
0x2a2: {  	[sflag:s7] =	ssyncset.done $0x0  }
0x2a3: {  	s25 =	simm.s32 $0xF600;
	[sflag:s7] =	ssyncadd.s32 $0xFFFFD800  }
0x2a4: {  	v4 =	vld [tilespmem:s25+$0xFFFFFE00];
	_ =	sdelay $0x3  }
0x2a5: {  	s26 =	simm.s32 $0xF90;
	s29 =	simm.s32 $0x0  }
0x2a6: {  	[tilespmem:s26+$0xFFFFFC70] =	vst v4;
	v4 =	vmov s29  }
0x2a7: {  	v5 =	vld [tilespmem:s25+$0xFFFFFE10];
	v4 =	vshrl.u32 v4, $0x3  }
0x2a8: {  	v4 =	vmul.u32 $0xC00, v4;
	_ =	sdelay $0x1  }
0x2a9: {  	v4 =	vadd.s32 $0x800, v4  }
0x2aa: {  	v4 =	vbroadcast v4, $0x0  }
0x2ab: {  	[tilespmem:s26+$0xFFFFFC80] =	vst v5  }
0x2ac: {  	v5 =	vld [tilespmem:s25+$0xFFFFFE20];
	v4 =	vor.u32 v3, v4;
	_ =	sdelay $0x4  }
0x2ad: {  	[tilespmem:v4+s15+$0x0] =	vst.idx.msk $0xfff, v5  }
0x2ae: {  	v4 =	vld [tilespmem:s25+$0xFFFFFE80];
	_ =	sdelay $0x3  }
0x2af: {  	s30 =	simm.s32 $0x1  }
0x2b0: {  	[tilespmem:s26+$0xFFFFFCF0] =	vst v4;
	v4 =	vmov s30  }
0x2b1: {  	v5 =	vld [tilespmem:s25+$0xFFFFFE90];
	v4 =	vshrl.u32 v4, $0x3  }
0x2b2: {  	v4 =	vmul.u32 $0xC00, v4;
	_ =	sdelay $0x1  }
0x2b3: {  	v4 =	vadd.s32 $0x880, v4  }
0x2b4: {  	v4 =	vbroadcast v4, $0x0  }
0x2b5: {  	[tilespmem:s26+$0xFFFFFD00] =	vst v5  }
0x2b6: {  	v5 =	vld [tilespmem:s25+$0xFFFFFEA0];
	v4 =	vor.u32 v3, v4;
	_ =	sdelay $0x4  }
0x2b7: {  	[tilespmem:v4+s15+$0x0] =	vst.idx.msk $0xfff, v5  }
0x2b8: {  	v4 =	vld [tilespmem:s25+$0xFFFFFF00];
	_ =	sdelay $0x3  }
0x2b9: {  	s29 =	simm.s32 $0x2  }
0x2ba: {  	[tilespmem:s26+$0xFFFFFD70] =	vst v4;
	v4 =	vmov s29  }
0x2bb: {  	v5 =	vld [tilespmem:s25+$0xFFFFFF10];
	v4 =	vshrl.u32 v4, $0x3  }
0x2bc: {  	v4 =	vmul.u32 $0xC00, v4;
	_ =	sdelay $0x1  }
0x2bd: {  	v4 =	vadd.s32 $0x900, v4  }
0x2be: {  	v4 =	vbroadcast v4, $0x0  }
0x2bf: {  	[tilespmem:s26+$0xFFFFFD80] =	vst v5  }
0x2c0: {  	v5 =	vld [tilespmem:s25+$0xFFFFFF20];
	v4 =	vor.u32 v3, v4;
	_ =	sdelay $0x4  }
0x2c1: {  	[tilespmem:v4+s15+$0x0] =	vst.idx.msk $0xfff, v5  }
0x2c2: {  	v4 =	vld [tilespmem:s25+$0xFFFFFF80];
	_ =	sdelay $0x3  }
0x2c3: {  	s30 =	simm.s32 $0x3  }
0x2c4: {  	[tilespmem:s26+$0xFFFFFDF0] =	vst v4;
	v4 =	vmov s30  }
0x2c5: {  	v5 =	vld [tilespmem:s25+$0xFFFFFF90];
	v4 =	vshrl.u32 v4, $0x3  }
0x2c6: {  	v4 =	vmul.u32 $0xC00, v4;
	_ =	sdelay $0x1  }
0x2c7: {  	v4 =	vadd.s32 $0x980, v4  }
0x2c8: {  	v4 =	vbroadcast v4, $0x0  }
0x2c9: {  	[tilespmem:s26+$0xFFFFFE00] =	vst v5  }
0x2ca: {  	v5 =	vld [tilespmem:s25+$0xFFFFFFA0];
	v4 =	vor.u32 v3, v4;
	_ =	sdelay $0x4  }
0x2cb: {  	[tilespmem:v4+s15+$0x0] =	vst.idx.msk $0xfff, v5  }
0x2cc: {  	v4 =	vld [tilespmem:s25+$0x0];
	_ =	sdelay $0x3  }
0x2cd: {  	s29 =	simm.s32 $0x4  }
0x2ce: {  	[tilespmem:s26+$0xFFFFFE70] =	vst v4;
	v4 =	vmov s29  }
0x2cf: {  	v5 =	vld [tilespmem:s25+$0x10];
	v4 =	vshrl.u32 v4, $0x3  }
0x2d0: {  	v4 =	vmul.u32 $0xC00, v4;
	_ =	sdelay $0x1  }
0x2d1: {  	v4 =	vadd.s32 $0xA00, v4  }
0x2d2: {  	v4 =	vbroadcast v4, $0x0  }
0x2d3: {  	[tilespmem:s26+$0xFFFFFE80] =	vst v5  }
0x2d4: {  	v5 =	vld [tilespmem:s25+$0x20];
	v4 =	vor.u32 v3, v4;
	_ =	sdelay $0x4  }
0x2d5: {  	[tilespmem:v4+s15+$0x0] =	vst.idx.msk $0xfff, v5  }
0x2d6: {  	v4 =	vld [tilespmem:s25+$0x80];
	_ =	sdelay $0x3  }
0x2d7: {  	s30 =	simm.s32 $0x5  }
0x2d8: {  	[tilespmem:s26+$0xFFFFFEF0] =	vst v4;
	v4 =	vmov s30  }
0x2d9: {  	v5 =	vld [tilespmem:s25+$0x90];
	v4 =	vshrl.u32 v4, $0x3  }
0x2da: {  	v4 =	vmul.u32 $0xC00, v4;
	_ =	sdelay $0x1  }
0x2db: {  	v4 =	vadd.s32 $0xA80, v4  }
0x2dc: {  	v4 =	vbroadcast v4, $0x0  }
0x2dd: {  	[tilespmem:s26+$0xFFFFFF00] =	vst v5  }
0x2de: {  	v5 =	vld [tilespmem:s25+$0xA0];
	v4 =	vor.u32 v3, v4;
	_ =	sdelay $0x4  }
0x2df: {  	[tilespmem:v4+s15+$0x0] =	vst.idx.msk $0xfff, v5  }
0x2e0: {  	v4 =	vld [tilespmem:s25+$0x100];
	_ =	sdelay $0x3  }
0x2e1: {  	s29 =	simm.s32 $0x6  }
0x2e2: {  	[tilespmem:s26+$0xFFFFFF70] =	vst v4;
	v4 =	vmov s29  }
0x2e3: {  	v5 =	vld [tilespmem:s25+$0x110];
	v4 =	vshrl.u32 v4, $0x3  }
0x2e4: {  	v4 =	vmul.u32 $0xC00, v4;
	_ =	sdelay $0x1  }
0x2e5: {  	v4 =	vadd.s32 $0xB00, v4  }
0x2e6: {  	v4 =	vbroadcast v4, $0x0  }
0x2e7: {  	[tilespmem:s26+$0xFFFFFF80] =	vst v5  }
0x2e8: {  	v5 =	vld [tilespmem:s25+$0x120];
	v4 =	vor.u32 v3, v4;
	_ =	sdelay $0x4  }
0x2e9: {  	[tilespmem:v4+s15+$0x0] =	vst.idx.msk $0xfff, v5  }
0x2ea: {  	v4 =	vld [tilespmem:s25+$0x180];
	_ =	sdelay $0x3  }
0x2eb: {  	s30 =	simm.s32 $0x7  }
0x2ec: {  	[tilespmem:s26+$0xFFFFFFF0] =	vst v4;
	v4 =	vmov s30  }
0x2ed: {  	v5 =	vld [tilespmem:s25+$0x190];
	v4 =	vshrl.u32 v4, $0x3  }
0x2ee: {  	v4 =	vmul.u32 $0xC00, v4;
	_ =	sdelay $0x1  }
0x2ef: {  	v4 =	vadd.s32 $0xB80, v4  }
0x2f0: {  	v6 =	vbroadcast v4, $0x0  }
0x2f1: {  	[tilespmem:s26+$0x0] =	vst v5  }
0x2f2: {  	s28 =	simm.s32 $0xF;
	s24 =	sshll.u32 s21, $0x1;
	v4 =	vld [tilespmem:s25+$0x1A0];
	v5 =	vor.u32 v3, v6  }
.LBB2_7:
0x2f3: {  	_ =	sdelay $0x3  }
0x2f4: {  	p0 =	sne.s32 s28, $0x4F;
	s26 =	sadd.s32 $0xC00, s26;
	s25 =	sadd.s32 $0x400, s25;
	[tilespmem:v5+s15+$0x0] =	vst.idx.msk $0xfff, v4  }
0x2f5: {  	s29 =	smov.u32 s28;
	s28 =	sadd.s32 $0x8, s28;
	v4 =	vld [tilespmem:s25+$0xFFFFFE00];
	_ =	sdelay $0x3  }
0x2f6: {  	s30 =	sadd.s32 $0xFFFFFFF9, s29  }
0x2f7: {  	[tilespmem:s26+$0xFFFFFC70] =	vst v4;
	v4 =	vmov s30  }
0x2f8: {  	v5 =	vld [tilespmem:s25+$0xFFFFFE10];
	v4 =	vshrl.u32 v4, $0x3  }
0x2f9: {  	v4 =	vmul.u32 $0xC00, v4;
	_ =	sdelay $0x1  }
0x2fa: {  	v4 =	vadd.s32 $0x800, v4  }
0x2fb: {  	v4 =	vbroadcast v4, $0x0  }
0x2fc: {  	[tilespmem:s26+$0xFFFFFC80] =	vst v5  }
0x2fd: {  	v5 =	vld [tilespmem:s25+$0xFFFFFE20];
	v4 =	vor.u32 v3, v4;
	_ =	sdelay $0x4  }
0x2fe: {  	[tilespmem:v4+s15+$0x0] =	vst.idx.msk $0xfff, v5  }
0x2ff: {  	v4 =	vld [tilespmem:s25+$0xFFFFFE80];
	_ =	sdelay $0x3  }
0x300: {  	s30 =	sadd.s32 $0xFFFFFFFA, s29  }
0x301: {  	[tilespmem:s26+$0xFFFFFCF0] =	vst v4;
	v4 =	vmov s30  }
0x302: {  	v5 =	vld [tilespmem:s25+$0xFFFFFE90];
	v4 =	vshrl.u32 v4, $0x3  }
0x303: {  	v4 =	vmul.u32 $0xC00, v4;
	_ =	sdelay $0x1  }
0x304: {  	v4 =	vadd.s32 $0x880, v4  }
0x305: {  	v4 =	vbroadcast v4, $0x0  }
0x306: {  	[tilespmem:s26+$0xFFFFFD00] =	vst v5  }
0x307: {  	v5 =	vld [tilespmem:s25+$0xFFFFFEA0];
	v4 =	vor.u32 v3, v4;
	_ =	sdelay $0x4  }
0x308: {  	[tilespmem:v4+s15+$0x0] =	vst.idx.msk $0xfff, v5  }
0x309: {  	v4 =	vld [tilespmem:s25+$0xFFFFFF00];
	_ =	sdelay $0x3  }
0x30a: {  	s30 =	sadd.s32 $0xFFFFFFFB, s29  }
0x30b: {  	[tilespmem:s26+$0xFFFFFD70] =	vst v4;
	v4 =	vmov s30  }
0x30c: {  	v5 =	vld [tilespmem:s25+$0xFFFFFF10];
	v4 =	vshrl.u32 v4, $0x3  }
0x30d: {  	v4 =	vmul.u32 $0xC00, v4;
	_ =	sdelay $0x1  }
0x30e: {  	v4 =	vadd.s32 $0x900, v4  }
0x30f: {  	v4 =	vbroadcast v4, $0x0  }
0x310: {  	[tilespmem:s26+$0xFFFFFD80] =	vst v5  }
0x311: {  	v5 =	vld [tilespmem:s25+$0xFFFFFF20];
	v4 =	vor.u32 v3, v4;
	_ =	sdelay $0x4  }
0x312: {  	[tilespmem:v4+s15+$0x0] =	vst.idx.msk $0xfff, v5  }
0x313: {  	v4 =	vld [tilespmem:s25+$0xFFFFFF80];
	_ =	sdelay $0x3  }
0x314: {  	s30 =	sadd.s32 $0xFFFFFFFC, s29  }
0x315: {  	[tilespmem:s26+$0xFFFFFDF0] =	vst v4;
	v4 =	vmov s30  }
0x316: {  	v5 =	vld [tilespmem:s25+$0xFFFFFF90];
	v4 =	vshrl.u32 v4, $0x3  }
0x317: {  	v4 =	vmul.u32 $0xC00, v4;
	_ =	sdelay $0x1  }
0x318: {  	v4 =	vadd.s32 $0x980, v4  }
0x319: {  	v4 =	vbroadcast v4, $0x0  }
0x31a: {  	[tilespmem:s26+$0xFFFFFE00] =	vst v5  }
0x31b: {  	v5 =	vld [tilespmem:s25+$0xFFFFFFA0];
	v4 =	vor.u32 v3, v4;
	_ =	sdelay $0x4  }
0x31c: {  	[tilespmem:v4+s15+$0x0] =	vst.idx.msk $0xfff, v5  }
0x31d: {  	v4 =	vld [tilespmem:s25+$0x0];
	_ =	sdelay $0x3  }
0x31e: {  	s30 =	sadd.s32 $0xFFFFFFFD, s29  }
0x31f: {  	[tilespmem:s26+$0xFFFFFE70] =	vst v4;
	v4 =	vmov s30  }
0x320: {  	v5 =	vld [tilespmem:s25+$0x10];
	v4 =	vshrl.u32 v4, $0x3  }
0x321: {  	v4 =	vmul.u32 $0xC00, v4;
	_ =	sdelay $0x1  }
0x322: {  	v4 =	vadd.s32 $0xA00, v4  }
0x323: {  	v4 =	vbroadcast v4, $0x0  }
0x324: {  	[tilespmem:s26+$0xFFFFFE80] =	vst v5  }
0x325: {  	v5 =	vld [tilespmem:s25+$0x20];
	v4 =	vor.u32 v3, v4;
	_ =	sdelay $0x4  }
0x326: {  	[tilespmem:v4+s15+$0x0] =	vst.idx.msk $0xfff, v5  }
0x327: {  	v4 =	vld [tilespmem:s25+$0x80];
	_ =	sdelay $0x3  }
0x328: {  	s30 =	sadd.s32 $0xFFFFFFFE, s29  }
0x329: {  	[tilespmem:s26+$0xFFFFFEF0] =	vst v4;
	v4 =	vmov s30  }
0x32a: {  	v5 =	vld [tilespmem:s25+$0x90];
	v4 =	vshrl.u32 v4, $0x3  }
0x32b: {  	v4 =	vmul.u32 $0xC00, v4;
	_ =	sdelay $0x1  }
0x32c: {  	v4 =	vadd.s32 $0xA80, v4  }
0x32d: {  	v4 =	vbroadcast v4, $0x0  }
0x32e: {  	[tilespmem:s26+$0xFFFFFF00] =	vst v5  }
0x32f: {  	v5 =	vld [tilespmem:s25+$0xA0];
	v4 =	vor.u32 v3, v4;
	_ =	sdelay $0x4  }
0x330: {  	[tilespmem:v4+s15+$0x0] =	vst.idx.msk $0xfff, v5  }
0x331: {  	v4 =	vld [tilespmem:s25+$0x100];
	_ =	sdelay $0x3  }
0x332: {  	s30 =	sadd.s32 $0xFFFFFFFF, s29  }
0x333: {  	[tilespmem:s26+$0xFFFFFF70] =	vst v4;
	v4 =	vmov s30  }
0x334: {  	v5 =	vld [tilespmem:s25+$0x110];
	v4 =	vshrl.u32 v4, $0x3  }
0x335: {  	v4 =	vmul.u32 $0xC00, v4;
	_ =	sdelay $0x1  }
0x336: {  	v4 =	vadd.s32 $0xB00, v4  }
0x337: {  	v4 =	vbroadcast v4, $0x0  }
0x338: {  	[tilespmem:s26+$0xFFFFFF80] =	vst v5  }
0x339: {  	v5 =	vld [tilespmem:s25+$0x120];
	v4 =	vor.u32 v3, v4;
	_ =	sdelay $0x4  }
0x33a: {  	[tilespmem:v4+s15+$0x0] =	vst.idx.msk $0xfff, v5  }
0x33b: {  	v4 =	vld [tilespmem:s25+$0x180];
	_ =	sdelay $0x4  }
0x33c: {  	[tilespmem:s26+$0xFFFFFFF0] =	vst v4;
	v4 =	vmov s29  }
0x33d: {  	v5 =	vld [tilespmem:s25+$0x190];
	v4 =	vshrl.u32 v4, $0x3  }
0x33e: {  	v4 =	vmul.u32 $0xC00, v4  }
.Ltmp2:
0x33f: {  	(pc) =	sbr.rel @p0 .LBB2_7-.Ltmp2, $4  }
0x340: {  	v4 =	vadd.s32 $0xB80, v4  }
0x341: {  	v6 =	vbroadcast v4, $0x0  }
0x342: {  	[tilespmem:s26+$0x0] =	vst v5  }
0x343: {  	v4 =	vld [tilespmem:s25+$0x1A0];
	v5 =	vor.u32 v3, v6  }
0x344: {  	s23 =	sadd.s32 s5, s23  }
0x345: {  	s23 =	sshrl.u32 s23, $0x3  }
0x346: {  	s23 =	smul.u32 $0x180, s23;
	_ =	sdelay $0x1  }
0x347: {  	[tilespmem:v5+s15+$0x0] =	vst.idx.msk $0xfff, v4;
	s23 =	sadd.s32 s6, s23  }
0x348: {  	[hbm4b:s23+s4] =	stream.linear.scatter [tilespmem:s15], [sflag:$0x5], $0x7800, $0x38;
	[tilespmem:$0x14400] =	vst v63  }
0x349: {  	_ =	swait.ge [sflag:s16], $0x50  }
0x34a: {  	[sflag:s16] =	ssyncset.done $0x0  }
0x34b: {  	[sflag:s16] =	ssyncadd.s32 $0xFFFFFFB0  }
0x34c: {  	v4 =	vld [tilespmem:$0x80];
	_ =	sdelay $0x2  }
0x34d: {  	v5 =	vld [tilespmem:$0x90];
	_ =	sdelay $0x1  }
0x34e: {  	[tilespmem:$0x180] =	vst v4;
	v6 =	vadd.s32 $0x186A0, v4  }
0x34f: {  	v4 =	vadd.s32 $0x30D40, v4;
	[tilespmem:$0x280] =	vst v6;
	v6 =	vld [tilespmem:$0xA0]  }
0x350: {  	[tilespmem:$0x380] =	vst v4;
	v4 =	vld [tilespmem:$0xB0]  }
0x351: {  	[tilespmem:$0x190] =	vst v5;
	v7 =	vadd.s32 $0x186A0, v5;
	v8 =	vld [tilespmem:$0x180]  }
0x352: {  	v5 =	vadd.s32 $0x30D40, v5;
	[tilespmem:$0x290] =	vst v7  }
0x353: {  	[tilespmem:$0x390] =	vst v5  }
0x354: {  	v7 =	vld [tilespmem:$0xC0];
	[tilespmem:$0x1A0] =	vst v6  }
0x355: {  	v5 =	vadd.s32 $0x186A0, v6;
	[tilespmem:$0x1B0] =	vst v4  }
0x356: {  	[tilespmem:$0x2A0] =	vst v5;
	v5 =	vadd.s32 $0x30D40, v6;
	v6 =	vperm.xlane v8, v0  }
0x357: {  	[tilespmem:$0x3A0] =	vst v5;
	v5 =	vadd.s32 $0x186A0, v4  }
0x358: {  	v4 =	vadd.s32 $0x30D40, v4;
	[tilespmem:$0x2B0] =	vst v5;
	v5 =	vadd.s32 v1, v6;
	v6 =	vperm.xlane v8, v2  }
0x359: {  	[tilespmem:$0x3B0] =	vst v4;
	v4 =	vadd.s32 $0x186A0, v7  }
0x35a: {  	[tilespmem:$0x2C0] =	vst v4;
	v4 =	vadd.s32 v1, v6  }
0x35b: {  	[tilespmem:$0x1C0] =	vst v7;
	v6 =	vadd.s32 $0x30D40, v7  }
0x35c: {  	[tilespmem:$0x3C0] =	vst v6  }
0x35d: {  	[tilespmem:s17], [sflag:$0x4] =	stream.indirect_vreg.gather [hbm4b:s3+s4], $0x80, v5, vm0, $0xb8;
	[tilespmem:$0x14400] =	vst v63  }
0x35e: {  	s30 =	simm.s32 $0x8800  }
0x35f: {  	[tilespmem:s30], [sflag:$0x4] =	stream.indirect_vreg.gather [hbm4b:s3+s4], $0x80, v4, vm0, $0xb8;
	[tilespmem:$0x14400] =	vst v63  }
0x360: {  	v4 =	vld [tilespmem:$0x190];
	_ =	sdelay $0x4  }
0x361: {  	v5 =	vperm.xlane v4, v0;
	_ =	sdelay $0x1  }
0x362: {  	v4 =	vperm.xlane v4, v2;
	v5 =	vadd.s32 v1, v5;
	_ =	sdelay $0x1  }
0x363: {  	v4 =	vadd.s32 v1, v4;
	_ =	sdelay $0x1  }
0x364: {  	s25 =	simm.s32 $0x9400  }
0x365: {  	[tilespmem:s25], [sflag:$0x4] =	stream.indirect_vreg.gather [hbm4b:s3+s4], $0x80, v5, vm0, $0xb8;
	[tilespmem:$0x14400] =	vst v63  }
0x366: {  	s26 =	simm.s32 $0xA000  }
0x367: {  	[tilespmem:s26], [sflag:$0x4] =	stream.indirect_vreg.gather [hbm4b:s3+s4], $0x80, v4, vm0, $0xb8;
	[tilespmem:$0x14400] =	vst v63  }
0x368: {  	v4 =	vld [tilespmem:$0x1A0];
	_ =	sdelay $0x4  }
0x369: {  	v5 =	vperm.xlane v4, v0;
	_ =	sdelay $0x1  }
0x36a: {  	v4 =	vperm.xlane v4, v2;
	v5 =	vadd.s32 v1, v5;
	_ =	sdelay $0x1  }
0x36b: {  	v4 =	vadd.s32 v1, v4;
	_ =	sdelay $0x1  }
0x36c: {  	s28 =	simm.s32 $0xAC00  }
0x36d: {  	[tilespmem:s28], [sflag:$0x4] =	stream.indirect_vreg.gather [hbm4b:s3+s4], $0x80, v5, vm0, $0xb8;
	[tilespmem:$0x14400] =	vst v63  }
0x36e: {  	s29 =	simm.s32 $0xB800  }
0x36f: {  	[tilespmem:s29], [sflag:$0x4] =	stream.indirect_vreg.gather [hbm4b:s3+s4], $0x80, v4, vm0, $0xb8;
	[tilespmem:$0x14400] =	vst v63  }
0x370: {  	v4 =	vld [tilespmem:$0x1B0];
	_ =	sdelay $0x4  }
0x371: {  	v5 =	vperm.xlane v4, v0;
	_ =	sdelay $0x1  }
0x372: {  	v4 =	vperm.xlane v4, v2;
	v5 =	vadd.s32 v1, v5;
	_ =	sdelay $0x1  }
0x373: {  	v4 =	vadd.s32 v1, v4;
	_ =	sdelay $0x1  }
0x374: {  	s30 =	simm.s32 $0xC400  }
0x375: {  	[tilespmem:s30], [sflag:$0x4] =	stream.indirect_vreg.gather [hbm4b:s3+s4], $0x80, v5, vm0, $0xb8;
	[tilespmem:$0x14400] =	vst v63  }
0x376: {  	s25 =	simm.s32 $0xD000  }
0x377: {  	[tilespmem:s25], [sflag:$0x4] =	stream.indirect_vreg.gather [hbm4b:s3+s4], $0x80, v4, vm0, $0xb8;
	[tilespmem:$0x14400] =	vst v63  }
0x378: {  	v4 =	vld [tilespmem:$0x1C0];
	_ =	sdelay $0x4  }
0x379: {  	v5 =	vperm.xlane v4, v0;
	_ =	sdelay $0x1  }
0x37a: {  	v4 =	vperm.xlane v4, v2;
	v5 =	vadd.s32 v1, v5;
	_ =	sdelay $0x1  }
0x37b: {  	v4 =	vadd.s32 v1, v4;
	_ =	sdelay $0x1  }
0x37c: {  	s26 =	simm.s32 $0xDC00  }
0x37d: {  	[tilespmem:s26], [sflag:$0x4] =	stream.indirect_vreg.gather [hbm4b:s3+s4], $0x80, v5, vm0, $0xb8;
	[tilespmem:$0x14400] =	vst v63  }
0x37e: {  	s28 =	simm.s32 $0xE800  }
0x37f: {  	[tilespmem:s28], [sflag:$0x4] =	stream.indirect_vreg.gather [hbm4b:s3+s4], $0x80, v4, vm0, $0xb8;
	[tilespmem:$0x14400] =	vst v63  }
0x380: {  	v4 =	vld [tilespmem:$0x280];
	_ =	sdelay $0x4  }
0x381: {  	v5 =	vperm.xlane v4, v0;
	_ =	sdelay $0x1  }
0x382: {  	v4 =	vperm.xlane v4, v2;
	v5 =	vadd.s32 v1, v5;
	_ =	sdelay $0x1  }
0x383: {  	v4 =	vadd.s32 v1, v4;
	_ =	sdelay $0x1  }
0x384: {  	s29 =	simm.s32 $0x8000  }
0x385: {  	[tilespmem:s29], [sflag:$0x4] =	stream.indirect_vreg.gather [hbm4b:s3+s4], $0x80, v5, vm0, $0xb8;
	[tilespmem:$0x14400] =	vst v63  }
0x386: {  	s30 =	simm.s32 $0x8C00  }
0x387: {  	[tilespmem:s30], [sflag:$0x4] =	stream.indirect_vreg.gather [hbm4b:s3+s4], $0x80, v4, vm0, $0xb8;
	[tilespmem:$0x14400] =	vst v63  }
0x388: {  	v4 =	vld [tilespmem:$0x290];
	_ =	sdelay $0x4  }
0x389: {  	v5 =	vperm.xlane v4, v0;
	_ =	sdelay $0x1  }
0x38a: {  	v4 =	vperm.xlane v4, v2;
	v5 =	vadd.s32 v1, v5;
	_ =	sdelay $0x1  }
0x38b: {  	v4 =	vadd.s32 v1, v4;
	_ =	sdelay $0x1  }
0x38c: {  	s25 =	simm.s32 $0x9800  }
0x38d: {  	[tilespmem:s25], [sflag:$0x4] =	stream.indirect_vreg.gather [hbm4b:s3+s4], $0x80, v5, vm0, $0xb8;
	[tilespmem:$0x14400] =	vst v63  }
0x38e: {  	s26 =	simm.s32 $0xA400  }
0x38f: {  	[tilespmem:s26], [sflag:$0x4] =	stream.indirect_vreg.gather [hbm4b:s3+s4], $0x80, v4, vm0, $0xb8;
	[tilespmem:$0x14400] =	vst v63  }
0x390: {  	v4 =	vld [tilespmem:$0x2A0];
	_ =	sdelay $0x4  }
0x391: {  	v5 =	vperm.xlane v4, v0;
	_ =	sdelay $0x1  }
0x392: {  	v4 =	vperm.xlane v4, v2;
	v5 =	vadd.s32 v1, v5;
	_ =	sdelay $0x1  }
0x393: {  	v4 =	vadd.s32 v1, v4;
	_ =	sdelay $0x1  }
0x394: {  	s28 =	simm.s32 $0xB000  }
0x395: {  	[tilespmem:s28], [sflag:$0x4] =	stream.indirect_vreg.gather [hbm4b:s3+s4], $0x80, v5, vm0, $0xb8;
	[tilespmem:$0x14400] =	vst v63  }
0x396: {  	s29 =	simm.s32 $0xBC00  }
0x397: {  	[tilespmem:s29], [sflag:$0x4] =	stream.indirect_vreg.gather [hbm4b:s3+s4], $0x80, v4, vm0, $0xb8;
	[tilespmem:$0x14400] =	vst v63  }
0x398: {  	v4 =	vld [tilespmem:$0x2B0];
	_ =	sdelay $0x4  }
0x399: {  	v5 =	vperm.xlane v4, v0;
	_ =	sdelay $0x1  }
0x39a: {  	v4 =	vperm.xlane v4, v2;
	v5 =	vadd.s32 v1, v5;
	_ =	sdelay $0x1  }
0x39b: {  	v4 =	vadd.s32 v1, v4;
	_ =	sdelay $0x1  }
0x39c: {  	s30 =	simm.s32 $0xC800  }
0x39d: {  	[tilespmem:s30], [sflag:$0x4] =	stream.indirect_vreg.gather [hbm4b:s3+s4], $0x80, v5, vm0, $0xb8;
	[tilespmem:$0x14400] =	vst v63  }
0x39e: {  	s25 =	simm.s32 $0xD400  }
0x39f: {  	[tilespmem:s25], [sflag:$0x4] =	stream.indirect_vreg.gather [hbm4b:s3+s4], $0x80, v4, vm0, $0xb8;
	[tilespmem:$0x14400] =	vst v63  }
0x3a0: {  	v4 =	vld [tilespmem:$0x2C0];
	_ =	sdelay $0x4  }
0x3a1: {  	v5 =	vperm.xlane v4, v0;
	_ =	sdelay $0x1  }
0x3a2: {  	v4 =	vperm.xlane v4, v2;
	v5 =	vadd.s32 v1, v5;
	_ =	sdelay $0x1  }
0x3a3: {  	v4 =	vadd.s32 v1, v4;
	_ =	sdelay $0x1  }
0x3a4: {  	s26 =	simm.s32 $0xE000;
	s30 =	sadd.s32 $0x2, s24  }
0x3a5: {  	[tilespmem:s26], [sflag:$0x4] =	stream.indirect_vreg.gather [hbm4b:s3+s4], $0x80, v5, vm0, $0xb8;
	[tilespmem:$0x14400] =	vst v63  }
0x3a6: {  	s28 =	simm.s32 $0xEC00;
	s24 =	smul.u32 $0x50, s30;
	p0 =	seq.s32 s30, $0x140  }
0x3a7: {  	[tilespmem:s28], [sflag:$0x4] =	stream.indirect_vreg.gather [hbm4b:s3+s4], $0x80, v4, vm0, $0xb8;
	[tilespmem:$0x14400] =	vst v63  }
0x3a8: {  	s29 =	simm.s32 $0x380;
	s25 =	simm.s32 $0x11C00;
	s24 =	simm.s32 @p0 $0x0  }
0x3a9: {  	[tilespmem:s25], [sflag:$0x4] =	stream.indirect.gather [hbm4b:s3+s10], $0x80, s29, s10, $0xb8;
	[tilespmem:$0x14400] =	vst v63  }
0x3aa: {  	s25 =	sadd.s32 s5, s24;
	_ =	swait.ge [sflag:s18], $0x7800  }
0x3ab: {  	s23 =	sshrl.u32 s25, $0x3;
	[sflag:s18] =	ssyncset.done $0x0  }
0x3ac: {  	s23 =	sadd.s32 s1, s23;
	[sflag:s18] =	ssyncadd.s32 $0xFFFF8800  }
0x3ad: {  	[tilespmem:s4], [sflag:$0x1] =	stream.linear.gather [hbm4b:s23+s4], $0x50, $0x38;
	[tilespmem:$0x14400] =	vst v63  }
0x3ae: {  	_ =	swait.ge [sflag:s19], $0x2800  }
0x3af: {  	[sflag:s19] =	ssyncset.done $0x0  }
0x3b0: {  	[sflag:s19] =	ssyncadd.s32 $0xFFFFD800  }
0x3b1: {  	_ =	swait.ge [sflag:s19], $0x2800  }
0x3b2: {  	[sflag:s19] =	ssyncset.done $0x0  }
0x3b3: {  	[sflag:s19] =	ssyncadd.s32 $0xFFFFD800  }
0x3b4: {  	_ =	swait.ge [sflag:s19], $0x2800  }
0x3b5: {  	[sflag:s19] =	ssyncset.done $0x0  }
0x3b6: {  	s23 =	simm.s32 $0x11E00;
	[sflag:s19] =	ssyncadd.s32 $0xFFFFD800  }
0x3b7: {  	v4 =	vld [tilespmem:s23+$0xFFFFFE00];
	_ =	sdelay $0x3  }
0x3b8: {  	s26 =	simm.s32 $0x0;
	s24 =	simm.s32 $0x8790  }
0x3b9: {  	[tilespmem:s24+$0xFFFFFC70] =	vst v4;
	v4 =	vmov s26  }
0x3ba: {  	v5 =	vld [tilespmem:s23+$0xFFFFFE10];
	v4 =	vshrl.u32 v4, $0x3  }
0x3bb: {  	v4 =	vmul.u32 $0xC00, v4;
	_ =	sdelay $0x1  }
0x3bc: {  	v4 =	vadd.s32 $0x800, v4  }
0x3bd: {  	v4 =	vbroadcast v4, $0x0  }
0x3be: {  	[tilespmem:s24+$0xFFFFFC80] =	vst v5  }
0x3bf: {  	v5 =	vld [tilespmem:s23+$0xFFFFFE20];
	v4 =	vor.u32 v3, v4;
	_ =	sdelay $0x4  }
0x3c0: {  	[tilespmem:v4+s17+$0x0] =	vst.idx.msk $0xfff, v5  }
0x3c1: {  	v4 =	vld [tilespmem:s23+$0xFFFFFE80];
	_ =	sdelay $0x3  }
0x3c2: {  	s28 =	simm.s32 $0x1  }
0x3c3: {  	[tilespmem:s24+$0xFFFFFCF0] =	vst v4;
	v4 =	vmov s28  }
0x3c4: {  	v5 =	vld [tilespmem:s23+$0xFFFFFE90];
	v4 =	vshrl.u32 v4, $0x3  }
0x3c5: {  	v4 =	vmul.u32 $0xC00, v4;
	_ =	sdelay $0x1  }
0x3c6: {  	v4 =	vadd.s32 $0x880, v4  }
0x3c7: {  	v4 =	vbroadcast v4, $0x0  }
0x3c8: {  	[tilespmem:s24+$0xFFFFFD00] =	vst v5  }
0x3c9: {  	v5 =	vld [tilespmem:s23+$0xFFFFFEA0];
	v4 =	vor.u32 v3, v4;
	_ =	sdelay $0x4  }
0x3ca: {  	[tilespmem:v4+s17+$0x0] =	vst.idx.msk $0xfff, v5  }
0x3cb: {  	v4 =	vld [tilespmem:s23+$0xFFFFFF00];
	_ =	sdelay $0x3  }
0x3cc: {  	s29 =	simm.s32 $0x2  }
0x3cd: {  	[tilespmem:s24+$0xFFFFFD70] =	vst v4;
	v4 =	vmov s29  }
0x3ce: {  	v5 =	vld [tilespmem:s23+$0xFFFFFF10];
	v4 =	vshrl.u32 v4, $0x3  }
0x3cf: {  	v4 =	vmul.u32 $0xC00, v4;
	_ =	sdelay $0x1  }
0x3d0: {  	v4 =	vadd.s32 $0x900, v4  }
0x3d1: {  	v4 =	vbroadcast v4, $0x0  }
0x3d2: {  	[tilespmem:s24+$0xFFFFFD80] =	vst v5  }
0x3d3: {  	v5 =	vld [tilespmem:s23+$0xFFFFFF20];
	v4 =	vor.u32 v3, v4;
	_ =	sdelay $0x4  }
0x3d4: {  	[tilespmem:v4+s17+$0x0] =	vst.idx.msk $0xfff, v5  }
0x3d5: {  	v4 =	vld [tilespmem:s23+$0xFFFFFF80];
	_ =	sdelay $0x3  }
0x3d6: {  	s30 =	simm.s32 $0x3  }
0x3d7: {  	[tilespmem:s24+$0xFFFFFDF0] =	vst v4;
	v4 =	vmov s30  }
0x3d8: {  	v5 =	vld [tilespmem:s23+$0xFFFFFF90];
	v4 =	vshrl.u32 v4, $0x3  }
0x3d9: {  	v4 =	vmul.u32 $0xC00, v4;
	_ =	sdelay $0x1  }
0x3da: {  	v4 =	vadd.s32 $0x980, v4  }
0x3db: {  	v4 =	vbroadcast v4, $0x0  }
0x3dc: {  	[tilespmem:s24+$0xFFFFFE00] =	vst v5  }
0x3dd: {  	v5 =	vld [tilespmem:s23+$0xFFFFFFA0];
	v4 =	vor.u32 v3, v4;
	_ =	sdelay $0x4  }
0x3de: {  	[tilespmem:v4+s17+$0x0] =	vst.idx.msk $0xfff, v5  }
0x3df: {  	v4 =	vld [tilespmem:s23+$0x0];
	_ =	sdelay $0x3  }
0x3e0: {  	s26 =	simm.s32 $0x4  }
0x3e1: {  	[tilespmem:s24+$0xFFFFFE70] =	vst v4;
	v4 =	vmov s26  }
0x3e2: {  	v5 =	vld [tilespmem:s23+$0x10];
	v4 =	vshrl.u32 v4, $0x3  }
0x3e3: {  	v4 =	vmul.u32 $0xC00, v4;
	_ =	sdelay $0x1  }
0x3e4: {  	v4 =	vadd.s32 $0xA00, v4  }
0x3e5: {  	v4 =	vbroadcast v4, $0x0  }
0x3e6: {  	[tilespmem:s24+$0xFFFFFE80] =	vst v5  }
0x3e7: {  	v5 =	vld [tilespmem:s23+$0x20];
	v4 =	vor.u32 v3, v4;
	_ =	sdelay $0x4  }
0x3e8: {  	[tilespmem:v4+s17+$0x0] =	vst.idx.msk $0xfff, v5  }
0x3e9: {  	v4 =	vld [tilespmem:s23+$0x80];
	_ =	sdelay $0x3  }
0x3ea: {  	s28 =	simm.s32 $0x5  }
0x3eb: {  	[tilespmem:s24+$0xFFFFFEF0] =	vst v4;
	v4 =	vmov s28  }
0x3ec: {  	v5 =	vld [tilespmem:s23+$0x90];
	v4 =	vshrl.u32 v4, $0x3  }
0x3ed: {  	v4 =	vmul.u32 $0xC00, v4;
	_ =	sdelay $0x1  }
0x3ee: {  	v4 =	vadd.s32 $0xA80, v4  }
0x3ef: {  	v4 =	vbroadcast v4, $0x0  }
0x3f0: {  	[tilespmem:s24+$0xFFFFFF00] =	vst v5  }
0x3f1: {  	v5 =	vld [tilespmem:s23+$0xA0];
	v4 =	vor.u32 v3, v4;
	_ =	sdelay $0x4  }
0x3f2: {  	[tilespmem:v4+s17+$0x0] =	vst.idx.msk $0xfff, v5  }
0x3f3: {  	v4 =	vld [tilespmem:s23+$0x100];
	_ =	sdelay $0x3  }
0x3f4: {  	s29 =	simm.s32 $0x6  }
0x3f5: {  	[tilespmem:s24+$0xFFFFFF70] =	vst v4;
	v4 =	vmov s29  }
0x3f6: {  	v5 =	vld [tilespmem:s23+$0x110];
	v4 =	vshrl.u32 v4, $0x3  }
0x3f7: {  	v4 =	vmul.u32 $0xC00, v4;
	_ =	sdelay $0x1  }
0x3f8: {  	v4 =	vadd.s32 $0xB00, v4  }
0x3f9: {  	v4 =	vbroadcast v4, $0x0  }
0x3fa: {  	[tilespmem:s24+$0xFFFFFF80] =	vst v5  }
0x3fb: {  	v5 =	vld [tilespmem:s23+$0x120];
	v4 =	vor.u32 v3, v4;
	_ =	sdelay $0x4  }
0x3fc: {  	[tilespmem:v4+s17+$0x0] =	vst.idx.msk $0xfff, v5  }
0x3fd: {  	v4 =	vld [tilespmem:s23+$0x180];
	_ =	sdelay $0x3  }
0x3fe: {  	s30 =	simm.s32 $0x7  }
0x3ff: {  	[tilespmem:s24+$0xFFFFFFF0] =	vst v4;
	v4 =	vmov s30  }
0x400: {  	v5 =	vld [tilespmem:s23+$0x190];
	v4 =	vshrl.u32 v4, $0x3  }
0x401: {  	v4 =	vmul.u32 $0xC00, v4;
	_ =	sdelay $0x1  }
0x402: {  	v4 =	vadd.s32 $0xB80, v4  }
0x403: {  	v6 =	vbroadcast v4, $0x0  }
0x404: {  	[tilespmem:s24+$0x0] =	vst v5  }
0x405: {  	s25 =	simm.s32 $0xF;
	v4 =	vld [tilespmem:s23+$0x1A0];
	v5 =	vor.u32 v3, v6  }
.LBB2_9:
0x406: {  	_ =	sdelay $0x3  }
0x407: {  	p0 =	sne.s32 s25, $0x4F;
	s24 =	sadd.s32 $0xC00, s24;
	s23 =	sadd.s32 $0x400, s23;
	[tilespmem:v5+s17+$0x0] =	vst.idx.msk $0xfff, v4  }
0x408: {  	s26 =	smov.u32 s25;
	s25 =	sadd.s32 $0x8, s25;
	v4 =	vld [tilespmem:s23+$0xFFFFFE00];
	_ =	sdelay $0x3  }
0x409: {  	s28 =	sadd.s32 $0xFFFFFFF9, s26  }
0x40a: {  	[tilespmem:s24+$0xFFFFFC70] =	vst v4;
	v4 =	vmov s28  }
0x40b: {  	v5 =	vld [tilespmem:s23+$0xFFFFFE10];
	v4 =	vshrl.u32 v4, $0x3  }
0x40c: {  	v4 =	vmul.u32 $0xC00, v4;
	_ =	sdelay $0x1  }
0x40d: {  	v4 =	vadd.s32 $0x800, v4  }
0x40e: {  	v4 =	vbroadcast v4, $0x0  }
0x40f: {  	[tilespmem:s24+$0xFFFFFC80] =	vst v5  }
0x410: {  	v5 =	vld [tilespmem:s23+$0xFFFFFE20];
	v4 =	vor.u32 v3, v4;
	_ =	sdelay $0x4  }
0x411: {  	[tilespmem:v4+s17+$0x0] =	vst.idx.msk $0xfff, v5  }
0x412: {  	v4 =	vld [tilespmem:s23+$0xFFFFFE80];
	_ =	sdelay $0x3  }
0x413: {  	s28 =	sadd.s32 $0xFFFFFFFA, s26  }
0x414: {  	[tilespmem:s24+$0xFFFFFCF0] =	vst v4;
	v4 =	vmov s28  }
0x415: {  	v5 =	vld [tilespmem:s23+$0xFFFFFE90];
	v4 =	vshrl.u32 v4, $0x3  }
0x416: {  	v4 =	vmul.u32 $0xC00, v4;
	_ =	sdelay $0x1  }
0x417: {  	v4 =	vadd.s32 $0x880, v4  }
0x418: {  	v4 =	vbroadcast v4, $0x0  }
0x419: {  	[tilespmem:s24+$0xFFFFFD00] =	vst v5  }
0x41a: {  	v5 =	vld [tilespmem:s23+$0xFFFFFEA0];
	v4 =	vor.u32 v3, v4;
	_ =	sdelay $0x4  }
0x41b: {  	[tilespmem:v4+s17+$0x0] =	vst.idx.msk $0xfff, v5  }
0x41c: {  	v4 =	vld [tilespmem:s23+$0xFFFFFF00];
	_ =	sdelay $0x3  }
0x41d: {  	s28 =	sadd.s32 $0xFFFFFFFB, s26  }
0x41e: {  	[tilespmem:s24+$0xFFFFFD70] =	vst v4;
	v4 =	vmov s28  }
0x41f: {  	v5 =	vld [tilespmem:s23+$0xFFFFFF10];
	v4 =	vshrl.u32 v4, $0x3  }
0x420: {  	v4 =	vmul.u32 $0xC00, v4;
	_ =	sdelay $0x1  }
0x421: {  	v4 =	vadd.s32 $0x900, v4  }
0x422: {  	v4 =	vbroadcast v4, $0x0  }
0x423: {  	[tilespmem:s24+$0xFFFFFD80] =	vst v5  }
0x424: {  	v5 =	vld [tilespmem:s23+$0xFFFFFF20];
	v4 =	vor.u32 v3, v4;
	_ =	sdelay $0x4  }
0x425: {  	[tilespmem:v4+s17+$0x0] =	vst.idx.msk $0xfff, v5  }
0x426: {  	v4 =	vld [tilespmem:s23+$0xFFFFFF80];
	_ =	sdelay $0x3  }
0x427: {  	s28 =	sadd.s32 $0xFFFFFFFC, s26  }
0x428: {  	[tilespmem:s24+$0xFFFFFDF0] =	vst v4;
	v4 =	vmov s28  }
0x429: {  	v5 =	vld [tilespmem:s23+$0xFFFFFF90];
	v4 =	vshrl.u32 v4, $0x3  }
0x42a: {  	v4 =	vmul.u32 $0xC00, v4;
	_ =	sdelay $0x1  }
0x42b: {  	v4 =	vadd.s32 $0x980, v4  }
0x42c: {  	v4 =	vbroadcast v4, $0x0  }
0x42d: {  	[tilespmem:s24+$0xFFFFFE00] =	vst v5  }
0x42e: {  	v5 =	vld [tilespmem:s23+$0xFFFFFFA0];
	v4 =	vor.u32 v3, v4;
	_ =	sdelay $0x4  }
0x42f: {  	[tilespmem:v4+s17+$0x0] =	vst.idx.msk $0xfff, v5  }
0x430: {  	v4 =	vld [tilespmem:s23+$0x0];
	_ =	sdelay $0x3  }
0x431: {  	s28 =	sadd.s32 $0xFFFFFFFD, s26  }
0x432: {  	[tilespmem:s24+$0xFFFFFE70] =	vst v4;
	v4 =	vmov s28  }
0x433: {  	v5 =	vld [tilespmem:s23+$0x10];
	v4 =	vshrl.u32 v4, $0x3  }
0x434: {  	v4 =	vmul.u32 $0xC00, v4;
	_ =	sdelay $0x1  }
0x435: {  	v4 =	vadd.s32 $0xA00, v4  }
0x436: {  	v4 =	vbroadcast v4, $0x0  }
0x437: {  	[tilespmem:s24+$0xFFFFFE80] =	vst v5  }
0x438: {  	v5 =	vld [tilespmem:s23+$0x20];
	v4 =	vor.u32 v3, v4;
	_ =	sdelay $0x4  }
0x439: {  	[tilespmem:v4+s17+$0x0] =	vst.idx.msk $0xfff, v5  }
0x43a: {  	v4 =	vld [tilespmem:s23+$0x80];
	_ =	sdelay $0x3  }
0x43b: {  	s28 =	sadd.s32 $0xFFFFFFFE, s26  }
0x43c: {  	[tilespmem:s24+$0xFFFFFEF0] =	vst v4;
	v4 =	vmov s28  }
0x43d: {  	v5 =	vld [tilespmem:s23+$0x90];
	v4 =	vshrl.u32 v4, $0x3  }
0x43e: {  	v4 =	vmul.u32 $0xC00, v4;
	_ =	sdelay $0x1  }
0x43f: {  	v4 =	vadd.s32 $0xA80, v4  }
0x440: {  	v4 =	vbroadcast v4, $0x0  }
0x441: {  	[tilespmem:s24+$0xFFFFFF00] =	vst v5  }
0x442: {  	v5 =	vld [tilespmem:s23+$0xA0];
	v4 =	vor.u32 v3, v4;
	_ =	sdelay $0x4  }
0x443: {  	[tilespmem:v4+s17+$0x0] =	vst.idx.msk $0xfff, v5  }
0x444: {  	v4 =	vld [tilespmem:s23+$0x100];
	_ =	sdelay $0x3  }
0x445: {  	s28 =	sadd.s32 $0xFFFFFFFF, s26  }
0x446: {  	[tilespmem:s24+$0xFFFFFF70] =	vst v4;
	v4 =	vmov s28  }
0x447: {  	v5 =	vld [tilespmem:s23+$0x110];
	v4 =	vshrl.u32 v4, $0x3  }
0x448: {  	v4 =	vmul.u32 $0xC00, v4;
	_ =	sdelay $0x1  }
0x449: {  	v4 =	vadd.s32 $0xB00, v4  }
0x44a: {  	v4 =	vbroadcast v4, $0x0  }
0x44b: {  	[tilespmem:s24+$0xFFFFFF80] =	vst v5  }
0x44c: {  	v5 =	vld [tilespmem:s23+$0x120];
	v4 =	vor.u32 v3, v4;
	_ =	sdelay $0x4  }
0x44d: {  	[tilespmem:v4+s17+$0x0] =	vst.idx.msk $0xfff, v5  }
0x44e: {  	v4 =	vld [tilespmem:s23+$0x180];
	_ =	sdelay $0x4  }
0x44f: {  	[tilespmem:s24+$0xFFFFFFF0] =	vst v4;
	v4 =	vmov s26  }
0x450: {  	v5 =	vld [tilespmem:s23+$0x190];
	v4 =	vshrl.u32 v4, $0x3  }
0x451: {  	v4 =	vmul.u32 $0xC00, v4  }
.Ltmp3:
0x452: {  	(pc) =	sbr.rel @p0 .LBB2_9-.Ltmp3, $4  }
0x453: {  	v4 =	vadd.s32 $0xB80, v4  }
0x454: {  	v6 =	vbroadcast v4, $0x0  }
0x455: {  	[tilespmem:s24+$0x0] =	vst v5  }
0x456: {  	v4 =	vld [tilespmem:s23+$0x1A0];
	v5 =	vor.u32 v3, v6  }
0x457: {  	_ =	sdelay $0x1  }
0x458: {  	s22 =	smul.u32 $0x180, s22;
	_ =	sdelay $0x1  }
0x459: {  	s22 =	sadd.s32 s6, s22;
	[tilespmem:v5+s17+$0x0] =	vst.idx.msk $0xfff, v4  }
0x45a: {  	[hbm4b:s22+s4] =	stream.linear.scatter [tilespmem:s17], [sflag:$0x6], $0x7800, $0x38;
	[tilespmem:$0x14400] =	vst v63  }
0x45b: {  	_ =	swait.ge [sflag:s14], $0x50  }
0x45c: {  	[sflag:s14] =	ssyncset.done $0x0  }
0x45d: {  	[sflag:s14] =	ssyncadd.s32 $0xFFFFFFB0  }
0x45e: {  	v4 =	vld [tilespmem:$0x0]  }
0x45f: {  	v5 =	vld [tilespmem:$0x10]  }
0x460: {  	v59 =	vld [tilespmem:$0x20]  }
0x461: {  	v60 =	vld [tilespmem:$0x40];
	_ =	sdelay $0x1  }
0x462: {  	[tilespmem:$0x100] =	vst v4  }
0x463: {  	[tilespmem:$0x110] =	vst v5  }
0x464: {  	[tilespmem:$0x120] =	vst v59  }
0x465: {  	v6 =	vadd.s32 $0x186A0, v4;
	v4 =	vadd.s32 $0x30D40, v4;
	[tilespmem:$0x140] =	vst v60;
	v8 =	vld [tilespmem:$0x100]  }
0x466: {  	[tilespmem:$0x300] =	vst v4;
	v4 =	vld [tilespmem:$0x30]  }
0x467: {  	v7 =	vadd.s32 $0x186A0, v5;
	v5 =	vadd.s32 $0x30D40, v5;
	[tilespmem:$0x200] =	vst v6  }
0x468: {  	[tilespmem:$0x310] =	vst v5;
	v5 =	vadd.s32 $0x186A0, v59  }
0x469: {  	[tilespmem:$0x220] =	vst v5;
	v5 =	vadd.s32 $0x30D40, v59  }
0x46a: {  	[tilespmem:$0x320] =	vst v5;
	v61 =	vperm.xlane v8, v0  }
0x46b: {  	v5 =	vadd.s32 $0x186A0, v4;
	[tilespmem:$0x130] =	vst v4  }
0x46c: {  	v4 =	vadd.s32 $0x30D40, v4;
	v62 =	vperm.xlane v8, v2;
	[tilespmem:$0x230] =	vst v5;
	v5 =	vadd.s32 v1, v61  }
0x46d: {  	[tilespmem:$0x330] =	vst v4;
	v4 =	vadd.s32 $0x186A0, v60  }
0x46e: {  	[tilespmem:$0x240] =	vst v4;
	v4 =	vadd.s32 v1, v62  }
0x46f: {  	v63 =	vadd.s32 $0x30D40, v60;
	[tilespmem:$0x210] =	vst v7  }
0x470: {  	[tilespmem:$0x340] =	vst v63  }
0x471: {  	[tilespmem:s15], [sflag:$0x3] =	stream.indirect_vreg.gather [hbm4b:s3+s4], $0x80, v5, vm0, $0xb8;
	[tilespmem:$0x14400] =	vst v63  }
0x472: {  	s23 =	simm.s32 $0x1000  }
0x473: {  	[tilespmem:s23], [sflag:$0x3] =	stream.indirect_vreg.gather [hbm4b:s3+s4], $0x80, v4, vm0, $0xb8;
	[tilespmem:$0x14400] =	vst v63  }
0x474: {  	v4 =	vld [tilespmem:$0x110];
	_ =	sdelay $0x4  }
0x475: {  	v5 =	vperm.xlane v4, v0;
	_ =	sdelay $0x1  }
0x476: {  	v4 =	vperm.xlane v4, v2;
	v5 =	vadd.s32 v1, v5;
	_ =	sdelay $0x1  }
0x477: {  	v4 =	vadd.s32 v1, v4;
	_ =	sdelay $0x1  }
0x478: {  	s24 =	simm.s32 $0x1C00  }
0x479: {  	[tilespmem:s24], [sflag:$0x3] =	stream.indirect_vreg.gather [hbm4b:s3+s4], $0x80, v5, vm0, $0xb8;
	[tilespmem:$0x14400] =	vst v63  }
0x47a: {  	s25 =	simm.s32 $0x2800  }
0x47b: {  	[tilespmem:s25], [sflag:$0x3] =	stream.indirect_vreg.gather [hbm4b:s3+s4], $0x80, v4, vm0, $0xb8;
	[tilespmem:$0x14400] =	vst v63  }
0x47c: {  	v4 =	vld [tilespmem:$0x120];
	_ =	sdelay $0x4  }
0x47d: {  	v5 =	vperm.xlane v4, v0;
	_ =	sdelay $0x1  }
0x47e: {  	v4 =	vperm.xlane v4, v2;
	v5 =	vadd.s32 v1, v5;
	_ =	sdelay $0x1  }
0x47f: {  	v4 =	vadd.s32 v1, v4;
	_ =	sdelay $0x1  }
0x480: {  	s26 =	simm.s32 $0x3400  }
0x481: {  	[tilespmem:s26], [sflag:$0x3] =	stream.indirect_vreg.gather [hbm4b:s3+s4], $0x80, v5, vm0, $0xb8;
	[tilespmem:$0x14400] =	vst v63  }
0x482: {  	s28 =	simm.s32 $0x4000  }
0x483: {  	[tilespmem:s28], [sflag:$0x3] =	stream.indirect_vreg.gather [hbm4b:s3+s4], $0x80, v4, vm0, $0xb8;
	[tilespmem:$0x14400] =	vst v63  }
0x484: {  	v4 =	vld [tilespmem:$0x130];
	_ =	sdelay $0x4  }
0x485: {  	v5 =	vperm.xlane v4, v0;
	_ =	sdelay $0x1  }
0x486: {  	v4 =	vperm.xlane v4, v2;
	v5 =	vadd.s32 v1, v5;
	_ =	sdelay $0x1  }
0x487: {  	v4 =	vadd.s32 v1, v4;
	_ =	sdelay $0x1  }
0x488: {  	s29 =	simm.s32 $0x4C00  }
0x489: {  	[tilespmem:s29], [sflag:$0x3] =	stream.indirect_vreg.gather [hbm4b:s3+s4], $0x80, v5, vm0, $0xb8;
	[tilespmem:$0x14400] =	vst v63  }
0x48a: {  	s30 =	simm.s32 $0x5800  }
0x48b: {  	[tilespmem:s30], [sflag:$0x3] =	stream.indirect_vreg.gather [hbm4b:s3+s4], $0x80, v4, vm0, $0xb8;
	[tilespmem:$0x14400] =	vst v63  }
0x48c: {  	v4 =	vld [tilespmem:$0x140];
	_ =	sdelay $0x4  }
0x48d: {  	v5 =	vperm.xlane v4, v0;
	_ =	sdelay $0x1  }
0x48e: {  	v4 =	vperm.xlane v4, v2;
	v5 =	vadd.s32 v1, v5;
	_ =	sdelay $0x1  }
0x48f: {  	v4 =	vadd.s32 v1, v4;
	_ =	sdelay $0x1  }
0x490: {  	s23 =	simm.s32 $0x6400  }
0x491: {  	[tilespmem:s23], [sflag:$0x3] =	stream.indirect_vreg.gather [hbm4b:s3+s4], $0x80, v5, vm0, $0xb8;
	[tilespmem:$0x14400] =	vst v63  }
0x492: {  	s24 =	simm.s32 $0x7000  }
0x493: {  	[tilespmem:s24], [sflag:$0x3] =	stream.indirect_vreg.gather [hbm4b:s3+s4], $0x80, v4, vm0, $0xb8;
	[tilespmem:$0x14400] =	vst v63  }
0x494: {  	v4 =	vld [tilespmem:$0x200];
	_ =	sdelay $0x4  }
0x495: {  	v5 =	vperm.xlane v4, v0;
	_ =	sdelay $0x1  }
0x496: {  	v4 =	vperm.xlane v4, v2;
	v5 =	vadd.s32 v1, v5;
	_ =	sdelay $0x1  }
0x497: {  	v4 =	vadd.s32 v1, v4;
	_ =	sdelay $0x1  }
0x498: {  	s25 =	simm.s32 $0x800  }
0x499: {  	[tilespmem:s25], [sflag:$0x3] =	stream.indirect_vreg.gather [hbm4b:s3+s4], $0x80, v5, vm0, $0xb8;
	[tilespmem:$0x14400] =	vst v63  }
0x49a: {  	s26 =	simm.s32 $0x1400  }
0x49b: {  	[tilespmem:s26], [sflag:$0x3] =	stream.indirect_vreg.gather [hbm4b:s3+s4], $0x80, v4, vm0, $0xb8;
	[tilespmem:$0x14400] =	vst v63  }
0x49c: {  	v4 =	vld [tilespmem:$0x210];
	_ =	sdelay $0x4  }
0x49d: {  	v5 =	vperm.xlane v4, v0;
	_ =	sdelay $0x1  }
0x49e: {  	v4 =	vperm.xlane v4, v2;
	v5 =	vadd.s32 v1, v5;
	_ =	sdelay $0x1  }
0x49f: {  	v4 =	vadd.s32 v1, v4;
	_ =	sdelay $0x1  }
0x4a0: {  	s28 =	simm.s32 $0x2000  }
0x4a1: {  	[tilespmem:s28], [sflag:$0x3] =	stream.indirect_vreg.gather [hbm4b:s3+s4], $0x80, v5, vm0, $0xb8;
	[tilespmem:$0x14400] =	vst v63  }
0x4a2: {  	s29 =	simm.s32 $0x2C00  }
0x4a3: {  	[tilespmem:s29], [sflag:$0x3] =	stream.indirect_vreg.gather [hbm4b:s3+s4], $0x80, v4, vm0, $0xb8;
	[tilespmem:$0x14400] =	vst v63  }
0x4a4: {  	v4 =	vld [tilespmem:$0x220];
	_ =	sdelay $0x4  }
0x4a5: {  	v5 =	vperm.xlane v4, v0;
	_ =	sdelay $0x1  }
0x4a6: {  	v4 =	vperm.xlane v4, v2;
	v5 =	vadd.s32 v1, v5;
	_ =	sdelay $0x1  }
0x4a7: {  	v4 =	vadd.s32 v1, v4;
	_ =	sdelay $0x1  }
0x4a8: {  	s30 =	simm.s32 $0x3800  }
0x4a9: {  	[tilespmem:s30], [sflag:$0x3] =	stream.indirect_vreg.gather [hbm4b:s3+s4], $0x80, v5, vm0, $0xb8;
	[tilespmem:$0x14400] =	vst v63  }
0x4aa: {  	_ = 	snop  }
0x4ab: {  	[tilespmem:s31], [sflag:$0x3] =	stream.indirect_vreg.gather [hbm4b:s3+s4], $0x80, v4, vm0, $0xb8;
	[tilespmem:$0x14400] =	vst v63  }
0x4ac: {  	v4 =	vld [tilespmem:$0x230];
	_ =	sdelay $0x4  }
0x4ad: {  	v5 =	vperm.xlane v4, v0;
	_ =	sdelay $0x1  }
0x4ae: {  	v4 =	vperm.xlane v4, v2;
	v5 =	vadd.s32 v1, v5;
	_ =	sdelay $0x1  }
0x4af: {  	v4 =	vadd.s32 v1, v4;
	_ =	sdelay $0x2  }
0x4b0: {  	[tilespmem:s2], [sflag:$0x3] =	stream.indirect_vreg.gather [hbm4b:s3+s4], $0x80, v5, vm0, $0xb8;
	[tilespmem:$0x14400] =	vst v63  }
0x4b1: {  	_ = 	snop  }
0x4b2: {  	[tilespmem:s0], [sflag:$0x3] =	stream.indirect_vreg.gather [hbm4b:s3+s4], $0x80, v4, vm0, $0xb8;
	[tilespmem:$0x14400] =	vst v63  }
0x4b3: {  	v4 =	vld [tilespmem:$0x240];
	_ =	sdelay $0x4  }
0x4b4: {  	v5 =	vperm.xlane v4, v0;
	_ =	sdelay $0x1  }
0x4b5: {  	v5 =	vadd.s32 v1, v5  }
0x4b6: {  	v4 =	vperm.xlane v4, v2;
	_ =	sdelay $0x1  }
0x4b7: {  	s21 =	sadd.s32 $0x1, s21;
	v4 =	vadd.s32 v1, v4  }
0x4b8: {  	p0 =	sne.s32 s21, $0xA0  }
0x4b9: {  	[tilespmem:s8], [sflag:$0x3] =	stream.indirect_vreg.gather [hbm4b:s3+s4], $0x80, v5, vm0, $0xb8;
	[tilespmem:$0x14400] =	vst v63  }
.Ltmp4:
0x4ba: {  	_ = 	snop;
	(pc) =	sbr.rel @p0 .LBB2_6-.Ltmp4, $4  }
0x4bb: {  	_ = 	snop  }
0x4bc: {  	[tilespmem:s9], [sflag:$0x3] =	stream.indirect_vreg.gather [hbm4b:s3+s4], $0x80, v4, vm0, $0xb8;
	[tilespmem:$0x14400] =	vst v63  }
0x4bd: {  	_ = 	snop  }
0x4be: {  	[tilespmem:s12], [sflag:$0x3] =	stream.indirect.gather [hbm4b:s3+s10], $0x80, s11, s10, $0xb8;
	[tilespmem:$0x14400] =	vst v63  }
0x4bf: {  	_ =	swait.ge [sflag:s7], $0x2800  }
0x4c0: {  	[sflag:s7] =	ssyncset.done $0x0  }
0x4c1: {  	[sflag:s7] =	ssyncadd.s32 $0xFFFFD800  }
0x4c2: {  	_ =	swait.ge [sflag:s7], $0x2800  }
0x4c3: {  	[sflag:s7] =	ssyncset.done $0x0  }
0x4c4: {  	[sflag:s7] =	ssyncadd.s32 $0xFFFFD800  }
0x4c5: {  	_ =	swait.ge [sflag:s7], $0x2800  }
0x4c6: {  	[sflag:s7] =	ssyncset.done $0x0  }
0x4c7: {  	[sflag:s7] =	ssyncadd.s32 $0xFFFFD800  }
0x4c8: {  	_ =	swait.ge [sflag:s20], $0x7800  }
0x4c9: {  	s22 =	rddreg [dreg:$0xa]  }
0x4ca: {  	s21 =	rddreg [dreg:$0x9];
	s22 =	sadd.s32 $0x1, s22  }
0x4cb: {  	p0 =	sne.s32 s22, s21  }
.Ltmp5:
0x4cc: {  	_ = 	snop;
	(pc) =	sbr.rel @p0 .LBB2_1-.Ltmp5, $3  }
0x4cd: {  	_ =	sdelay $0x1  }
0x4ce: {  	[sflag:s20] =	ssyncset.done $0x0  }
0x4cf: {  	[sflag:s20] =	ssyncadd.s32 $0xFFFF8800  }
0x4d0: {  	_ =	sfence.sel $0x180000  }
0x4d1: {  	[bflag:$0x0] =	sbarrier.arrive $0xFFFF  }
0x4d2: {  	_ =	strace $0x90000047  }
0x4d3: {  	s0 =	stileid.u32;
	[bflag:$0x2] =	sbarrier.arrive $0xFFFF  }
0x4d4: {  	p0 =	sne.s32 s0, $0x0;
	s0 =	rddreg [dreg:$0x3]  }
0x4d5: {  	s0 =	sadd.s32 @!p0 $0x100000, s0  }
0x4d6: {  	[sflag:s0] =	ssyncadd.tile.s32 @!p0 $0x1;
	_ =	shalt  }
.Lfunc_end2:
_tile_overlayer_lowered:
.L_overlay_start_2:
0x4d7: {  	(tag) =	ssettag $0x2  }
0x4d8: {  	s0 =	rddreg [dreg:$0x0];
	s2 =	stileid.u32  }
0x4d9: {  	s1 =	rddreg [dreg:$0x1];
	p0 =	sne.s32 s2, $0x0  }
0x4da: {  	s3 =	rddreg [dreg:$0x2];
	[bflag:$0x3] =	sbarrier.arrive $0xFFFF;
	s2 =	simm.s32 @!p0 $0x1C07  }
0x4db: {  	[timem:s3], [sflag:s2] =	dma.local @!p0 [hbm:s0], s1  }
0x4dc: {  	s0 =	simm.s32 @!p0 $0x7  }
0x4dd: {  	_ =	swait.ge @!p0 [sflag:s0], s1  }
0x4de: {  	s1 =	ssub.s32 @!p0 $0x0, s1;
	[sflag:s0] =	ssyncset.done @!p0 $0x0  }
0x4df: {  	[sflag:s0] =	ssyncadd.s32 @!p0 s1  }
0x4e0: {  	[bflag:$0x3] =	sbarrier.arrive $0xFFFF  }
0x4e1: {  	_ =	shalt  }

</sc_bundles>
